<compile_context>
chip_gen: v7x
topology: tpu7x:2x2x1
jax: 0.10.2.dev20260603
libtpu: 0.0.44.dev20260713+nightly
codegen_flags: <defaults>
</compile_context>

<pallas_src>
import functools

import jax
import jax.numpy as jnp
from jax import lax
from jax.experimental import pallas as pl
from jax.experimental.pallas import tpu as pltpu
from jax.experimental.pallas import tpu_sc as plsc

_B, _T = 128, 4096
_K = 409
_NC, _NS, _L = 2, 16, 16
_NW = _NC * _NS
_RPW = _B // _NW
_NCHUNK = _T // _L
_NBKT = 128
_HROW = _NBKT * _L
_NGRP = _NBKT // _L
_SCALE = 127.99
_MARGIN = 1.0
_MILW, _SMW, _SPW = 1.0, 0.1, 0.01


def _gather16(v, idx):
    dn = lax.GatherDimensionNumbers(
        offset_dims=(), collapsed_slice_dims=(0,), start_index_map=(0,))
    return lax.gather(v, idx[:, None], dn, slice_sizes=(1,),
                      mode=lax.GatherScatterMode.PROMISE_IN_BOUNDS)


def _tree_sum(vs):
    while len(vs) > 1:
        vs = [a + b for a, b in zip(vs[::2], vs[1::2])]
    return vs[0]


def _sc_stage(clip_scores, labels):
    mesh = plsc.VectorSubcoreMesh(core_axis_name="c", subcore_axis_name="s")

    @functools.partial(
        pl.kernel,
        mesh=mesh,
        out_type=[jax.ShapeDtypeStruct((_NW, _L), jnp.float32),
                  jax.ShapeDtypeStruct((_NW, _L), jnp.float32)],
        compiler_params=pltpu.CompilerParams(needs_layout_passes=False),
        scratch_types=[
            pltpu.VMEM((_RPW, _T), jnp.float32),
            pltpu.VMEM((_RPW * _HROW,), jnp.int32),
            pltpu.VMEM((_RPW * _HROW,), jnp.float32),
            pltpu.VMEM((_B + _L,), jnp.int32),
            pltpu.VMEM((_L,), jnp.float32),
            pltpu.VMEM((_L,), jnp.float32),
            pltpu.SemaphoreType.DMA,
            pltpu.SemaphoreType.DMA,
        ],
    )
    def body(x_hbm, lab_hbm, out1_hbm, out2_hbm, xv, histc, hists, labv,
             o1v, o2v, sem, lsem):
        wid = lax.axis_index("s") * _NC + lax.axis_index("c")
        r0 = wid * _RPW
        cp = pltpu.async_copy(x_hbm.at[pl.ds(r0, _RPW)], xv, sem)
        lcp = pltpu.async_copy(lab_hbm, labv.at[pl.ds(0, _B)], lsem)

        lane = lax.iota(jnp.int32, 16)
        zeros_f = jnp.zeros((16,), jnp.float32)
        zeros_i = jnp.zeros((16,), jnp.int32)
        ones_i = jnp.ones((16,), jnp.int32)
        kk = jnp.int32(_K)
        basef = [(lane * _NBKT + r * _HROW).astype(jnp.float32)
                 for r in range(_RPW)]

        def zbody(j, _):
            for r in range(_RPW):
                histc[pl.ds(r * _HROW + j * 16, 16)] = zeros_i
                hists[pl.ds(r * _HROW + j * 16, 16)] = zeros_f
            return 0

        lax.fori_loop(0, _NBKT, zbody, 0)
        cp.wait()

        def chunk(i, ss, sq, nss, nsq):
            for r in range(_RPW):
                v = xv[r, pl.ds(i * 16, 16)]
                vp = xv[r, pl.ds(i * 16 - 1, 16)]
                a = (v * _SCALE + basef[r]).astype(jnp.int32)
                plsc.addupdate_scatter(histc, [a], ones_i)
                plsc.addupdate_scatter(hists, [a], v)
                d = v - vp
                nss.append(ss[r] + v)
                nsq.append(sq[r] + d * d)

        ss, sq = [], []
        shift_idx = jnp.maximum(lane - 1, 0)
        for r in range(_RPW):
            v = xv[r, pl.ds(0, 16)]
            a = (v * _SCALE + basef[r]).astype(jnp.int32)
            plsc.addupdate_scatter(histc, [a], ones_i)
            plsc.addupdate_scatter(hists, [a], v)
            d = jnp.where(lane == 0, 0.0, v - _gather16(v, shift_idx))
            ss.append(v)
            sq.append(d * d)

        def p0(i, carry):
            ss, sq = carry
            a_ss, a_sq = [], []
            chunk(1 + 2 * i, ss, sq, a_ss, a_sq)
            b_ss, b_sq = [], []
            chunk(2 + 2 * i, a_ss, a_sq, b_ss, b_sq)
            return (tuple(b_ss), tuple(b_sq))

        ss, sq = lax.fori_loop(0, 127, p0, (tuple(ss), tuple(sq)))
        ss, sq = list(ss), list(sq)
        nss, nsq = [], []
        chunk(_NCHUNK - 1, ss, sq, nss, nsq)
        ss, sq = nss, nsq

        def gbody(gg, carry):
            g = _NGRP - 1 - gg
            outs = []
            for r in range(_RPW):
                ac, asum, selc, sels, cselv, sselv = carry[r]
                totc = _tree_sum(
                    [histc[pl.ds(r * _HROW + l * _NBKT + g * 16, 16)]
                     for l in range(_L)])
                tots = _tree_sum(
                    [hists[pl.ds(r * _HROW + l * _NBKT + g * 16, 16)]
                     for l in range(_L)])
                s_c = jnp.sum(totc)
                s_s = jnp.sum(tots)
                gtc = s_c - plsc.cumsum(totc)
                gts = s_s - plsc.cumsum(tots)
                tac = ac + gtc
                hit = jnp.logical_and(tac < kk, tac + totc >= kk)
                selc = selc + jnp.where(hit, tac, 0)
                sels = sels + jnp.where(hit, asum + gts, 0.0)
                cselv = cselv + jnp.where(hit, totc, 0)
                sselv = sselv + jnp.where(hit, tots, 0.0)
                outs.append((ac + s_c, asum + s_s, selc, sels, cselv,
                             sselv))
            return tuple(outs)

        init = tuple((jnp.int32(0), jnp.float32(0.0), zeros_i, zeros_f,
                      zeros_i, zeros_f) for _ in range(_RPW))
        scan = lax.fori_loop(0, _NGRP, gbody, init)

        lcp.wait()
        lv = labv[pl.ds(r0, 16)].astype(jnp.float32)
        lab_idx = jnp.maximum(lane - 12, 0)
        o1 = jnp.where(lane >= 12, _gather16(lv, lab_idx), 0.0)
        o2 = jnp.zeros((16,), jnp.float32)
        for r in range(_RPW):
            _, _, selc_v, sels_v, csel_v, ssel_v = scan[r]
            o1 = jnp.where(lane == r, jnp.sum(ss[r]), o1)
            o1 = jnp.where(lane == 4 + r, jnp.sum(sq[r]), o1)
            o1 = jnp.where(lane == 8 + r, jnp.sum(sels_v), o1)
            o2 = jnp.where(lane == r, jnp.sum(selc_v).astype(jnp.float32),
                           o2)
            o2 = jnp.where(lane == 4 + r,
                           jnp.sum(csel_v).astype(jnp.float32), o2)
            o2 = jnp.where(lane == 8 + r, jnp.sum(ssel_v), o2)
        o1v[...] = o1
        o2v[...] = o2
        pltpu.sync_copy(o1v, out1_hbm.at[wid])
        pltpu.sync_copy(o2v, out2_hbm.at[wid])

    return body(clip_scores, labels)


def _tc_stage(p1, p2):

    def tc_body(p1_ref, p2_ref, t_ref, m_ref, sm_ref, sp_ref):
        q1 = p1_ref[...]
        q2 = p2_ref[...]
        ssum = q1[:, 0:4]
        sqsum = q1[:, 4:8]
        sels = q1[:, 8:12]
        lab = q1[:, 12:16]
        selc = q2[:, 0:4]
        csel = jnp.maximum(q2[:, 4:8], 1.0)
        ssel = q2[:, 8:12]
        t = float(_K) - selc
        mean = ssel / csel
        topt = t * mean + (0.5 / _SCALE) * t * (csel - t) / csel
        vs = (sels + topt) * (1.0 / _K)
        a = (lab == 1.0).astype(jnp.float32)
        n = (lab == 0.0).astype(jnp.float32)
        pa = jnp.sum(vs * a)
        pn = jnp.sum(vs * n)
        na = jnp.sum(a)
        nn = jnp.sum(n)
        mil = jnp.where(
            na * nn > 0,
            _MARGIN - pa / jnp.maximum(na, 1.0) + pn / jnp.maximum(nn, 1.0),
            0.0)
        spars = jnp.sum(ssum) / float(_B * _T)
        smooth = jnp.sum(sqsum) / float(_B * (_T - 1))
        total = _MILW * mil + _SMW * smooth + _SPW * spars
        t_ref[...] = jnp.full((1, 1), 0.0) + total
        m_ref[...] = jnp.full((1, 1), 0.0) + mil
        sm_ref[...] = jnp.full((1, 1), 0.0) + smooth
        sp_ref[...] = jnp.full((1, 1), 0.0) + spars

    s = jax.ShapeDtypeStruct((1, 1), jnp.float32)
    return pl.pallas_call(tc_body, out_shape=[s, s, s, s])(p1, p2)


def kernel(clip_scores, labels, mask):
    del mask
    p1, p2 = _sc_stage(clip_scores, labels)
    t, m, sm, sp = _tc_stage(p1, p2)
    return (t[0, 0], m[0, 0], sm[0, 0], sp[0, 0])

# --- scband reference (transcript-rebuilt; emitter-appended) ---
"""Pipeline reference for scband-causal-vadloss-77988016161246 (READ-ONLY COPY).

The authoritative reference and input builder live on the scoring server;
editing this copy changes nothing except your own understanding.
"""

import jax, jax.numpy as jnp
import numpy as np

MIL_WEIGHT = 1.0
SMOOTHNESS_WEIGHT = 0.1
SPARSITY_WEIGHT = 0.01
MARGIN = 1.0
TOPK_RATIO = 0.1


def setup_inputs(seed: int = 0) -> dict:
    key = jax.random.key(seed)
    k1, k2 = jax.random.split(key)
    B, T = 128, 4096
    clip_scores = jax.random.uniform(k1, (B, T), dtype=jnp.float32)
    labels = jax.random.randint(k2, (B,), 0, 2, dtype=jnp.int32)
    mask = jnp.ones((B, T), dtype=jnp.float32)
    return {"clip_scores": clip_scores, "labels": labels, "mask": mask}


def reference(clip_scores, labels, mask):
    B, T = clip_scores.shape
    if mask is not None:
        clip_scores = clip_scores * mask
    k = max(1, int(T * TOPK_RATIO))
    topk_scores, _ = jax.lax.top_k(clip_scores, k)
    video_scores = jnp.mean(topk_scores, axis=1)

    a_mask = (labels == 1).astype(jnp.float32)
    n_mask = (labels == 0).astype(jnp.float32)
    pair_mask = a_mask[:, None] * n_mask[None, :]
    pair_count = jnp.sum(pair_mask)

    a = video_scores[:, None]
    n = video_scores[None, :]
    hinge = jax.nn.relu(MARGIN - a + n) * pair_mask
    mil_loss = jnp.where(
        pair_count > 0,
        jnp.sum(hinge) / jnp.maximum(pair_count, 1.0),
        jnp.asarray(0.0, dtype=jnp.float32),
    )

    diff = clip_scores[:, 1:] - clip_scores[:, :-1]
    smoothness_loss = jnp.mean(diff ** 2)
    sparsity_loss = jnp.mean(clip_scores)

    total = (MIL_WEIGHT * mil_loss
             + SMOOTHNESS_WEIGHT * smoothness_loss
             + SPARSITY_WEIGHT * sparsity_loss)
    return (total, mil_loss, smoothness_loss, sparsity_loss)

if __name__ == "__main__":
    import jax
    _d = setup_inputs()
    print(jax.jit(kernel)(*tuple(_d.values())))

</pallas_src>

<mosaic_0001>
#map = affine_map<(d0, d1) -> (0, 0)>
#map1 = affine_map<(d0, d1) -> (0)>
module attributes {stable_mosaic.version = 14 : i64} {
  func.func @body(%arg0: i32, %arg1: i32, %arg2: memref<128x4096xf32, #tpu.memory_space<hbm>>, %arg3: memref<128xi32, #tpu.memory_space<hbm>>, %arg4: memref<32x16xf32, #tpu.memory_space<hbm>>, %arg5: memref<32x16xf32, #tpu.memory_space<hbm>>, %arg6: memref<4x4096xf32, #tpu.memory_space<vmem>>, %arg7: memref<8192xi32, #tpu.memory_space<vmem>>, %arg8: memref<8192xf32, #tpu.memory_space<vmem>>, %arg9: memref<144xi32, #tpu.memory_space<vmem>>, %arg10: memref<16xf32, #tpu.memory_space<vmem>>, %arg11: memref<16xf32, #tpu.memory_space<vmem>>, %arg12: memref<!tpu.dma_semaphore, #tpu.memory_space<semaphore_mem>>, %arg13: memref<!tpu.dma_semaphore, #tpu.memory_space<semaphore_mem>>) attributes {dimension_semantics = [#tpu.dimension_semantics<core_parallel>, #tpu.dimension_semantics<subcore_parallel>], iteration_bounds = array<i64: 2, 16>, scalar_prefetch = 0 : i64, scratch_operands = 8 : i64, tpu.core_type = #tpu.core_type<sc_vector_subcore>, window_params = [{transform_indices = #map}, {transform_indices = #map1}, {transform_indices = #map}, {transform_indices = #map}]} {
    %mul3A = arith.constant 2 : i32
    %mul3A_0 = arith.muli %arg1, %mul3A : i32
    %add3A = arith.addi %mul3A_0, %arg0 : i32
    %mul3A_1 = arith.constant 4 : i32
    %mul3A_2 = arith.muli %add3A, %mul3A_1 : i32
    %dma_start3A = arith.constant 0 : i32
    %dma_start3A_3 = tpu.memref_slice %arg2[%mul3A_2, %dma_start3A] : memref<128x4096xf32, #tpu.memory_space<hbm>> -> memref<4x4096xf32, #tpu.memory_space<hbm>>
    %dma_start3A_4 = arith.constant 0 : i32
    %dma_start3A_5 = tpu.memref_slice %arg2[%mul3A_2, %dma_start3A_4] : memref<128x4096xf32, #tpu.memory_space<hbm>> -> memref<4x4096xf32, #tpu.memory_space<hbm>>
    tpu.enqueue_dma source(%dma_start3A_5 : memref<4x4096xf32, #tpu.memory_space<hbm>>) target(%arg6 : memref<4x4096xf32, #tpu.memory_space<vmem>>) target_semaphore(%arg12 : memref<!tpu.dma_semaphore, #tpu.memory_space<semaphore_mem>>)
    %dma_start3A_6 = arith.constant 0 : i32
    %dma_start3A_7 = tpu.memref_slice %arg9[%dma_start3A_6] : memref<144xi32, #tpu.memory_space<vmem>> -> memref<128xi32, #tpu.memory_space<vmem>>
    %dma_start3A_8 = arith.constant 0 : i32
    %dma_start3A_9 = tpu.memref_slice %arg9[%dma_start3A_8] : memref<144xi32, #tpu.memory_space<vmem>> -> memref<128xi32, #tpu.memory_space<vmem>>
    tpu.enqueue_dma source(%arg3 : memref<128xi32, #tpu.memory_space<hbm>>) target(%dma_start3A_9 : memref<128xi32, #tpu.memory_space<vmem>>) target_semaphore(%arg13 : memref<!tpu.dma_semaphore, #tpu.memory_space<semaphore_mem>>)
    %iota3A = tpu.iota {dimensions = array<i32: 0>} : vector<16xi32>
    %broadcast_in_dim3A = arith.constant 0.000000e+00 : f32
    %broadcast_in_dim3A_10 = vector.broadcast %broadcast_in_dim3A : f32 to vector<16xf32>
    %broadcast_in_dim3A_11 = arith.constant 0 : i32
    %broadcast_in_dim3A_12 = vector.broadcast %broadcast_in_dim3A_11 : i32 to vector<16xi32>
    %broadcast_in_dim3A_13 = arith.constant 1 : i32
    %broadcast_in_dim3A_14 = vector.broadcast %broadcast_in_dim3A_13 : i32 to vector<16xi32>
    %mul3A_15 = arith.constant 128 : i32
    %mul3A_16 = vector.broadcast %mul3A_15 : i32 to vector<16xi32>
    %mul3A_17 = arith.muli %iota3A, %mul3A_16 : vector<16xi32>
    %add3A_18 = arith.constant 0 : i32
    %add3A_19 = vector.broadcast %add3A_18 : i32 to vector<16xi32>
    %add3A_20 = arith.addi %mul3A_17, %add3A_19 : vector<16xi32>
    %convert_element_type3A = arith.sitofp %add3A_20 : vector<16xi32> to vector<16xf32>
    %mul3A_21 = arith.constant 128 : i32
    %mul3A_22 = vector.broadcast %mul3A_21 : i32 to vector<16xi32>
    %mul3A_23 = arith.muli %iota3A, %mul3A_22 : vector<16xi32>
    %add3A_24 = arith.constant 2048 : i32
    %add3A_25 = vector.broadcast %add3A_24 : i32 to vector<16xi32>
    %add3A_26 = arith.addi %mul3A_23, %add3A_25 : vector<16xi32>
    %convert_element_type3A_27 = arith.sitofp %add3A_26 : vector<16xi32> to vector<16xf32>
    %mul3A_28 = arith.constant 128 : i32
    %mul3A_29 = vector.broadcast %mul3A_28 : i32 to vector<16xi32>
    %mul3A_30 = arith.muli %iota3A, %mul3A_29 : vector<16xi32>
    %add3A_31 = arith.constant 4096 : i32
    %add3A_32 = vector.broadcast %add3A_31 : i32 to vector<16xi32>
    %add3A_33 = arith.addi %mul3A_30, %add3A_32 : vector<16xi32>
    %convert_element_type3A_34 = arith.sitofp %add3A_33 : vector<16xi32> to vector<16xf32>
    %mul3A_35 = arith.constant 128 : i32
    %mul3A_36 = vector.broadcast %mul3A_35 : i32 to vector<16xi32>
    %mul3A_37 = arith.muli %iota3A, %mul3A_36 : vector<16xi32>
    %add3A_38 = arith.constant 6144 : i32
    %add3A_39 = vector.broadcast %add3A_38 : i32 to vector<16xi32>
    %add3A_40 = arith.addi %mul3A_37, %add3A_39 : vector<16xi32>
    %convert_element_type3A_41 = arith.sitofp %add3A_40 : vector<16xi32> to vector<16xf32>
    %scan3A = arith.constant 0 : i32
    %scan3A_42 = arith.constant 0 : i32
    %scan3A_43 = arith.constant 128 : i32
    %scan3A_44 = arith.addi %scan3A_42, %scan3A_43 : i32
    %scan3A_45 = arith.constant 1 : i32
    %scan3A_46 = scf.for %scan3A_468 = %scan3A_42 to %scan3A_44 step %scan3A_45 iter_args(%scan3A_469 = %scan3A) -> (i32)  : i32 {
      %mul3A_470 = arith.constant 16 : i32
      %mul3A_471 = arith.muli %scan3A_468, %mul3A_470 : i32
      %add3A_472 = arith.constant 0 : i32
      %add3A_473 = arith.addi %add3A_472, %mul3A_471 : i32
      %swap3A_474 = arith.index_cast %add3A_473 : i32 to index
      %swap3A_475 = tpu.vector_load %arg7[%swap3A_474] {strides = array<i32>} : memref<8192xi32, #tpu.memory_space<vmem>>, vector<16xi32>,
      tpu.vector_store %arg7[%swap3A_474], %broadcast_in_dim3A_12 {strides = array<i32>} : memref<8192xi32, #tpu.memory_space<vmem>>, vector<16xi32>,
      %mul3A_476 = arith.constant 16 : i32
      %mul3A_477 = arith.muli %scan3A_468, %mul3A_476 : i32
      %add3A_478 = arith.constant 0 : i32
      %add3A_479 = arith.addi %add3A_478, %mul3A_477 : i32
      %swap3A_480 = arith.index_cast %add3A_479 : i32 to index
      %swap3A_481 = tpu.vector_load %arg8[%swap3A_480] {strides = array<i32>} : memref<8192xf32, #tpu.memory_space<vmem>>, vector<16xf32>,
      tpu.vector_store %arg8[%swap3A_480], %broadcast_in_dim3A_10 {strides = array<i32>} : memref<8192xf32, #tpu.memory_space<vmem>>, vector<16xf32>,
      %mul3A_482 = arith.constant 16 : i32
      %mul3A_483 = arith.muli %scan3A_468, %mul3A_482 : i32
      %add3A_484 = arith.constant 2048 : i32
      %add3A_485 = arith.addi %add3A_484, %mul3A_483 : i32
      %swap3A_486 = arith.index_cast %add3A_485 : i32 to index
      %swap3A_487 = tpu.vector_load %arg7[%swap3A_486] {strides = array<i32>} : memref<8192xi32, #tpu.memory_space<vmem>>, vector<16xi32>,
      tpu.vector_store %arg7[%swap3A_486], %broadcast_in_dim3A_12 {strides = array<i32>} : memref<8192xi32, #tpu.memory_space<vmem>>, vector<16xi32>,
      %mul3A_488 = arith.constant 16 : i32
      %mul3A_489 = arith.muli %scan3A_468, %mul3A_488 : i32
      %add3A_490 = arith.constant 2048 : i32
      %add3A_491 = arith.addi %add3A_490, %mul3A_489 : i32
      %swap3A_492 = arith.index_cast %add3A_491 : i32 to index
      %swap3A_493 = tpu.vector_load %arg8[%swap3A_492] {strides = array<i32>} : memref<8192xf32, #tpu.memory_space<vmem>>, vector<16xf32>,
      tpu.vector_store %arg8[%swap3A_492], %broadcast_in_dim3A_10 {strides = array<i32>} : memref<8192xf32, #tpu.memory_space<vmem>>, vector<16xf32>,
      %mul3A_494 = arith.constant 16 : i32
      %mul3A_495 = arith.muli %scan3A_468, %mul3A_494 : i32
      %add3A_496 = arith.constant 4096 : i32
      %add3A_497 = arith.addi %add3A_496, %mul3A_495 : i32
      %swap3A_498 = arith.index_cast %add3A_497 : i32 to index
      %swap3A_499 = tpu.vector_load %arg7[%swap3A_498] {strides = array<i32>} : memref<8192xi32, #tpu.memory_space<vmem>>, vector<16xi32>,
      tpu.vector_store %arg7[%swap3A_498], %broadcast_in_dim3A_12 {strides = array<i32>} : memref<8192xi32, #tpu.memory_space<vmem>>, vector<16xi32>,
      %mul3A_500 = arith.constant 16 : i32
      %mul3A_501 = arith.muli %scan3A_468, %mul3A_500 : i32
      %add3A_502 = arith.constant 4096 : i32
      %add3A_503 = arith.addi %add3A_502, %mul3A_501 : i32
      %swap3A_504 = arith.index_cast %add3A_503 : i32 to index
      %swap3A_505 = tpu.vector_load %arg8[%swap3A_504] {strides = array<i32>} : memref<8192xf32, #tpu.memory_space<vmem>>, vector<16xf32>,
      tpu.vector_store %arg8[%swap3A_504], %broadcast_in_dim3A_10 {strides = array<i32>} : memref<8192xf32, #tpu.memory_space<vmem>>, vector<16xf32>,
      %mul3A_506 = arith.constant 16 : i32
      %mul3A_507 = arith.muli %scan3A_468, %mul3A_506 : i32
      %add3A_508 = arith.constant 6144 : i32
      %add3A_509 = arith.addi %add3A_508, %mul3A_507 : i32
      %swap3A_510 = arith.index_cast %add3A_509 : i32 to index
      %swap3A_511 = tpu.vector_load %arg7[%swap3A_510] {strides = array<i32>} : memref<8192xi32, #tpu.memory_space<vmem>>, vector<16xi32>,
      tpu.vector_store %arg7[%swap3A_510], %broadcast_in_dim3A_12 {strides = array<i32>} : memref<8192xi32, #tpu.memory_space<vmem>>, vector<16xi32>,
      %mul3A_512 = arith.constant 16 : i32
      %mul3A_513 = arith.muli %scan3A_468, %mul3A_512 : i32
      %add3A_514 = arith.constant 6144 : i32
      %add3A_515 = arith.addi %add3A_514, %mul3A_513 : i32
      %swap3A_516 = arith.index_cast %add3A_515 : i32 to index
      %swap3A_517 = tpu.vector_load %arg8[%swap3A_516] {strides = array<i32>} : memref<8192xf32, #tpu.memory_space<vmem>>, vector<16xf32>,
      tpu.vector_store %arg8[%swap3A_516], %broadcast_in_dim3A_10 {strides = array<i32>} : memref<8192xf32, #tpu.memory_space<vmem>>, vector<16xf32>,
      %scan3A_518 = arith.constant 0 : i32
      scf.yield %scan3A_518 : i32
    }
    %scan3A_47 = arith.constant 128 : i32
    %dma_wait3A = arith.constant 0 : i32
    %dma_wait3A_48 = tpu.memref_slice %arg2[%mul3A_2, %dma_wait3A] : memref<128x4096xf32, #tpu.memory_space<hbm>> -> memref<4x4096xf32, #tpu.memory_space<hbm>>
    %dma_wait3A_49 = arith.constant 0 : i32
    %dma_wait3A_50 = tpu.memref_slice %arg2[%mul3A_2, %dma_wait3A_49] : memref<128x4096xf32, #tpu.memory_space<hbm>> -> memref<4x4096xf32, #tpu.memory_space<hbm>>
    tpu.wait_dma2 semaphore(%arg12 : memref<!tpu.dma_semaphore, #tpu.memory_space<semaphore_mem>>) src(%dma_wait3A_50 : memref<4x4096xf32, #tpu.memory_space<hbm>>) dst(%arg6 : memref<4x4096xf32, #tpu.memory_space<vmem>>)
    %sub3A = arith.constant 1 : i32
    %sub3A_51 = vector.broadcast %sub3A : i32 to vector<16xi32>
    %sub3A_52 = arith.subi %iota3A, %sub3A_51 : vector<16xi32>
    %max3A = arith.constant 0 : i32
    %max3A_53 = vector.broadcast %max3A : i32 to vector<16xi32>
    %max3A_54 = arith.maxsi %sub3A_52, %max3A_53 : vector<16xi32>
    %get3A = arith.constant 0 : i32
    %get3A_55 = arith.index_cast %get3A : i32 to index
    %get3A_56 = arith.constant 0 : index
    %get3A_57 = tpu.vector_load %arg6[%get3A_55, %get3A_56] {strides = array<i32>} : memref<4x4096xf32, #tpu.memory_space<vmem>>, vector<16xf32>,
    %mul3A_58 = arith.constant 1.279900e+02 : f32
    %mul3A_59 = vector.broadcast %mul3A_58 : f32 to vector<16xf32>
    %mul3A_60 = arith.mulf %get3A_57, %mul3A_59 : vector<16xf32>
    %add3A_61 = arith.addf %mul3A_60, %convert_element_type3A : vector<16xf32>
    %convert_element_type3A_62 = arith.fptosi %add3A_61 : vector<16xf32> to vector<16xi32>
    tpu.vector_store_idx %arg7[%convert_element_type3A_62], %broadcast_in_dim3A_14 {add = true} : memref<8192xi32, #tpu.memory_space<vmem>>[vector<16xi32>], vector<16xi32>,
    tpu.vector_store_idx %arg8[%convert_element_type3A_62], %get3A_57 {add = true} : memref<8192xf32, #tpu.memory_space<vmem>>[vector<16xi32>], vector<16xf32>,
    %eq3A = arith.constant 0 : i32
    %eq3A_63 = vector.broadcast %eq3A : i32 to vector<16xi32>
    %eq3A_64 = arith.cmpi eq, %iota3A, %eq3A_63 : vector<16xi32>
    %broadcast_in_dim3A_65 = vector.shape_cast %max3A_54 : vector<16xi32> to vector<16x1xi32>
    %gather3A = vector.shape_cast %broadcast_in_dim3A_65 : vector<16x1xi32> to vector<16xi32>
    %gather3A_66 = tpu.dynamic_gather %get3A_57[%gather3A] in [0] : vector<16xf32>, vector<16xi32> -> vector<16xf32>
    %sub3A_67 = arith.subf %get3A_57, %gather3A_66 : vector<16xf32>
    %jit3A = arith.constant 0.000000e+00 : f32
    %broadcast_in_dim3A_68 = vector.broadcast %jit3A : f32 to vector<16xf32>
    %select_n3A = arith.select %eq3A_64, %broadcast_in_dim3A_68, %sub3A_67 : vector<16xi1>, vector<16xf32>
    %mul3A_69 = arith.mulf %select_n3A, %select_n3A : vector<16xf32>
    %get3A_70 = arith.constant 1 : i32
    %get3A_71 = arith.index_cast %get3A_70 : i32 to index
    %get3A_72 = arith.constant 0 : index
    %get3A_73 = tpu.vector_load %arg6[%get3A_71, %get3A_72] {strides = array<i32>} : memref<4x4096xf32, #tpu.memory_space<vmem>>, vector<16xf32>,
    %mul3A_74 = arith.constant 1.279900e+02 : f32
    %mul3A_75 = vector.broadcast %mul3A_74 : f32 to vector<16xf32>
    %mul3A_76 = arith.mulf %get3A_73, %mul3A_75 : vector<16xf32>
    %add3A_77 = arith.addf %mul3A_76, %convert_element_type3A_27 : vector<16xf32>
    %convert_element_type3A_78 = arith.fptosi %add3A_77 : vector<16xf32> to vector<16xi32>
    tpu.vector_store_idx %arg7[%convert_element_type3A_78], %broadcast_in_dim3A_14 {add = true} : memref<8192xi32, #tpu.memory_space<vmem>>[vector<16xi32>], vector<16xi32>,
    tpu.vector_store_idx %arg8[%convert_element_type3A_78], %get3A_73 {add = true} : memref<8192xf32, #tpu.memory_space<vmem>>[vector<16xi32>], vector<16xf32>,
    %eq3A_79 = arith.constant 0 : i32
    %eq3A_80 = vector.broadcast %eq3A_79 : i32 to vector<16xi32>
    %eq3A_81 = arith.cmpi eq, %iota3A, %eq3A_80 : vector<16xi32>
    %broadcast_in_dim3A_82 = vector.shape_cast %max3A_54 : vector<16xi32> to vector<16x1xi32>
    %gather3A_83 = vector.shape_cast %broadcast_in_dim3A_82 : vector<16x1xi32> to vector<16xi32>
    %gather3A_84 = tpu.dynamic_gather %get3A_73[%gather3A_83] in [0] : vector<16xf32>, vector<16xi32> -> vector<16xf32>
    %sub3A_85 = arith.subf %get3A_73, %gather3A_84 : vector<16xf32>
    %jit3A_86 = arith.constant 0.000000e+00 : f32
    %broadcast_in_dim3A_87 = vector.broadcast %jit3A_86 : f32 to vector<16xf32>
    %select_n3A_88 = arith.select %eq3A_81, %broadcast_in_dim3A_87, %sub3A_85 : vector<16xi1>, vector<16xf32>
    %mul3A_89 = arith.mulf %select_n3A_88, %select_n3A_88 : vector<16xf32>
    %get3A_90 = arith.constant 2 : i32
    %get3A_91 = arith.index_cast %get3A_90 : i32 to index
    %get3A_92 = arith.constant 0 : index
    %get3A_93 = tpu.vector_load %arg6[%get3A_91, %get3A_92] {strides = array<i32>} : memref<4x4096xf32, #tpu.memory_space<vmem>>, vector<16xf32>,
    %mul3A_94 = arith.constant 1.279900e+02 : f32
    %mul3A_95 = vector.broadcast %mul3A_94 : f32 to vector<16xf32>
    %mul3A_96 = arith.mulf %get3A_93, %mul3A_95 : vector<16xf32>
    %add3A_97 = arith.addf %mul3A_96, %convert_element_type3A_34 : vector<16xf32>
    %convert_element_type3A_98 = arith.fptosi %add3A_97 : vector<16xf32> to vector<16xi32>
    tpu.vector_store_idx %arg7[%convert_element_type3A_98], %broadcast_in_dim3A_14 {add = true} : memref<8192xi32, #tpu.memory_space<vmem>>[vector<16xi32>], vector<16xi32>,
    tpu.vector_store_idx %arg8[%convert_element_type3A_98], %get3A_93 {add = true} : memref<8192xf32, #tpu.memory_space<vmem>>[vector<16xi32>], vector<16xf32>,
    %eq3A_99 = arith.constant 0 : i32
    %eq3A_100 = vector.broadcast %eq3A_99 : i32 to vector<16xi32>
    %eq3A_101 = arith.cmpi eq, %iota3A, %eq3A_100 : vector<16xi32>
    %broadcast_in_dim3A_102 = vector.shape_cast %max3A_54 : vector<16xi32> to vector<16x1xi32>
    %gather3A_103 = vector.shape_cast %broadcast_in_dim3A_102 : vector<16x1xi32> to vector<16xi32>
    %gather3A_104 = tpu.dynamic_gather %get3A_93[%gather3A_103] in [0] : vector<16xf32>, vector<16xi32> -> vector<16xf32>
    %sub3A_105 = arith.subf %get3A_93, %gather3A_104 : vector<16xf32>
    %jit3A_106 = arith.constant 0.000000e+00 : f32
    %broadcast_in_dim3A_107 = vector.broadcast %jit3A_106 : f32 to vector<16xf32>
    %select_n3A_108 = arith.select %eq3A_101, %broadcast_in_dim3A_107, %sub3A_105 : vector<16xi1>, vector<16xf32>
    %mul3A_109 = arith.mulf %select_n3A_108, %select_n3A_108 : vector<16xf32>
    %get3A_110 = arith.constant 3 : i32
    %get3A_111 = arith.index_cast %get3A_110 : i32 to index
    %get3A_112 = arith.constant 0 : index
    %get3A_113 = tpu.vector_load %arg6[%get3A_111, %get3A_112] {strides = array<i32>} : memref<4x4096xf32, #tpu.memory_space<vmem>>, vector<16xf32>,
    %mul3A_114 = arith.constant 1.279900e+02 : f32
    %mul3A_115 = vector.broadcast %mul3A_114 : f32 to vector<16xf32>
    %mul3A_116 = arith.mulf %get3A_113, %mul3A_115 : vector<16xf32>
    %add3A_117 = arith.addf %mul3A_116, %convert_element_type3A_41 : vector<16xf32>
    %convert_element_type3A_118 = arith.fptosi %add3A_117 : vector<16xf32> to vector<16xi32>
    tpu.vector_store_idx %arg7[%convert_element_type3A_118], %broadcast_in_dim3A_14 {add = true} : memref<8192xi32, #tpu.memory_space<vmem>>[vector<16xi32>], vector<16xi32>,
    tpu.vector_store_idx %arg8[%convert_element_type3A_118], %get3A_113 {add = true} : memref<8192xf32, #tpu.memory_space<vmem>>[vector<16xi32>], vector<16xf32>,
    %eq3A_119 = arith.constant 0 : i32
    %eq3A_120 = vector.broadcast %eq3A_119 : i32 to vector<16xi32>
    %eq3A_121 = arith.cmpi eq, %iota3A, %eq3A_120 : vector<16xi32>
    %broadcast_in_dim3A_122 = vector.shape_cast %max3A_54 : vector<16xi32> to vector<16x1xi32>
    %gather3A_123 = vector.shape_cast %broadcast_in_dim3A_122 : vector<16x1xi32> to vector<16xi32>
    %gather3A_124 = tpu.dynamic_gather %get3A_113[%gather3A_123] in [0] : vector<16xf32>, vector<16xi32> -> vector<16xf32>
    %sub3A_125 = arith.subf %get3A_113, %gather3A_124 : vector<16xf32>
    %jit3A_126 = arith.constant 0.000000e+00 : f32
    %broadcast_in_dim3A_127 = vector.broadcast %jit3A_126 : f32 to vector<16xf32>
    %select_n3A_128 = arith.select %eq3A_121, %broadcast_in_dim3A_127, %sub3A_125 : vector<16xi1>, vector<16xf32>
    %mul3A_129 = arith.mulf %select_n3A_128, %select_n3A_128 : vector<16xf32>
    %scan3A_130 = arith.constant 0 : i32
    %scan3A_131 = arith.constant 127 : i32
    %scan3A_132 = arith.addi %scan3A_130, %scan3A_131 : i32
    %scan3A_133 = arith.constant 1 : i32
    %scan3A_134:8 = scf.for %scan3A_468 = %scan3A_130 to %scan3A_132 step %scan3A_133 iter_args(%scan3A_469 = %get3A_57, %scan3A_470 = %get3A_73, %scan3A_471 = %get3A_93, %scan3A_472 = %get3A_113, %scan3A_473 = %mul3A_69, %scan3A_474 = %mul3A_89, %scan3A_475 = %mul3A_109, %scan3A_476 = %mul3A_129) -> (vector<16xf32>, vector<16xf32>, vector<16xf32>, vector<16xf32>, vector<16xf32>, vector<16xf32>, vector<16xf32>, vector<16xf32>)  : i32 {
      %mul3A_477 = arith.constant 2 : i32
      %mul3A_478 = arith.muli %mul3A_477, %scan3A_468 : i32
      %add3A_479 = arith.constant 1 : i32
      %add3A_480 = arith.addi %add3A_479, %mul3A_478 : i32
      %mul3A_481 = arith.constant 16 : i32
      %mul3A_482 = arith.muli %add3A_480, %mul3A_481 : i32
      %get3A_483 = arith.constant 0 : i32
      %get3A_484 = arith.index_cast %get3A_483 : i32 to index
      %get3A_485 = arith.index_cast %mul3A_482 : i32 to index
      %get3A_486 = tpu.vector_load %arg6[%get3A_484, %get3A_485] {strides = array<i32>} : memref<4x4096xf32, #tpu.memory_space<vmem>>, vector<16xf32>,
      %mul3A_487 = arith.constant 16 : i32
      %mul3A_488 = arith.muli %add3A_480, %mul3A_487 : i32
      %sub3A_489 = arith.constant 1 : i32
      %sub3A_490 = arith.subi %mul3A_488, %sub3A_489 : i32
      %get3A_491 = arith.constant 0 : i32
      %get3A_492 = arith.index_cast %get3A_491 : i32 to index
      %get3A_493 = arith.index_cast %sub3A_490 : i32 to index
      %get3A_494 = tpu.vector_load %arg6[%get3A_492, %get3A_493] {strides = array<i32>} : memref<4x4096xf32, #tpu.memory_space<vmem>>, vector<16xf32>,
      %mul3A_495 = arith.constant 1.279900e+02 : f32
      %mul3A_496 = vector.broadcast %mul3A_495 : f32 to vector<16xf32>
      %mul3A_497 = arith.mulf %get3A_486, %mul3A_496 : vector<16xf32>
      %add3A_498 = arith.addf %mul3A_497, %convert_element_type3A : vector<16xf32>
      %convert_element_type3A_499 = arith.fptosi %add3A_498 : vector<16xf32> to vector<16xi32>
      tpu.vector_store_idx %arg7[%convert_element_type3A_499], %broadcast_in_dim3A_14 {add = true} : memref<8192xi32, #tpu.memory_space<vmem>>[vector<16xi32>], vector<16xi32>,
      tpu.vector_store_idx %arg8[%convert_element_type3A_499], %get3A_486 {add = true} : memref<8192xf32, #tpu.memory_space<vmem>>[vector<16xi32>], vector<16xf32>,
      %sub3A_500 = arith.subf %get3A_486, %get3A_494 : vector<16xf32>
      %add3A_501 = arith.addf %scan3A_469, %get3A_486 : vector<16xf32>
      %mul3A_502 = arith.mulf %sub3A_500, %sub3A_500 : vector<16xf32>
      %add3A_503 = arith.addf %scan3A_473, %mul3A_502 : vector<16xf32>
      %mul3A_504 = arith.constant 16 : i32
      %mul3A_505 = arith.muli %add3A_480, %mul3A_504 : i32
      %get3A_506 = arith.constant 1 : i32
      %get3A_507 = arith.index_cast %get3A_506 : i32 to index
      %get3A_508 = arith.index_cast %mul3A_505 : i32 to index
      %get3A_509 = tpu.vector_load %arg6[%get3A_507, %get3A_508] {strides = array<i32>} : memref<4x4096xf32, #tpu.memory_space<vmem>>, vector<16xf32>,
      %mul3A_510 = arith.constant 16 : i32
      %mul3A_511 = arith.muli %add3A_480, %mul3A_510 : i32
      %sub3A_512 = arith.constant 1 : i32
      %sub3A_513 = arith.subi %mul3A_511, %sub3A_512 : i32
      %get3A_514 = arith.constant 1 : i32
      %get3A_515 = arith.index_cast %get3A_514 : i32 to index
      %get3A_516 = arith.index_cast %sub3A_513 : i32 to index
      %get3A_517 = tpu.vector_load %arg6[%get3A_515, %get3A_516] {strides = array<i32>} : memref<4x4096xf32, #tpu.memory_space<vmem>>, vector<16xf32>,
      %mul3A_518 = arith.constant 1.279900e+02 : f32
      %mul3A_519 = vector.broadcast %mul3A_518 : f32 to vector<16xf32>
      %mul3A_520 = arith.mulf %get3A_509, %mul3A_519 : vector<16xf32>
      %add3A_521 = arith.addf %mul3A_520, %convert_element_type3A_27 : vector<16xf32>
      %convert_element_type3A_522 = arith.fptosi %add3A_521 : vector<16xf32> to vector<16xi32>
      tpu.vector_store_idx %arg7[%convert_element_type3A_522], %broadcast_in_dim3A_14 {add = true} : memref<8192xi32, #tpu.memory_space<vmem>>[vector<16xi32>], vector<16xi32>,
      tpu.vector_store_idx %arg8[%convert_element_type3A_522], %get3A_509 {add = true} : memref<8192xf32, #tpu.memory_space<vmem>>[vector<16xi32>], vector<16xf32>,
      %sub3A_523 = arith.subf %get3A_509, %get3A_517 : vector<16xf32>
      %add3A_524 = arith.addf %scan3A_470, %get3A_509 : vector<16xf32>
      %mul3A_525 = arith.mulf %sub3A_523, %sub3A_523 : vector<16xf32>
      %add3A_526 = arith.addf %scan3A_474, %mul3A_525 : vector<16xf32>
      %mul3A_527 = arith.constant 16 : i32
      %mul3A_528 = arith.muli %add3A_480, %mul3A_527 : i32
      %get3A_529 = arith.constant 2 : i32
      %get3A_530 = arith.index_cast %get3A_529 : i32 to index
      %get3A_531 = arith.index_cast %mul3A_528 : i32 to index
      %get3A_532 = tpu.vector_load %arg6[%get3A_530, %get3A_531] {strides = array<i32>} : memref<4x4096xf32, #tpu.memory_space<vmem>>, vector<16xf32>,
      %mul3A_533 = arith.constant 16 : i32
      %mul3A_534 = arith.muli %add3A_480, %mul3A_533 : i32
      %sub3A_535 = arith.constant 1 : i32
      %sub3A_536 = arith.subi %mul3A_534, %sub3A_535 : i32
      %get3A_537 = arith.constant 2 : i32
      %get3A_538 = arith.index_cast %get3A_537 : i32 to index
      %get3A_539 = arith.index_cast %sub3A_536 : i32 to index
      %get3A_540 = tpu.vector_load %arg6[%get3A_538, %get3A_539] {strides = array<i32>} : memref<4x4096xf32, #tpu.memory_space<vmem>>, vector<16xf32>,
      %mul3A_541 = arith.constant 1.279900e+02 : f32
      %mul3A_542 = vector.broadcast %mul3A_541 : f32 to vector<16xf32>
      %mul3A_543 = arith.mulf %get3A_532, %mul3A_542 : vector<16xf32>
      %add3A_544 = arith.addf %mul3A_543, %convert_element_type3A_34 : vector<16xf32>
      %convert_element_type3A_545 = arith.fptosi %add3A_544 : vector<16xf32> to vector<16xi32>
      tpu.vector_store_idx %arg7[%convert_element_type3A_545], %broadcast_in_dim3A_14 {add = true} : memref<8192xi32, #tpu.memory_space<vmem>>[vector<16xi32>], vector<16xi32>,
      tpu.vector_store_idx %arg8[%convert_element_type3A_545], %get3A_532 {add = true} : memref<8192xf32, #tpu.memory_space<vmem>>[vector<16xi32>], vector<16xf32>,
      %sub3A_546 = arith.subf %get3A_532, %get3A_540 : vector<16xf32>
      %add3A_547 = arith.addf %scan3A_471, %get3A_532 : vector<16xf32>
      %mul3A_548 = arith.mulf %sub3A_546, %sub3A_546 : vector<16xf32>
      %add3A_549 = arith.addf %scan3A_475, %mul3A_548 : vector<16xf32>
      %mul3A_550 = arith.constant 16 : i32
      %mul3A_551 = arith.muli %add3A_480, %mul3A_550 : i32
      %get3A_552 = arith.constant 3 : i32
      %get3A_553 = arith.index_cast %get3A_552 : i32 to index
      %get3A_554 = arith.index_cast %mul3A_551 : i32 to index
      %get3A_555 = tpu.vector_load %arg6[%get3A_553, %get3A_554] {strides = array<i32>} : memref<4x4096xf32, #tpu.memory_space<vmem>>, vector<16xf32>,
      %mul3A_556 = arith.constant 16 : i32
      %mul3A_557 = arith.muli %add3A_480, %mul3A_556 : i32
      %sub3A_558 = arith.constant 1 : i32
      %sub3A_559 = arith.subi %mul3A_557, %sub3A_558 : i32
      %get3A_560 = arith.constant 3 : i32
      %get3A_561 = arith.index_cast %get3A_560 : i32 to index
      %get3A_562 = arith.index_cast %sub3A_559 : i32 to index
      %get3A_563 = tpu.vector_load %arg6[%get3A_561, %get3A_562] {strides = array<i32>} : memref<4x4096xf32, #tpu.memory_space<vmem>>, vector<16xf32>,
      %mul3A_564 = arith.constant 1.279900e+02 : f32
      %mul3A_565 = vector.broadcast %mul3A_564 : f32 to vector<16xf32>
      %mul3A_566 = arith.mulf %get3A_555, %mul3A_565 : vector<16xf32>
      %add3A_567 = arith.addf %mul3A_566, %convert_element_type3A_41 : vector<16xf32>
      %convert_element_type3A_568 = arith.fptosi %add3A_567 : vector<16xf32> to vector<16xi32>
      tpu.vector_store_idx %arg7[%convert_element_type3A_568], %broadcast_in_dim3A_14 {add = true} : memref<8192xi32, #tpu.memory_space<vmem>>[vector<16xi32>], vector<16xi32>,
      tpu.vector_store_idx %arg8[%convert_element_type3A_568], %get3A_555 {add = true} : memref<8192xf32, #tpu.memory_space<vmem>>[vector<16xi32>], vector<16xf32>,
      %sub3A_569 = arith.subf %get3A_555, %get3A_563 : vector<16xf32>
      %add3A_570 = arith.addf %scan3A_472, %get3A_555 : vector<16xf32>
      %mul3A_571 = arith.mulf %sub3A_569, %sub3A_569 : vector<16xf32>
      %add3A_572 = arith.addf %scan3A_476, %mul3A_571 : vector<16xf32>
      %mul3A_573 = arith.constant 2 : i32
      %mul3A_574 = arith.muli %mul3A_573, %scan3A_468 : i32
      %add3A_575 = arith.constant 2 : i32
      %add3A_576 = arith.addi %add3A_575, %mul3A_574 : i32
      %mul3A_577 = arith.constant 16 : i32
      %mul3A_578 = arith.muli %add3A_576, %mul3A_577 : i32
      %get3A_579 = arith.constant 0 : i32
      %get3A_580 = arith.index_cast %get3A_579 : i32 to index
      %get3A_581 = arith.index_cast %mul3A_578 : i32 to index
      %get3A_582 = tpu.vector_load %arg6[%get3A_580, %get3A_581] {strides = array<i32>} : memref<4x4096xf32, #tpu.memory_space<vmem>>, vector<16xf32>,
      %mul3A_583 = arith.constant 16 : i32
      %mul3A_584 = arith.muli %add3A_576, %mul3A_583 : i32
      %sub3A_585 = arith.constant 1 : i32
      %sub3A_586 = arith.subi %mul3A_584, %sub3A_585 : i32
      %get3A_587 = arith.constant 0 : i32
      %get3A_588 = arith.index_cast %get3A_587 : i32 to index
      %get3A_589 = arith.index_cast %sub3A_586 : i32 to index
      %get3A_590 = tpu.vector_load %arg6[%get3A_588, %get3A_589] {strides = array<i32>} : memref<4x4096xf32, #tpu.memory_space<vmem>>, vector<16xf32>,
      %mul3A_591 = arith.constant 1.279900e+02 : f32
      %mul3A_592 = vector.broadcast %mul3A_591 : f32 to vector<16xf32>
      %mul3A_593 = arith.mulf %get3A_582, %mul3A_592 : vector<16xf32>
      %add3A_594 = arith.addf %mul3A_593, %convert_element_type3A : vector<16xf32>
      %convert_element_type3A_595 = arith.fptosi %add3A_594 : vector<16xf32> to vector<16xi32>
      tpu.vector_store_idx %arg7[%convert_element_type3A_595], %broadcast_in_dim3A_14 {add = true} : memref<8192xi32, #tpu.memory_space<vmem>>[vector<16xi32>], vector<16xi32>,
      tpu.vector_store_idx %arg8[%convert_element_type3A_595], %get3A_582 {add = true} : memref<8192xf32, #tpu.memory_space<vmem>>[vector<16xi32>], vector<16xf32>,
      %sub3A_596 = arith.subf %get3A_582, %get3A_590 : vector<16xf32>
      %add3A_597 = arith.addf %add3A_501, %get3A_582 : vector<16xf32>
      %mul3A_598 = arith.mulf %sub3A_596, %sub3A_596 : vector<16xf32>
      %add3A_599 = arith.addf %add3A_503, %mul3A_598 : vector<16xf32>
      %mul3A_600 = arith.constant 16 : i32
      %mul3A_601 = arith.muli %add3A_576, %mul3A_600 : i32
      %get3A_602 = arith.constant 1 : i32
      %get3A_603 = arith.index_cast %get3A_602 : i32 to index
      %get3A_604 = arith.index_cast %mul3A_601 : i32 to index
      %get3A_605 = tpu.vector_load %arg6[%get3A_603, %get3A_604] {strides = array<i32>} : memref<4x4096xf32, #tpu.memory_space<vmem>>, vector<16xf32>,
      %mul3A_606 = arith.constant 16 : i32
      %mul3A_607 = arith.muli %add3A_576, %mul3A_606 : i32
      %sub3A_608 = arith.constant 1 : i32
      %sub3A_609 = arith.subi %mul3A_607, %sub3A_608 : i32
      %get3A_610 = arith.constant 1 : i32
      %get3A_611 = arith.index_cast %get3A_610 : i32 to index
      %get3A_612 = arith.index_cast %sub3A_609 : i32 to index
      %get3A_613 = tpu.vector_load %arg6[%get3A_611, %get3A_612] {strides = array<i32>} : memref<4x4096xf32, #tpu.memory_space<vmem>>, vector<16xf32>,
      %mul3A_614 = arith.constant 1.279900e+02 : f32
      %mul3A_615 = vector.broadcast %mul3A_614 : f32 to vector<16xf32>
      %mul3A_616 = arith.mulf %get3A_605, %mul3A_615 : vector<16xf32>
      %add3A_617 = arith.addf %mul3A_616, %convert_element_type3A_27 : vector<16xf32>
      %convert_element_type3A_618 = arith.fptosi %add3A_617 : vector<16xf32> to vector<16xi32>
      tpu.vector_store_idx %arg7[%convert_element_type3A_618], %broadcast_in_dim3A_14 {add = true} : memref<8192xi32, #tpu.memory_space<vmem>>[vector<16xi32>], vector<16xi32>,
      tpu.vector_store_idx %arg8[%convert_element_type3A_618], %get3A_605 {add = true} : memref<8192xf32, #tpu.memory_space<vmem>>[vector<16xi32>], vector<16xf32>,
      %sub3A_619 = arith.subf %get3A_605, %get3A_613 : vector<16xf32>
      %add3A_620 = arith.addf %add3A_524, %get3A_605 : vector<16xf32>
      %mul3A_621 = arith.mulf %sub3A_619, %sub3A_619 : vector<16xf32>
      %add3A_622 = arith.addf %add3A_526, %mul3A_621 : vector<16xf32>
      %mul3A_623 = arith.constant 16 : i32
      %mul3A_624 = arith.muli %add3A_576, %mul3A_623 : i32
      %get3A_625 = arith.constant 2 : i32
      %get3A_626 = arith.index_cast %get3A_625 : i32 to index
      %get3A_627 = arith.index_cast %mul3A_624 : i32 to index
      %get3A_628 = tpu.vector_load %arg6[%get3A_626, %get3A_627] {strides = array<i32>} : memref<4x4096xf32, #tpu.memory_space<vmem>>, vector<16xf32>,
      %mul3A_629 = arith.constant 16 : i32
      %mul3A_630 = arith.muli %add3A_576, %mul3A_629 : i32
      %sub3A_631 = arith.constant 1 : i32
      %sub3A_632 = arith.subi %mul3A_630, %sub3A_631 : i32
      %get3A_633 = arith.constant 2 : i32
      %get3A_634 = arith.index_cast %get3A_633 : i32 to index
      %get3A_635 = arith.index_cast %sub3A_632 : i32 to index
      %get3A_636 = tpu.vector_load %arg6[%get3A_634, %get3A_635] {strides = array<i32>} : memref<4x4096xf32, #tpu.memory_space<vmem>>, vector<16xf32>,
      %mul3A_637 = arith.constant 1.279900e+02 : f32
      %mul3A_638 = vector.broadcast %mul3A_637 : f32 to vector<16xf32>
      %mul3A_639 = arith.mulf %get3A_628, %mul3A_638 : vector<16xf32>
      %add3A_640 = arith.addf %mul3A_639, %convert_element_type3A_34 : vector<16xf32>
      %convert_element_type3A_641 = arith.fptosi %add3A_640 : vector<16xf32> to vector<16xi32>
      tpu.vector_store_idx %arg7[%convert_element_type3A_641], %broadcast_in_dim3A_14 {add = true} : memref<8192xi32, #tpu.memory_space<vmem>>[vector<16xi32>], vector<16xi32>,
      tpu.vector_store_idx %arg8[%convert_element_type3A_641], %get3A_628 {add = true} : memref<8192xf32, #tpu.memory_space<vmem>>[vector<16xi32>], vector<16xf32>,
      %sub3A_642 = arith.subf %get3A_628, %get3A_636 : vector<16xf32>
      %add3A_643 = arith.addf %add3A_547, %get3A_628 : vector<16xf32>
      %mul3A_644 = arith.mulf %sub3A_642, %sub3A_642 : vector<16xf32>
      %add3A_645 = arith.addf %add3A_549, %mul3A_644 : vector<16xf32>
      %mul3A_646 = arith.constant 16 : i32
      %mul3A_647 = arith.muli %add3A_576, %mul3A_646 : i32
      %get3A_648 = arith.constant 3 : i32
      %get3A_649 = arith.index_cast %get3A_648 : i32 to index
      %get3A_650 = arith.index_cast %mul3A_647 : i32 to index
      %get3A_651 = tpu.vector_load %arg6[%get3A_649, %get3A_650] {strides = array<i32>} : memref<4x4096xf32, #tpu.memory_space<vmem>>, vector<16xf32>,
      %mul3A_652 = arith.constant 16 : i32
      %mul3A_653 = arith.muli %add3A_576, %mul3A_652 : i32
      %sub3A_654 = arith.constant 1 : i32
      %sub3A_655 = arith.subi %mul3A_653, %sub3A_654 : i32
      %get3A_656 = arith.constant 3 : i32
      %get3A_657 = arith.index_cast %get3A_656 : i32 to index
      %get3A_658 = arith.index_cast %sub3A_655 : i32 to index
      %get3A_659 = tpu.vector_load %arg6[%get3A_657, %get3A_658] {strides = array<i32>} : memref<4x4096xf32, #tpu.memory_space<vmem>>, vector<16xf32>,
      %mul3A_660 = arith.constant 1.279900e+02 : f32
      %mul3A_661 = vector.broadcast %mul3A_660 : f32 to vector<16xf32>
      %mul3A_662 = arith.mulf %get3A_651, %mul3A_661 : vector<16xf32>
      %add3A_663 = arith.addf %mul3A_662, %convert_element_type3A_41 : vector<16xf32>
      %convert_element_type3A_664 = arith.fptosi %add3A_663 : vector<16xf32> to vector<16xi32>
      tpu.vector_store_idx %arg7[%convert_element_type3A_664], %broadcast_in_dim3A_14 {add = true} : memref<8192xi32, #tpu.memory_space<vmem>>[vector<16xi32>], vector<16xi32>,
      tpu.vector_store_idx %arg8[%convert_element_type3A_664], %get3A_651 {add = true} : memref<8192xf32, #tpu.memory_space<vmem>>[vector<16xi32>], vector<16xf32>,
      %sub3A_665 = arith.subf %get3A_651, %get3A_659 : vector<16xf32>
      %add3A_666 = arith.addf %add3A_570, %get3A_651 : vector<16xf32>
      %mul3A_667 = arith.mulf %sub3A_665, %sub3A_665 : vector<16xf32>
      %add3A_668 = arith.addf %add3A_572, %mul3A_667 : vector<16xf32>
      scf.yield %add3A_597, %add3A_620, %add3A_643, %add3A_666, %add3A_599, %add3A_622, %add3A_645, %add3A_668 : vector<16xf32>, vector<16xf32>, vector<16xf32>, vector<16xf32>, vector<16xf32>, vector<16xf32>, vector<16xf32>, vector<16xf32>
    }
    %scan3A_135 = arith.constant 127 : i32
    %get3A_136 = arith.constant 0 : i32
    %get3A_137 = arith.index_cast %get3A_136 : i32 to index
    %get3A_138 = arith.constant 4080 : index
    %get3A_139 = tpu.vector_load %arg6[%get3A_137, %get3A_138] {strides = array<i32>} : memref<4x4096xf32, #tpu.memory_space<vmem>>, vector<16xf32>,
    %get3A_140 = arith.constant 0 : i32
    %get3A_141 = arith.index_cast %get3A_140 : i32 to index
    %get3A_142 = arith.constant 4079 : index
    %get3A_143 = tpu.vector_load %arg6[%get3A_141, %get3A_142] {strides = array<i32>} : memref<4x4096xf32, #tpu.memory_space<vmem>>, vector<16xf32>,
    %mul3A_144 = arith.constant 1.279900e+02 : f32
    %mul3A_145 = vector.broadcast %mul3A_144 : f32 to vector<16xf32>
    %mul3A_146 = arith.mulf %get3A_139, %mul3A_145 : vector<16xf32>
    %add3A_147 = arith.addf %mul3A_146, %convert_element_type3A : vector<16xf32>
    %convert_element_type3A_148 = arith.fptosi %add3A_147 : vector<16xf32> to vector<16xi32>
    tpu.vector_store_idx %arg7[%convert_element_type3A_148], %broadcast_in_dim3A_14 {add = true} : memref<8192xi32, #tpu.memory_space<vmem>>[vector<16xi32>], vector<16xi32>,
    tpu.vector_store_idx %arg8[%convert_element_type3A_148], %get3A_139 {add = true} : memref<8192xf32, #tpu.memory_space<vmem>>[vector<16xi32>], vector<16xf32>,
    %sub3A_149 = arith.subf %get3A_139, %get3A_143 : vector<16xf32>
    %add3A_150 = arith.addf %scan3A_134#0, %get3A_139 : vector<16xf32>
    %mul3A_151 = arith.mulf %sub3A_149, %sub3A_149 : vector<16xf32>
    %add3A_152 = arith.addf %scan3A_134#4, %mul3A_151 : vector<16xf32>
    %get3A_153 = arith.constant 1 : i32
    %get3A_154 = arith.index_cast %get3A_153 : i32 to index
    %get3A_155 = arith.constant 4080 : index
    %get3A_156 = tpu.vector_load %arg6[%get3A_154, %get3A_155] {strides = array<i32>} : memref<4x4096xf32, #tpu.memory_space<vmem>>, vector<16xf32>,
    %get3A_157 = arith.constant 1 : i32
    %get3A_158 = arith.index_cast %get3A_157 : i32 to index
    %get3A_159 = arith.constant 4079 : index
    %get3A_160 = tpu.vector_load %arg6[%get3A_158, %get3A_159] {strides = array<i32>} : memref<4x4096xf32, #tpu.memory_space<vmem>>, vector<16xf32>,
    %mul3A_161 = arith.constant 1.279900e+02 : f32
    %mul3A_162 = vector.broadcast %mul3A_161 : f32 to vector<16xf32>
    %mul3A_163 = arith.mulf %get3A_156, %mul3A_162 : vector<16xf32>
    %add3A_164 = arith.addf %mul3A_163, %convert_element_type3A_27 : vector<16xf32>
    %convert_element_type3A_165 = arith.fptosi %add3A_164 : vector<16xf32> to vector<16xi32>
    tpu.vector_store_idx %arg7[%convert_element_type3A_165], %broadcast_in_dim3A_14 {add = true} : memref<8192xi32, #tpu.memory_space<vmem>>[vector<16xi32>], vector<16xi32>,
    tpu.vector_store_idx %arg8[%convert_element_type3A_165], %get3A_156 {add = true} : memref<8192xf32, #tpu.memory_space<vmem>>[vector<16xi32>], vector<16xf32>,
    %sub3A_166 = arith.subf %get3A_156, %get3A_160 : vector<16xf32>
    %add3A_167 = arith.addf %scan3A_134#1, %get3A_156 : vector<16xf32>
    %mul3A_168 = arith.mulf %sub3A_166, %sub3A_166 : vector<16xf32>
    %add3A_169 = arith.addf %scan3A_134#5, %mul3A_168 : vector<16xf32>
    %get3A_170 = arith.constant 2 : i32
    %get3A_171 = arith.index_cast %get3A_170 : i32 to index
    %get3A_172 = arith.constant 4080 : index
    %get3A_173 = tpu.vector_load %arg6[%get3A_171, %get3A_172] {strides = array<i32>} : memref<4x4096xf32, #tpu.memory_space<vmem>>, vector<16xf32>,
    %get3A_174 = arith.constant 2 : i32
    %get3A_175 = arith.index_cast %get3A_174 : i32 to index
    %get3A_176 = arith.constant 4079 : index
    %get3A_177 = tpu.vector_load %arg6[%get3A_175, %get3A_176] {strides = array<i32>} : memref<4x4096xf32, #tpu.memory_space<vmem>>, vector<16xf32>,
    %mul3A_178 = arith.constant 1.279900e+02 : f32
    %mul3A_179 = vector.broadcast %mul3A_178 : f32 to vector<16xf32>
    %mul3A_180 = arith.mulf %get3A_173, %mul3A_179 : vector<16xf32>
    %add3A_181 = arith.addf %mul3A_180, %convert_element_type3A_34 : vector<16xf32>
    %convert_element_type3A_182 = arith.fptosi %add3A_181 : vector<16xf32> to vector<16xi32>
    tpu.vector_store_idx %arg7[%convert_element_type3A_182], %broadcast_in_dim3A_14 {add = true} : memref<8192xi32, #tpu.memory_space<vmem>>[vector<16xi32>], vector<16xi32>,
    tpu.vector_store_idx %arg8[%convert_element_type3A_182], %get3A_173 {add = true} : memref<8192xf32, #tpu.memory_space<vmem>>[vector<16xi32>], vector<16xf32>,
    %sub3A_183 = arith.subf %get3A_173, %get3A_177 : vector<16xf32>
    %add3A_184 = arith.addf %scan3A_134#2, %get3A_173 : vector<16xf32>
    %mul3A_185 = arith.mulf %sub3A_183, %sub3A_183 : vector<16xf32>
    %add3A_186 = arith.addf %scan3A_134#6, %mul3A_185 : vector<16xf32>
    %get3A_187 = arith.constant 3 : i32
    %get3A_188 = arith.index_cast %get3A_187 : i32 to index
    %get3A_189 = arith.constant 4080 : index
    %get3A_190 = tpu.vector_load %arg6[%get3A_188, %get3A_189] {strides = array<i32>} : memref<4x4096xf32, #tpu.memory_space<vmem>>, vector<16xf32>,
    %get3A_191 = arith.constant 3 : i32
    %get3A_192 = arith.index_cast %get3A_191 : i32 to index
    %get3A_193 = arith.constant 4079 : index
    %get3A_194 = tpu.vector_load %arg6[%get3A_192, %get3A_193] {strides = array<i32>} : memref<4x4096xf32, #tpu.memory_space<vmem>>, vector<16xf32>,
    %mul3A_195 = arith.constant 1.279900e+02 : f32
    %mul3A_196 = vector.broadcast %mul3A_195 : f32 to vector<16xf32>
    %mul3A_197 = arith.mulf %get3A_190, %mul3A_196 : vector<16xf32>
    %add3A_198 = arith.addf %mul3A_197, %convert_element_type3A_41 : vector<16xf32>
    %convert_element_type3A_199 = arith.fptosi %add3A_198 : vector<16xf32> to vector<16xi32>
    tpu.vector_store_idx %arg7[%convert_element_type3A_199], %broadcast_in_dim3A_14 {add = true} : memref<8192xi32, #tpu.memory_space<vmem>>[vector<16xi32>], vector<16xi32>,
    tpu.vector_store_idx %arg8[%convert_element_type3A_199], %get3A_190 {add = true} : memref<8192xf32, #tpu.memory_space<vmem>>[vector<16xi32>], vector<16xf32>,
    %sub3A_200 = arith.subf %get3A_190, %get3A_194 : vector<16xf32>
    %add3A_201 = arith.addf %scan3A_134#3, %get3A_190 : vector<16xf32>
    %mul3A_202 = arith.mulf %sub3A_200, %sub3A_200 : vector<16xf32>
    %add3A_203 = arith.addf %scan3A_134#7, %mul3A_202 : vector<16xf32>
    %scan3A_204 = arith.constant 409 : i32
    %scan3A_205 = arith.constant 0 : i32
    %scan3A_206 = arith.constant 0.000000e+00 : f32
    %scan3A_207 = arith.constant 0 : i32
    %scan3A_208 = arith.constant 0.000000e+00 : f32
    %scan3A_209 = arith.constant 0 : i32
    %scan3A_210 = arith.constant 0.000000e+00 : f32
    %scan3A_211 = arith.constant 0 : i32
    %scan3A_212 = arith.constant 0.000000e+00 : f32
    %scan3A_213 = arith.constant 0 : i32
    %scan3A_214 = arith.constant 8 : i32
    %scan3A_215 = arith.addi %scan3A_213, %scan3A_214 : i32
    %scan3A_216 = arith.constant 1 : i32
    %scan3A_217:24 = scf.for %scan3A_468 = %scan3A_213 to %scan3A_215 step %scan3A_216 iter_args(%scan3A_469 = %scan3A_205, %scan3A_470 = %scan3A_206, %scan3A_471 = %broadcast_in_dim3A_12, %scan3A_472 = %broadcast_in_dim3A_10, %scan3A_473 = %broadcast_in_dim3A_12, %scan3A_474 = %broadcast_in_dim3A_10, %scan3A_475 = %scan3A_207, %scan3A_476 = %scan3A_208, %scan3A_477 = %broadcast_in_dim3A_12, %scan3A_478 = %broadcast_in_dim3A_10, %scan3A_479 = %broadcast_in_dim3A_12, %scan3A_480 = %broadcast_in_dim3A_10, %scan3A_481 = %scan3A_209, %scan3A_482 = %scan3A_210, %scan3A_483 = %broadcast_in_dim3A_12, %scan3A_484 = %broadcast_in_dim3A_10, %scan3A_485 = %broadcast_in_dim3A_12, %scan3A_486 = %broadcast_in_dim3A_10, %scan3A_487 = %scan3A_211, %scan3A_488 = %scan3A_212, %scan3A_489 = %broadcast_in_dim3A_12, %scan3A_490 = %broadcast_in_dim3A_10, %scan3A_491 = %broadcast_in_dim3A_12, %scan3A_492 = %broadcast_in_dim3A_10) -> (i32, f32, vector<16xi32>, vector<16xf32>, vector<16xi32>, vector<16xf32>, i32, f32, vector<16xi32>, vector<16xf32>, vector<16xi32>, vector<16xf32>, i32, f32, vector<16xi32>, vector<16xf32>, vector<16xi32>, vector<16xf32>, i32, f32, vector<16xi32>, vector<16xf32>, vector<16xi32>, vector<16xf32>)  : i32 {
      %sub3A_493 = arith.constant 7 : i32
      %sub3A_494 = arith.subi %sub3A_493, %scan3A_468 : i32
      %mul3A_495 = arith.constant 16 : i32
      %mul3A_496 = arith.muli %sub3A_494, %mul3A_495 : i32
      %add3A_497 = arith.constant 0 : i32
      %add3A_498 = arith.addi %add3A_497, %mul3A_496 : i32
      %get3A_499 = arith.index_cast %add3A_498 : i32 to index
      %get3A_500 = tpu.vector_load %arg7[%get3A_499] {strides = array<i32>} : memref<8192xi32, #tpu.memory_space<vmem>>, vector<16xi32>,
      %mul3A_501 = arith.constant 16 : i32
      %mul3A_502 = arith.muli %sub3A_494, %mul3A_501 : i32
      %add3A_503 = arith.constant 128 : i32
      %add3A_504 = arith.addi %add3A_503, %mul3A_502 : i32
      %get3A_505 = arith.index_cast %add3A_504 : i32 to index
      %get3A_506 = tpu.vector_load %arg7[%get3A_505] {strides = array<i32>} : memref<8192xi32, #tpu.memory_space<vmem>>, vector<16xi32>,
      %mul3A_507 = arith.constant 16 : i32
      %mul3A_508 = arith.muli %sub3A_494, %mul3A_507 : i32
      %add3A_509 = arith.constant 256 : i32
      %add3A_510 = arith.addi %add3A_509, %mul3A_508 : i32
      %get3A_511 = arith.index_cast %add3A_510 : i32 to index
      %get3A_512 = tpu.vector_load %arg7[%get3A_511] {strides = array<i32>} : memref<8192xi32, #tpu.memory_space<vmem>>, vector<16xi32>,
      %mul3A_513 = arith.constant 16 : i32
      %mul3A_514 = arith.muli %sub3A_494, %mul3A_513 : i32
      %add3A_515 = arith.constant 384 : i32
      %add3A_516 = arith.addi %add3A_515, %mul3A_514 : i32
      %get3A_517 = arith.index_cast %add3A_516 : i32 to index
      %get3A_518 = tpu.vector_load %arg7[%get3A_517] {strides = array<i32>} : memref<8192xi32, #tpu.memory_space<vmem>>, vector<16xi32>,
      %mul3A_519 = arith.constant 16 : i32
      %mul3A_520 = arith.muli %sub3A_494, %mul3A_519 : i32
      %add3A_521 = arith.constant 512 : i32
      %add3A_522 = arith.addi %add3A_521, %mul3A_520 : i32
      %get3A_523 = arith.index_cast %add3A_522 : i32 to index
      %get3A_524 = tpu.vector_load %arg7[%get3A_523] {strides = array<i32>} : memref<8192xi32, #tpu.memory_space<vmem>>, vector<16xi32>,
      %mul3A_525 = arith.constant 16 : i32
      %mul3A_526 = arith.muli %sub3A_494, %mul3A_525 : i32
      %add3A_527 = arith.constant 640 : i32
      %add3A_528 = arith.addi %add3A_527, %mul3A_526 : i32
      %get3A_529 = arith.index_cast %add3A_528 : i32 to index
      %get3A_530 = tpu.vector_load %arg7[%get3A_529] {strides = array<i32>} : memref<8192xi32, #tpu.memory_space<vmem>>, vector<16xi32>,
      %mul3A_531 = arith.constant 16 : i32
      %mul3A_532 = arith.muli %sub3A_494, %mul3A_531 : i32
      %add3A_533 = arith.constant 768 : i32
      %add3A_534 = arith.addi %add3A_533, %mul3A_532 : i32
      %get3A_535 = arith.index_cast %add3A_534 : i32 to index
      %get3A_536 = tpu.vector_load %arg7[%get3A_535] {strides = array<i32>} : memref<8192xi32, #tpu.memory_space<vmem>>, vector<16xi32>,
      %mul3A_537 = arith.constant 16 : i32
      %mul3A_538 = arith.muli %sub3A_494, %mul3A_537 : i32
      %add3A_539 = arith.constant 896 : i32
      %add3A_540 = arith.addi %add3A_539, %mul3A_538 : i32
      %get3A_541 = arith.index_cast %add3A_540 : i32 to index
      %get3A_542 = tpu.vector_load %arg7[%get3A_541] {strides = array<i32>} : memref<8192xi32, #tpu.memory_space<vmem>>, vector<16xi32>,
      %mul3A_543 = arith.constant 16 : i32
      %mul3A_544 = arith.muli %sub3A_494, %mul3A_543 : i32
      %add3A_545 = arith.constant 1024 : i32
      %add3A_546 = arith.addi %add3A_545, %mul3A_544 : i32
      %get3A_547 = arith.index_cast %add3A_546 : i32 to index
      %get3A_548 = tpu.vector_load %arg7[%get3A_547] {strides = array<i32>} : memref<8192xi32, #tpu.memory_space<vmem>>, vector<16xi32>,
      %mul3A_549 = arith.constant 16 : i32
      %mul3A_550 = arith.muli %sub3A_494, %mul3A_549 : i32
      %add3A_551 = arith.constant 1152 : i32
      %add3A_552 = arith.addi %add3A_551, %mul3A_550 : i32
      %get3A_553 = arith.index_cast %add3A_552 : i32 to index
      %get3A_554 = tpu.vector_load %arg7[%get3A_553] {strides = array<i32>} : memref<8192xi32, #tpu.memory_space<vmem>>, vector<16xi32>,
      %mul3A_555 = arith.constant 16 : i32
      %mul3A_556 = arith.muli %sub3A_494, %mul3A_555 : i32
      %add3A_557 = arith.constant 1280 : i32
      %add3A_558 = arith.addi %add3A_557, %mul3A_556 : i32
      %get3A_559 = arith.index_cast %add3A_558 : i32 to index
      %get3A_560 = tpu.vector_load %arg7[%get3A_559] {strides = array<i32>} : memref<8192xi32, #tpu.memory_space<vmem>>, vector<16xi32>,
      %mul3A_561 = arith.constant 16 : i32
      %mul3A_562 = arith.muli %sub3A_494, %mul3A_561 : i32
      %add3A_563 = arith.constant 1408 : i32
      %add3A_564 = arith.addi %add3A_563, %mul3A_562 : i32
      %get3A_565 = arith.index_cast %add3A_564 : i32 to index
      %get3A_566 = tpu.vector_load %arg7[%get3A_565] {strides = array<i32>} : memref<8192xi32, #tpu.memory_space<vmem>>, vector<16xi32>,
      %mul3A_567 = arith.constant 16 : i32
      %mul3A_568 = arith.muli %sub3A_494, %mul3A_567 : i32
      %add3A_569 = arith.constant 1536 : i32
      %add3A_570 = arith.addi %add3A_569, %mul3A_568 : i32
      %get3A_571 = arith.index_cast %add3A_570 : i32 to index
      %get3A_572 = tpu.vector_load %arg7[%get3A_571] {strides = array<i32>} : memref<8192xi32, #tpu.memory_space<vmem>>, vector<16xi32>,
      %mul3A_573 = arith.constant 16 : i32
      %mul3A_574 = arith.muli %sub3A_494, %mul3A_573 : i32
      %add3A_575 = arith.constant 1664 : i32
      %add3A_576 = arith.addi %add3A_575, %mul3A_574 : i32
      %get3A_577 = arith.index_cast %add3A_576 : i32 to index
      %get3A_578 = tpu.vector_load %arg7[%get3A_577] {strides = array<i32>} : memref<8192xi32, #tpu.memory_space<vmem>>, vector<16xi32>,
      %mul3A_579 = arith.constant 16 : i32
      %mul3A_580 = arith.muli %sub3A_494, %mul3A_579 : i32
      %add3A_581 = arith.constant 1792 : i32
      %add3A_582 = arith.addi %add3A_581, %mul3A_580 : i32
      %get3A_583 = arith.index_cast %add3A_582 : i32 to index
      %get3A_584 = tpu.vector_load %arg7[%get3A_583] {strides = array<i32>} : memref<8192xi32, #tpu.memory_space<vmem>>, vector<16xi32>,
      %mul3A_585 = arith.constant 16 : i32
      %mul3A_586 = arith.muli %sub3A_494, %mul3A_585 : i32
      %add3A_587 = arith.constant 1920 : i32
      %add3A_588 = arith.addi %add3A_587, %mul3A_586 : i32
      %get3A_589 = arith.index_cast %add3A_588 : i32 to index
      %get3A_590 = tpu.vector_load %arg7[%get3A_589] {strides = array<i32>} : memref<8192xi32, #tpu.memory_space<vmem>>, vector<16xi32>,
      %add3A_591 = arith.addi %get3A_500, %get3A_506 : vector<16xi32>
      %add3A_592 = arith.addi %get3A_512, %get3A_518 : vector<16xi32>
      %add3A_593 = arith.addi %get3A_524, %get3A_530 : vector<16xi32>
      %add3A_594 = arith.addi %get3A_536, %get3A_542 : vector<16xi32>
      %add3A_595 = arith.addi %get3A_548, %get3A_554 : vector<16xi32>
      %add3A_596 = arith.addi %get3A_560, %get3A_566 : vector<16xi32>
      %add3A_597 = arith.addi %get3A_572, %get3A_578 : vector<16xi32>
      %add3A_598 = arith.addi %get3A_584, %get3A_590 : vector<16xi32>
      %add3A_599 = arith.addi %add3A_591, %add3A_592 : vector<16xi32>
      %add3A_600 = arith.addi %add3A_593, %add3A_594 : vector<16xi32>
      %add3A_601 = arith.addi %add3A_595, %add3A_596 : vector<16xi32>
      %add3A_602 = arith.addi %add3A_597, %add3A_598 : vector<16xi32>
      %add3A_603 = arith.addi %add3A_599, %add3A_600 : vector<16xi32>
      %add3A_604 = arith.addi %add3A_601, %add3A_602 : vector<16xi32>
      %add3A_605 = arith.addi %add3A_603, %add3A_604 : vector<16xi32>
      %mul3A_606 = arith.constant 16 : i32
      %mul3A_607 = arith.muli %sub3A_494, %mul3A_606 : i32
      %add3A_608 = arith.constant 0 : i32
      %add3A_609 = arith.addi %add3A_608, %mul3A_607 : i32
      %get3A_610 = arith.index_cast %add3A_609 : i32 to index
      %get3A_611 = tpu.vector_load %arg8[%get3A_610] {strides = array<i32>} : memref<8192xf32, #tpu.memory_space<vmem>>, vector<16xf32>,
      %mul3A_612 = arith.constant 16 : i32
      %mul3A_613 = arith.muli %sub3A_494, %mul3A_612 : i32
      %add3A_614 = arith.constant 128 : i32
      %add3A_615 = arith.addi %add3A_614, %mul3A_613 : i32
      %get3A_616 = arith.index_cast %add3A_615 : i32 to index
      %get3A_617 = tpu.vector_load %arg8[%get3A_616] {strides = array<i32>} : memref<8192xf32, #tpu.memory_space<vmem>>, vector<16xf32>,
      %mul3A_618 = arith.constant 16 : i32
      %mul3A_619 = arith.muli %sub3A_494, %mul3A_618 : i32
      %add3A_620 = arith.constant 256 : i32
      %add3A_621 = arith.addi %add3A_620, %mul3A_619 : i32
      %get3A_622 = arith.index_cast %add3A_621 : i32 to index
      %get3A_623 = tpu.vector_load %arg8[%get3A_622] {strides = array<i32>} : memref<8192xf32, #tpu.memory_space<vmem>>, vector<16xf32>,
      %mul3A_624 = arith.constant 16 : i32
      %mul3A_625 = arith.muli %sub3A_494, %mul3A_624 : i32
      %add3A_626 = arith.constant 384 : i32
      %add3A_627 = arith.addi %add3A_626, %mul3A_625 : i32
      %get3A_628 = arith.index_cast %add3A_627 : i32 to index
      %get3A_629 = tpu.vector_load %arg8[%get3A_628] {strides = array<i32>} : memref<8192xf32, #tpu.memory_space<vmem>>, vector<16xf32>,
      %mul3A_630 = arith.constant 16 : i32
      %mul3A_631 = arith.muli %sub3A_494, %mul3A_630 : i32
      %add3A_632 = arith.constant 512 : i32
      %add3A_633 = arith.addi %add3A_632, %mul3A_631 : i32
      %get3A_634 = arith.index_cast %add3A_633 : i32 to index
      %get3A_635 = tpu.vector_load %arg8[%get3A_634] {strides = array<i32>} : memref<8192xf32, #tpu.memory_space<vmem>>, vector<16xf32>,
      %mul3A_636 = arith.constant 16 : i32
      %mul3A_637 = arith.muli %sub3A_494, %mul3A_636 : i32
      %add3A_638 = arith.constant 640 : i32
      %add3A_639 = arith.addi %add3A_638, %mul3A_637 : i32
      %get3A_640 = arith.index_cast %add3A_639 : i32 to index
      %get3A_641 = tpu.vector_load %arg8[%get3A_640] {strides = array<i32>} : memref<8192xf32, #tpu.memory_space<vmem>>, vector<16xf32>,
      %mul3A_642 = arith.constant 16 : i32
      %mul3A_643 = arith.muli %sub3A_494, %mul3A_642 : i32
      %add3A_644 = arith.constant 768 : i32
      %add3A_645 = arith.addi %add3A_644, %mul3A_643 : i32
      %get3A_646 = arith.index_cast %add3A_645 : i32 to index
      %get3A_647 = tpu.vector_load %arg8[%get3A_646] {strides = array<i32>} : memref<8192xf32, #tpu.memory_space<vmem>>, vector<16xf32>,
      %mul3A_648 = arith.constant 16 : i32
      %mul3A_649 = arith.muli %sub3A_494, %mul3A_648 : i32
      %add3A_650 = arith.constant 896 : i32
      %add3A_651 = arith.addi %add3A_650, %mul3A_649 : i32
      %get3A_652 = arith.index_cast %add3A_651 : i32 to index
      %get3A_653 = tpu.vector_load %arg8[%get3A_652] {strides = array<i32>} : memref<8192xf32, #tpu.memory_space<vmem>>, vector<16xf32>,
      %mul3A_654 = arith.constant 16 : i32
      %mul3A_655 = arith.muli %sub3A_494, %mul3A_654 : i32
      %add3A_656 = arith.constant 1024 : i32
      %add3A_657 = arith.addi %add3A_656, %mul3A_655 : i32
      %get3A_658 = arith.index_cast %add3A_657 : i32 to index
      %get3A_659 = tpu.vector_load %arg8[%get3A_658] {strides = array<i32>} : memref<8192xf32, #tpu.memory_space<vmem>>, vector<16xf32>,
      %mul3A_660 = arith.constant 16 : i32
      %mul3A_661 = arith.muli %sub3A_494, %mul3A_660 : i32
      %add3A_662 = arith.constant 1152 : i32
      %add3A_663 = arith.addi %add3A_662, %mul3A_661 : i32
      %get3A_664 = arith.index_cast %add3A_663 : i32 to index
      %get3A_665 = tpu.vector_load %arg8[%get3A_664] {strides = array<i32>} : memref<8192xf32, #tpu.memory_space<vmem>>, vector<16xf32>,
      %mul3A_666 = arith.constant 16 : i32
      %mul3A_667 = arith.muli %sub3A_494, %mul3A_666 : i32
      %add3A_668 = arith.constant 1280 : i32
      %add3A_669 = arith.addi %add3A_668, %mul3A_667 : i32
      %get3A_670 = arith.index_cast %add3A_669 : i32 to index
      %get3A_671 = tpu.vector_load %arg8[%get3A_670] {strides = array<i32>} : memref<8192xf32, #tpu.memory_space<vmem>>, vector<16xf32>,
      %mul3A_672 = arith.constant 16 : i32
      %mul3A_673 = arith.muli %sub3A_494, %mul3A_672 : i32
      %add3A_674 = arith.constant 1408 : i32
      %add3A_675 = arith.addi %add3A_674, %mul3A_673 : i32
      %get3A_676 = arith.index_cast %add3A_675 : i32 to index
      %get3A_677 = tpu.vector_load %arg8[%get3A_676] {strides = array<i32>} : memref<8192xf32, #tpu.memory_space<vmem>>, vector<16xf32>,
      %mul3A_678 = arith.constant 16 : i32
      %mul3A_679 = arith.muli %sub3A_494, %mul3A_678 : i32
      %add3A_680 = arith.constant 1536 : i32
      %add3A_681 = arith.addi %add3A_680, %mul3A_679 : i32
      %get3A_682 = arith.index_cast %add3A_681 : i32 to index
      %get3A_683 = tpu.vector_load %arg8[%get3A_682] {strides = array<i32>} : memref<8192xf32, #tpu.memory_space<vmem>>, vector<16xf32>,
      %mul3A_684 = arith.constant 16 : i32
      %mul3A_685 = arith.muli %sub3A_494, %mul3A_684 : i32
      %add3A_686 = arith.constant 1664 : i32
      %add3A_687 = arith.addi %add3A_686, %mul3A_685 : i32
      %get3A_688 = arith.index_cast %add3A_687 : i32 to index
      %get3A_689 = tpu.vector_load %arg8[%get3A_688] {strides = array<i32>} : memref<8192xf32, #tpu.memory_space<vmem>>, vector<16xf32>,
      %mul3A_690 = arith.constant 16 : i32
      %mul3A_691 = arith.muli %sub3A_494, %mul3A_690 : i32
      %add3A_692 = arith.constant 1792 : i32
      %add3A_693 = arith.addi %add3A_692, %mul3A_691 : i32
      %get3A_694 = arith.index_cast %add3A_693 : i32 to index
      %get3A_695 = tpu.vector_load %arg8[%get3A_694] {strides = array<i32>} : memref<8192xf32, #tpu.memory_space<vmem>>, vector<16xf32>,
      %mul3A_696 = arith.constant 16 : i32
      %mul3A_697 = arith.muli %sub3A_494, %mul3A_696 : i32
      %add3A_698 = arith.constant 1920 : i32
      %add3A_699 = arith.addi %add3A_698, %mul3A_697 : i32
      %get3A_700 = arith.index_cast %add3A_699 : i32 to index
      %get3A_701 = tpu.vector_load %arg8[%get3A_700] {strides = array<i32>} : memref<8192xf32, #tpu.memory_space<vmem>>, vector<16xf32>,
      %add3A_702 = arith.addf %get3A_611, %get3A_617 : vector<16xf32>
      %add3A_703 = arith.addf %get3A_623, %get3A_629 : vector<16xf32>
      %add3A_704 = arith.addf %get3A_635, %get3A_641 : vector<16xf32>
      %add3A_705 = arith.addf %get3A_647, %get3A_653 : vector<16xf32>
      %add3A_706 = arith.addf %get3A_659, %get3A_665 : vector<16xf32>
      %add3A_707 = arith.addf %get3A_671, %get3A_677 : vector<16xf32>
      %add3A_708 = arith.addf %get3A_683, %get3A_689 : vector<16xf32>
      %add3A_709 = arith.addf %get3A_695, %get3A_701 : vector<16xf32>
      %add3A_710 = arith.addf %add3A_702, %add3A_703 : vector<16xf32>
      %add3A_711 = arith.addf %add3A_704, %add3A_705 : vector<16xf32>
      %add3A_712 = arith.addf %add3A_706, %add3A_707 : vector<16xf32>
      %add3A_713 = arith.addf %add3A_708, %add3A_709 : vector<16xf32>
      %add3A_714 = arith.addf %add3A_710, %add3A_711 : vector<16xf32>
      %add3A_715 = arith.addf %add3A_712, %add3A_713 : vector<16xf32>
      %add3A_716 = arith.addf %add3A_714, %add3A_715 : vector<16xf32>
      %reduce_sum3A_717 = arith.constant true
      %reduce_sum3A_718 = vector.broadcast %reduce_sum3A_717 : i1 to vector<16xi1>
      %reduce_sum3A_719 = tpu.scan <sum>, %add3A_605 masked %reduce_sum3A_718 : vector<16xi32>, vector<16xi1> -> vector<16xi32>
      %reduce_sum3A_720 = vector.extract %reduce_sum3A_719[15] : i32 from vector<16xi32>
      %reduce_sum3A_721 = arith.constant true
      %reduce_sum3A_722 = vector.broadcast %reduce_sum3A_721 : i1 to vector<16xi1>
      %reduce_sum3A_723 = tpu.scan <sum>, %add3A_716 masked %reduce_sum3A_722 : vector<16xf32>, vector<16xi1> -> vector<16xf32>
      %reduce_sum3A_724 = vector.extract %reduce_sum3A_723[15] : f32 from vector<16xf32>
      %broadcast_in_dim3A_725 = arith.constant true
      %broadcast_in_dim3A_726 = vector.broadcast %broadcast_in_dim3A_725 : i1 to vector<16xi1>
      %masked_cumsum3A = tpu.scan <sum>, %add3A_605 masked %broadcast_in_dim3A_726 : vector<16xi32>, vector<16xi1> -> vector<16xi32>
      %sub3A_727 = vector.broadcast %reduce_sum3A_720 : i32 to vector<16xi32>
      %sub3A_728 = arith.subi %sub3A_727, %masked_cumsum3A : vector<16xi32>
      %broadcast_in_dim3A_729 = arith.constant true
      %broadcast_in_dim3A_730 = vector.broadcast %broadcast_in_dim3A_729 : i1 to vector<16xi1>
      %masked_cumsum3A_731 = tpu.scan <sum>, %add3A_716 masked %broadcast_in_dim3A_730 : vector<16xf32>, vector<16xi1> -> vector<16xf32>
      %sub3A_732 = vector.broadcast %reduce_sum3A_724 : f32 to vector<16xf32>
      %sub3A_733 = arith.subf %sub3A_732, %masked_cumsum3A_731 : vector<16xf32>
      %add3A_734 = vector.broadcast %scan3A_469 : i32 to vector<16xi32>
      %add3A_735 = arith.addi %add3A_734, %sub3A_728 : vector<16xi32>
      %lt3A = vector.broadcast %scan3A_204 : i32 to vector<16xi32>
      %lt3A_736 = arith.cmpi slt, %add3A_735, %lt3A : vector<16xi32>
      %add3A_737 = arith.addi %add3A_735, %add3A_605 : vector<16xi32>
      %ge3A_738 = vector.broadcast %scan3A_204 : i32 to vector<16xi32>
      %ge3A_739 = arith.cmpi sge, %add3A_737, %ge3A_738 : vector<16xi32>
      %and3A = arith.andi %lt3A_736, %ge3A_739 : vector<16xi1>
      %jit3A_740 = arith.constant 0 : i32
      %broadcast_in_dim3A_741 = vector.broadcast %jit3A_740 : i32 to vector<16xi32>
      %select_n3A_742 = arith.select %and3A, %add3A_735, %broadcast_in_dim3A_741 : vector<16xi1>, vector<16xi32>
      %add3A_743 = arith.addi %scan3A_471, %select_n3A_742 : vector<16xi32>
      %add3A_744 = vector.broadcast %scan3A_470 : f32 to vector<16xf32>
      %add3A_745 = arith.addf %add3A_744, %sub3A_733 : vector<16xf32>
      %jit3A_746 = arith.constant 0.000000e+00 : f32
      %broadcast_in_dim3A_747 = vector.broadcast %jit3A_746 : f32 to vector<16xf32>
      %select_n3A_748 = arith.select %and3A, %add3A_745, %broadcast_in_dim3A_747 : vector<16xi1>, vector<16xf32>
      %add3A_749 = arith.addf %scan3A_472, %select_n3A_748 : vector<16xf32>
      %jit3A_750 = arith.constant 0 : i32
      %broadcast_in_dim3A_751 = vector.broadcast %jit3A_750 : i32 to vector<16xi32>
      %select_n3A_752 = arith.select %and3A, %add3A_605, %broadcast_in_dim3A_751 : vector<16xi1>, vector<16xi32>
      %add3A_753 = arith.addi %scan3A_473, %select_n3A_752 : vector<16xi32>
      %jit3A_754 = arith.constant 0.000000e+00 : f32
      %broadcast_in_dim3A_755 = vector.broadcast %jit3A_754 : f32 to vector<16xf32>
      %select_n3A_756 = arith.select %and3A, %add3A_716, %broadcast_in_dim3A_755 : vector<16xi1>, vector<16xf32>
      %add3A_757 = arith.addf %scan3A_474, %select_n3A_756 : vector<16xf32>
      %add3A_758 = arith.addi %scan3A_469, %reduce_sum3A_720 : i32
      %add3A_759 = arith.addf %scan3A_470, %reduce_sum3A_724 : f32
      %mul3A_760 = arith.constant 16 : i32
      %mul3A_761 = arith.muli %sub3A_494, %mul3A_760 : i32
      %add3A_762 = arith.constant 2048 : i32
      %add3A_763 = arith.addi %add3A_762, %mul3A_761 : i32
      %get3A_764 = arith.index_cast %add3A_763 : i32 to index
      %get3A_765 = tpu.vector_load %arg7[%get3A_764] {strides = array<i32>} : memref<8192xi32, #tpu.memory_space<vmem>>, vector<16xi32>,
      %mul3A_766 = arith.constant 16 : i32
      %mul3A_767 = arith.muli %sub3A_494, %mul3A_766 : i32
      %add3A_768 = arith.constant 2176 : i32
      %add3A_769 = arith.addi %add3A_768, %mul3A_767 : i32
      %get3A_770 = arith.index_cast %add3A_769 : i32 to index
      %get3A_771 = tpu.vector_load %arg7[%get3A_770] {strides = array<i32>} : memref<8192xi32, #tpu.memory_space<vmem>>, vector<16xi32>,
      %mul3A_772 = arith.constant 16 : i32
      %mul3A_773 = arith.muli %sub3A_494, %mul3A_772 : i32
      %add3A_774 = arith.constant 2304 : i32
      %add3A_775 = arith.addi %add3A_774, %mul3A_773 : i32
      %get3A_776 = arith.index_cast %add3A_775 : i32 to index
      %get3A_777 = tpu.vector_load %arg7[%get3A_776] {strides = array<i32>} : memref<8192xi32, #tpu.memory_space<vmem>>, vector<16xi32>,
      %mul3A_778 = arith.constant 16 : i32
      %mul3A_779 = arith.muli %sub3A_494, %mul3A_778 : i32
      %add3A_780 = arith.constant 2432 : i32
      %add3A_781 = arith.addi %add3A_780, %mul3A_779 : i32
      %get3A_782 = arith.index_cast %add3A_781 : i32 to index
      %get3A_783 = tpu.vector_load %arg7[%get3A_782] {strides = array<i32>} : memref<8192xi32, #tpu.memory_space<vmem>>, vector<16xi32>,
      %mul3A_784 = arith.constant 16 : i32
      %mul3A_785 = arith.muli %sub3A_494, %mul3A_784 : i32
      %add3A_786 = arith.constant 2560 : i32
      %add3A_787 = arith.addi %add3A_786, %mul3A_785 : i32
      %get3A_788 = arith.index_cast %add3A_787 : i32 to index
      %get3A_789 = tpu.vector_load %arg7[%get3A_788] {strides = array<i32>} : memref<8192xi32, #tpu.memory_space<vmem>>, vector<16xi32>,
      %mul3A_790 = arith.constant 16 : i32
      %mul3A_791 = arith.muli %sub3A_494, %mul3A_790 : i32
      %add3A_792 = arith.constant 2688 : i32
      %add3A_793 = arith.addi %add3A_792, %mul3A_791 : i32
      %get3A_794 = arith.index_cast %add3A_793 : i32 to index
      %get3A_795 = tpu.vector_load %arg7[%get3A_794] {strides = array<i32>} : memref<8192xi32, #tpu.memory_space<vmem>>, vector<16xi32>,
      %mul3A_796 = arith.constant 16 : i32
      %mul3A_797 = arith.muli %sub3A_494, %mul3A_796 : i32
      %add3A_798 = arith.constant 2816 : i32
      %add3A_799 = arith.addi %add3A_798, %mul3A_797 : i32
      %get3A_800 = arith.index_cast %add3A_799 : i32 to index
      %get3A_801 = tpu.vector_load %arg7[%get3A_800] {strides = array<i32>} : memref<8192xi32, #tpu.memory_space<vmem>>, vector<16xi32>,
      %mul3A_802 = arith.constant 16 : i32
      %mul3A_803 = arith.muli %sub3A_494, %mul3A_802 : i32
      %add3A_804 = arith.constant 2944 : i32
      %add3A_805 = arith.addi %add3A_804, %mul3A_803 : i32
      %get3A_806 = arith.index_cast %add3A_805 : i32 to index
      %get3A_807 = tpu.vector_load %arg7[%get3A_806] {strides = array<i32>} : memref<8192xi32, #tpu.memory_space<vmem>>, vector<16xi32>,
      %mul3A_808 = arith.constant 16 : i32
      %mul3A_809 = arith.muli %sub3A_494, %mul3A_808 : i32
      %add3A_810 = arith.constant 3072 : i32
      %add3A_811 = arith.addi %add3A_810, %mul3A_809 : i32
      %get3A_812 = arith.index_cast %add3A_811 : i32 to index
      %get3A_813 = tpu.vector_load %arg7[%get3A_812] {strides = array<i32>} : memref<8192xi32, #tpu.memory_space<vmem>>, vector<16xi32>,
      %mul3A_814 = arith.constant 16 : i32
      %mul3A_815 = arith.muli %sub3A_494, %mul3A_814 : i32
      %add3A_816 = arith.constant 3200 : i32
      %add3A_817 = arith.addi %add3A_816, %mul3A_815 : i32
      %get3A_818 = arith.index_cast %add3A_817 : i32 to index
      %get3A_819 = tpu.vector_load %arg7[%get3A_818] {strides = array<i32>} : memref<8192xi32, #tpu.memory_space<vmem>>, vector<16xi32>,
      %mul3A_820 = arith.constant 16 : i32
      %mul3A_821 = arith.muli %sub3A_494, %mul3A_820 : i32
      %add3A_822 = arith.constant 3328 : i32
      %add3A_823 = arith.addi %add3A_822, %mul3A_821 : i32
      %get3A_824 = arith.index_cast %add3A_823 : i32 to index
      %get3A_825 = tpu.vector_load %arg7[%get3A_824] {strides = array<i32>} : memref<8192xi32, #tpu.memory_space<vmem>>, vector<16xi32>,
      %mul3A_826 = arith.constant 16 : i32
      %mul3A_827 = arith.muli %sub3A_494, %mul3A_826 : i32
      %add3A_828 = arith.constant 3456 : i32
      %add3A_829 = arith.addi %add3A_828, %mul3A_827 : i32
      %get3A_830 = arith.index_cast %add3A_829 : i32 to index
      %get3A_831 = tpu.vector_load %arg7[%get3A_830] {strides = array<i32>} : memref<8192xi32, #tpu.memory_space<vmem>>, vector<16xi32>,
      %mul3A_832 = arith.constant 16 : i32
      %mul3A_833 = arith.muli %sub3A_494, %mul3A_832 : i32
      %add3A_834 = arith.constant 3584 : i32
      %add3A_835 = arith.addi %add3A_834, %mul3A_833 : i32
      %get3A_836 = arith.index_cast %add3A_835 : i32 to index
      %get3A_837 = tpu.vector_load %arg7[%get3A_836] {strides = array<i32>} : memref<8192xi32, #tpu.memory_space<vmem>>, vector<16xi32>,
      %mul3A_838 = arith.constant 16 : i32
      %mul3A_839 = arith.muli %sub3A_494, %mul3A_838 : i32
      %add3A_840 = arith.constant 3712 : i32
      %add3A_841 = arith.addi %add3A_840, %mul3A_839 : i32
      %get3A_842 = arith.index_cast %add3A_841 : i32 to index
      %get3A_843 = tpu.vector_load %arg7[%get3A_842] {strides = array<i32>} : memref<8192xi32, #tpu.memory_space<vmem>>, vector<16xi32>,
      %mul3A_844 = arith.constant 16 : i32
      %mul3A_845 = arith.muli %sub3A_494, %mul3A_844 : i32
      %add3A_846 = arith.constant 3840 : i32
      %add3A_847 = arith.addi %add3A_846, %mul3A_845 : i32
      %get3A_848 = arith.index_cast %add3A_847 : i32 to index
      %get3A_849 = tpu.vector_load %arg7[%get3A_848] {strides = array<i32>} : memref<8192xi32, #tpu.memory_space<vmem>>, vector<16xi32>,
      %mul3A_850 = arith.constant 16 : i32
      %mul3A_851 = arith.muli %sub3A_494, %mul3A_850 : i32
      %add3A_852 = arith.constant 3968 : i32
      %add3A_853 = arith.addi %add3A_852, %mul3A_851 : i32
      %get3A_854 = arith.index_cast %add3A_853 : i32 to index
      %get3A_855 = tpu.vector_load %arg7[%get3A_854] {strides = array<i32>} : memref<8192xi32, #tpu.memory_space<vmem>>, vector<16xi32>,
      %add3A_856 = arith.addi %get3A_765, %get3A_771 : vector<16xi32>
      %add3A_857 = arith.addi %get3A_777, %get3A_783 : vector<16xi32>
      %add3A_858 = arith.addi %get3A_789, %get3A_795 : vector<16xi32>
      %add3A_859 = arith.addi %get3A_801, %get3A_807 : vector<16xi32>
      %add3A_860 = arith.addi %get3A_813, %get3A_819 : vector<16xi32>
      %add3A_861 = arith.addi %get3A_825, %get3A_831 : vector<16xi32>
      %add3A_862 = arith.addi %get3A_837, %get3A_843 : vector<16xi32>
      %add3A_863 = arith.addi %get3A_849, %get3A_855 : vector<16xi32>
      %add3A_864 = arith.addi %add3A_856, %add3A_857 : vector<16xi32>
      %add3A_865 = arith.addi %add3A_858, %add3A_859 : vector<16xi32>
      %add3A_866 = arith.addi %add3A_860, %add3A_861 : vector<16xi32>
      %add3A_867 = arith.addi %add3A_862, %add3A_863 : vector<16xi32>
      %add3A_868 = arith.addi %add3A_864, %add3A_865 : vector<16xi32>
      %add3A_869 = arith.addi %add3A_866, %add3A_867 : vector<16xi32>
      %add3A_870 = arith.addi %add3A_868, %add3A_869 : vector<16xi32>
      %mul3A_871 = arith.constant 16 : i32
      %mul3A_872 = arith.muli %sub3A_494, %mul3A_871 : i32
      %add3A_873 = arith.constant 2048 : i32
      %add3A_874 = arith.addi %add3A_873, %mul3A_872 : i32
      %get3A_875 = arith.index_cast %add3A_874 : i32 to index
      %get3A_876 = tpu.vector_load %arg8[%get3A_875] {strides = array<i32>} : memref<8192xf32, #tpu.memory_space<vmem>>, vector<16xf32>,
      %mul3A_877 = arith.constant 16 : i32
      %mul3A_878 = arith.muli %sub3A_494, %mul3A_877 : i32
      %add3A_879 = arith.constant 2176 : i32
      %add3A_880 = arith.addi %add3A_879, %mul3A_878 : i32
      %get3A_881 = arith.index_cast %add3A_880 : i32 to index
      %get3A_882 = tpu.vector_load %arg8[%get3A_881] {strides = array<i32>} : memref<8192xf32, #tpu.memory_space<vmem>>, vector<16xf32>,
      %mul3A_883 = arith.constant 16 : i32
      %mul3A_884 = arith.muli %sub3A_494, %mul3A_883 : i32
      %add3A_885 = arith.constant 2304 : i32
      %add3A_886 = arith.addi %add3A_885, %mul3A_884 : i32
      %get3A_887 = arith.index_cast %add3A_886 : i32 to index
      %get3A_888 = tpu.vector_load %arg8[%get3A_887] {strides = array<i32>} : memref<8192xf32, #tpu.memory_space<vmem>>, vector<16xf32>,
      %mul3A_889 = arith.constant 16 : i32
      %mul3A_890 = arith.muli %sub3A_494, %mul3A_889 : i32
      %add3A_891 = arith.constant 2432 : i32
      %add3A_892 = arith.addi %add3A_891, %mul3A_890 : i32
      %get3A_893 = arith.index_cast %add3A_892 : i32 to index
      %get3A_894 = tpu.vector_load %arg8[%get3A_893] {strides = array<i32>} : memref<8192xf32, #tpu.memory_space<vmem>>, vector<16xf32>,
      %mul3A_895 = arith.constant 16 : i32
      %mul3A_896 = arith.muli %sub3A_494, %mul3A_895 : i32
      %add3A_897 = arith.constant 2560 : i32
      %add3A_898 = arith.addi %add3A_897, %mul3A_896 : i32
      %get3A_899 = arith.index_cast %add3A_898 : i32 to index
      %get3A_900 = tpu.vector_load %arg8[%get3A_899] {strides = array<i32>} : memref<8192xf32, #tpu.memory_space<vmem>>, vector<16xf32>,
      %mul3A_901 = arith.constant 16 : i32
      %mul3A_902 = arith.muli %sub3A_494, %mul3A_901 : i32
      %add3A_903 = arith.constant 2688 : i32
      %add3A_904 = arith.addi %add3A_903, %mul3A_902 : i32
      %get3A_905 = arith.index_cast %add3A_904 : i32 to index
      %get3A_906 = tpu.vector_load %arg8[%get3A_905] {strides = array<i32>} : memref<8192xf32, #tpu.memory_space<vmem>>, vector<16xf32>,
      %mul3A_907 = arith.constant 16 : i32
      %mul3A_908 = arith.muli %sub3A_494, %mul3A_907 : i32
      %add3A_909 = arith.constant 2816 : i32
      %add3A_910 = arith.addi %add3A_909, %mul3A_908 : i32
      %get3A_911 = arith.index_cast %add3A_910 : i32 to index
      %get3A_912 = tpu.vector_load %arg8[%get3A_911] {strides = array<i32>} : memref<8192xf32, #tpu.memory_space<vmem>>, vector<16xf32>,
      %mul3A_913 = arith.constant 16 : i32
      %mul3A_914 = arith.muli %sub3A_494, %mul3A_913 : i32
      %add3A_915 = arith.constant 2944 : i32
      %add3A_916 = arith.addi %add3A_915, %mul3A_914 : i32
      %get3A_917 = arith.index_cast %add3A_916 : i32 to index
      %get3A_918 = tpu.vector_load %arg8[%get3A_917] {strides = array<i32>} : memref<8192xf32, #tpu.memory_space<vmem>>, vector<16xf32>,
      %mul3A_919 = arith.constant 16 : i32
      %mul3A_920 = arith.muli %sub3A_494, %mul3A_919 : i32
      %add3A_921 = arith.constant 3072 : i32
      %add3A_922 = arith.addi %add3A_921, %mul3A_920 : i32
      %get3A_923 = arith.index_cast %add3A_922 : i32 to index
      %get3A_924 = tpu.vector_load %arg8[%get3A_923] {strides = array<i32>} : memref<8192xf32, #tpu.memory_space<vmem>>, vector<16xf32>,
      %mul3A_925 = arith.constant 16 : i32
      %mul3A_926 = arith.muli %sub3A_494, %mul3A_925 : i32
      %add3A_927 = arith.constant 3200 : i32
      %add3A_928 = arith.addi %add3A_927, %mul3A_926 : i32
      %get3A_929 = arith.index_cast %add3A_928 : i32 to index
      %get3A_930 = tpu.vector_load %arg8[%get3A_929] {strides = array<i32>} : memref<8192xf32, #tpu.memory_space<vmem>>, vector<16xf32>,
      %mul3A_931 = arith.constant 16 : i32
      %mul3A_932 = arith.muli %sub3A_494, %mul3A_931 : i32
      %add3A_933 = arith.constant 3328 : i32
      %add3A_934 = arith.addi %add3A_933, %mul3A_932 : i32
      %get3A_935 = arith.index_cast %add3A_934 : i32 to index
      %get3A_936 = tpu.vector_load %arg8[%get3A_935] {strides = array<i32>} : memref<8192xf32, #tpu.memory_space<vmem>>, vector<16xf32>,
      %mul3A_937 = arith.constant 16 : i32
      %mul3A_938 = arith.muli %sub3A_494, %mul3A_937 : i32
      %add3A_939 = arith.constant 3456 : i32
      %add3A_940 = arith.addi %add3A_939, %mul3A_938 : i32
      %get3A_941 = arith.index_cast %add3A_940 : i32 to index
      %get3A_942 = tpu.vector_load %arg8[%get3A_941] {strides = array<i32>} : memref<8192xf32, #tpu.memory_space<vmem>>, vector<16xf32>,
      %mul3A_943 = arith.constant 16 : i32
      %mul3A_944 = arith.muli %sub3A_494, %mul3A_943 : i32
      %add3A_945 = arith.constant 3584 : i32
      %add3A_946 = arith.addi %add3A_945, %mul3A_944 : i32
      %get3A_947 = arith.index_cast %add3A_946 : i32 to index
      %get3A_948 = tpu.vector_load %arg8[%get3A_947] {strides = array<i32>} : memref<8192xf32, #tpu.memory_space<vmem>>, vector<16xf32>,
      %mul3A_949 = arith.constant 16 : i32
      %mul3A_950 = arith.muli %sub3A_494, %mul3A_949 : i32
      %add3A_951 = arith.constant 3712 : i32
      %add3A_952 = arith.addi %add3A_951, %mul3A_950 : i32
      %get3A_953 = arith.index_cast %add3A_952 : i32 to index
      %get3A_954 = tpu.vector_load %arg8[%get3A_953] {strides = array<i32>} : memref<8192xf32, #tpu.memory_space<vmem>>, vector<16xf32>,
      %mul3A_955 = arith.constant 16 : i32
      %mul3A_956 = arith.muli %sub3A_494, %mul3A_955 : i32
      %add3A_957 = arith.constant 3840 : i32
      %add3A_958 = arith.addi %add3A_957, %mul3A_956 : i32
      %get3A_959 = arith.index_cast %add3A_958 : i32 to index
      %get3A_960 = tpu.vector_load %arg8[%get3A_959] {strides = array<i32>} : memref<8192xf32, #tpu.memory_space<vmem>>, vector<16xf32>,
      %mul3A_961 = arith.constant 16 : i32
      %mul3A_962 = arith.muli %sub3A_494, %mul3A_961 : i32
      %add3A_963 = arith.constant 3968 : i32
      %add3A_964 = arith.addi %add3A_963, %mul3A_962 : i32
      %get3A_965 = arith.index_cast %add3A_964 : i32 to index
      %get3A_966 = tpu.vector_load %arg8[%get3A_965] {strides = array<i32>} : memref<8192xf32, #tpu.memory_space<vmem>>, vector<16xf32>,
      %add3A_967 = arith.addf %get3A_876, %get3A_882 : vector<16xf32>
      %add3A_968 = arith.addf %get3A_888, %get3A_894 : vector<16xf32>
      %add3A_969 = arith.addf %get3A_900, %get3A_906 : vector<16xf32>
      %add3A_970 = arith.addf %get3A_912, %get3A_918 : vector<16xf32>
      %add3A_971 = arith.addf %get3A_924, %get3A_930 : vector<16xf32>
      %add3A_972 = arith.addf %get3A_936, %get3A_942 : vector<16xf32>
      %add3A_973 = arith.addf %get3A_948, %get3A_954 : vector<16xf32>
      %add3A_974 = arith.addf %get3A_960, %get3A_966 : vector<16xf32>
      %add3A_975 = arith.addf %add3A_967, %add3A_968 : vector<16xf32>
      %add3A_976 = arith.addf %add3A_969, %add3A_970 : vector<16xf32>
      %add3A_977 = arith.addf %add3A_971, %add3A_972 : vector<16xf32>
      %add3A_978 = arith.addf %add3A_973, %add3A_974 : vector<16xf32>
      %add3A_979 = arith.addf %add3A_975, %add3A_976 : vector<16xf32>
      %add3A_980 = arith.addf %add3A_977, %add3A_978 : vector<16xf32>
      %add3A_981 = arith.addf %add3A_979, %add3A_980 : vector<16xf32>
      %reduce_sum3A_982 = arith.constant true
      %reduce_sum3A_983 = vector.broadcast %reduce_sum3A_982 : i1 to vector<16xi1>
      %reduce_sum3A_984 = tpu.scan <sum>, %add3A_870 masked %reduce_sum3A_983 : vector<16xi32>, vector<16xi1> -> vector<16xi32>
      %reduce_sum3A_985 = vector.extract %reduce_sum3A_984[15] : i32 from vector<16xi32>
      %reduce_sum3A_986 = arith.constant true
      %reduce_sum3A_987 = vector.broadcast %reduce_sum3A_986 : i1 to vector<16xi1>
      %reduce_sum3A_988 = tpu.scan <sum>, %add3A_981 masked %reduce_sum3A_987 : vector<16xf32>, vector<16xi1> -> vector<16xf32>
      %reduce_sum3A_989 = vector.extract %reduce_sum3A_988[15] : f32 from vector<16xf32>
      %broadcast_in_dim3A_990 = arith.constant true
      %broadcast_in_dim3A_991 = vector.broadcast %broadcast_in_dim3A_990 : i1 to vector<16xi1>
      %masked_cumsum3A_992 = tpu.scan <sum>, %add3A_870 masked %broadcast_in_dim3A_991 : vector<16xi32>, vector<16xi1> -> vector<16xi32>
      %sub3A_993 = vector.broadcast %reduce_sum3A_985 : i32 to vector<16xi32>
      %sub3A_994 = arith.subi %sub3A_993, %masked_cumsum3A_992 : vector<16xi32>
      %broadcast_in_dim3A_995 = arith.constant true
      %broadcast_in_dim3A_996 = vector.broadcast %broadcast_in_dim3A_995 : i1 to vector<16xi1>
      %masked_cumsum3A_997 = tpu.scan <sum>, %add3A_981 masked %broadcast_in_dim3A_996 : vector<16xf32>, vector<16xi1> -> vector<16xf32>
      %sub3A_998 = vector.broadcast %reduce_sum3A_989 : f32 to vector<16xf32>
      %sub3A_999 = arith.subf %sub3A_998, %masked_cumsum3A_997 : vector<16xf32>
      %add3A_1000 = vector.broadcast %scan3A_475 : i32 to vector<16xi32>
      %add3A_1001 = arith.addi %add3A_1000, %sub3A_994 : vector<16xi32>
      %lt3A_1002 = vector.broadcast %scan3A_204 : i32 to vector<16xi32>
      %lt3A_1003 = arith.cmpi slt, %add3A_1001, %lt3A_1002 : vector<16xi32>
      %add3A_1004 = arith.addi %add3A_1001, %add3A_870 : vector<16xi32>
      %ge3A_1005 = vector.broadcast %scan3A_204 : i32 to vector<16xi32>
      %ge3A_1006 = arith.cmpi sge, %add3A_1004, %ge3A_1005 : vector<16xi32>
      %and3A_1007 = arith.andi %lt3A_1003, %ge3A_1006 : vector<16xi1>
      %jit3A_1008 = arith.constant 0 : i32
      %broadcast_in_dim3A_1009 = vector.broadcast %jit3A_1008 : i32 to vector<16xi32>
      %select_n3A_1010 = arith.select %and3A_1007, %add3A_1001, %broadcast_in_dim3A_1009 : vector<16xi1>, vector<16xi32>
      %add3A_1011 = arith.addi %scan3A_477, %select_n3A_1010 : vector<16xi32>
      %add3A_1012 = vector.broadcast %scan3A_476 : f32 to vector<16xf32>
      %add3A_1013 = arith.addf %add3A_1012, %sub3A_999 : vector<16xf32>
      %jit3A_1014 = arith.constant 0.000000e+00 : f32
      %broadcast_in_dim3A_1015 = vector.broadcast %jit3A_1014 : f32 to vector<16xf32>
      %select_n3A_1016 = arith.select %and3A_1007, %add3A_1013, %broadcast_in_dim3A_1015 : vector<16xi1>, vector<16xf32>
      %add3A_1017 = arith.addf %scan3A_478, %select_n3A_1016 : vector<16xf32>
      %jit3A_1018 = arith.constant 0 : i32
      %broadcast_in_dim3A_1019 = vector.broadcast %jit3A_1018 : i32 to vector<16xi32>
      %select_n3A_1020 = arith.select %and3A_1007, %add3A_870, %broadcast_in_dim3A_1019 : vector<16xi1>, vector<16xi32>
      %add3A_1021 = arith.addi %scan3A_479, %select_n3A_1020 : vector<16xi32>
      %jit3A_1022 = arith.constant 0.000000e+00 : f32
      %broadcast_in_dim3A_1023 = vector.broadcast %jit3A_1022 : f32 to vector<16xf32>
      %select_n3A_1024 = arith.select %and3A_1007, %add3A_981, %broadcast_in_dim3A_1023 : vector<16xi1>, vector<16xf32>
      %add3A_1025 = arith.addf %scan3A_480, %select_n3A_1024 : vector<16xf32>
      %add3A_1026 = arith.addi %scan3A_475, %reduce_sum3A_985 : i32
      %add3A_1027 = arith.addf %scan3A_476, %reduce_sum3A_989 : f32
      %mul3A_1028 = arith.constant 16 : i32
      %mul3A_1029 = arith.muli %sub3A_494, %mul3A_1028 : i32
      %add3A_1030 = arith.constant 4096 : i32
      %add3A_1031 = arith.addi %add3A_1030, %mul3A_1029 : i32
      %get3A_1032 = arith.index_cast %add3A_1031 : i32 to index
      %get3A_1033 = tpu.vector_load %arg7[%get3A_1032] {strides = array<i32>} : memref<8192xi32, #tpu.memory_space<vmem>>, vector<16xi32>,
      %mul3A_1034 = arith.constant 16 : i32
      %mul3A_1035 = arith.muli %sub3A_494, %mul3A_1034 : i32
      %add3A_1036 = arith.constant 4224 : i32
      %add3A_1037 = arith.addi %add3A_1036, %mul3A_1035 : i32
      %get3A_1038 = arith.index_cast %add3A_1037 : i32 to index
      %get3A_1039 = tpu.vector_load %arg7[%get3A_1038] {strides = array<i32>} : memref<8192xi32, #tpu.memory_space<vmem>>, vector<16xi32>,
      %mul3A_1040 = arith.constant 16 : i32
      %mul3A_1041 = arith.muli %sub3A_494, %mul3A_1040 : i32
      %add3A_1042 = arith.constant 4352 : i32
      %add3A_1043 = arith.addi %add3A_1042, %mul3A_1041 : i32
      %get3A_1044 = arith.index_cast %add3A_1043 : i32 to index
      %get3A_1045 = tpu.vector_load %arg7[%get3A_1044] {strides = array<i32>} : memref<8192xi32, #tpu.memory_space<vmem>>, vector<16xi32>,
      %mul3A_1046 = arith.constant 16 : i32
      %mul3A_1047 = arith.muli %sub3A_494, %mul3A_1046 : i32
      %add3A_1048 = arith.constant 4480 : i32
      %add3A_1049 = arith.addi %add3A_1048, %mul3A_1047 : i32
      %get3A_1050 = arith.index_cast %add3A_1049 : i32 to index
      %get3A_1051 = tpu.vector_load %arg7[%get3A_1050] {strides = array<i32>} : memref<8192xi32, #tpu.memory_space<vmem>>, vector<16xi32>,
      %mul3A_1052 = arith.constant 16 : i32
      %mul3A_1053 = arith.muli %sub3A_494, %mul3A_1052 : i32
      %add3A_1054 = arith.constant 4608 : i32
      %add3A_1055 = arith.addi %add3A_1054, %mul3A_1053 : i32
      %get3A_1056 = arith.index_cast %add3A_1055 : i32 to index
      %get3A_1057 = tpu.vector_load %arg7[%get3A_1056] {strides = array<i32>} : memref<8192xi32, #tpu.memory_space<vmem>>, vector<16xi32>,
      %mul3A_1058 = arith.constant 16 : i32
      %mul3A_1059 = arith.muli %sub3A_494, %mul3A_1058 : i32
      %add3A_1060 = arith.constant 4736 : i32
      %add3A_1061 = arith.addi %add3A_1060, %mul3A_1059 : i32
      %get3A_1062 = arith.index_cast %add3A_1061 : i32 to index
      %get3A_1063 = tpu.vector_load %arg7[%get3A_1062] {strides = array<i32>} : memref<8192xi32, #tpu.memory_space<vmem>>, vector<16xi32>,
      %mul3A_1064 = arith.constant 16 : i32
      %mul3A_1065 = arith.muli %sub3A_494, %mul3A_1064 : i32
      %add3A_1066 = arith.constant 4864 : i32
      %add3A_1067 = arith.addi %add3A_1066, %mul3A_1065 : i32
      %get3A_1068 = arith.index_cast %add3A_1067 : i32 to index
      %get3A_1069 = tpu.vector_load %arg7[%get3A_1068] {strides = array<i32>} : memref<8192xi32, #tpu.memory_space<vmem>>, vector<16xi32>,
      %mul3A_1070 = arith.constant 16 : i32
      %mul3A_1071 = arith.muli %sub3A_494, %mul3A_1070 : i32
      %add3A_1072 = arith.constant 4992 : i32
      %add3A_1073 = arith.addi %add3A_1072, %mul3A_1071 : i32
      %get3A_1074 = arith.index_cast %add3A_1073 : i32 to index
      %get3A_1075 = tpu.vector_load %arg7[%get3A_1074] {strides = array<i32>} : memref<8192xi32, #tpu.memory_space<vmem>>, vector<16xi32>,
      %mul3A_1076 = arith.constant 16 : i32
      %mul3A_1077 = arith.muli %sub3A_494, %mul3A_1076 : i32
      %add3A_1078 = arith.constant 5120 : i32
      %add3A_1079 = arith.addi %add3A_1078, %mul3A_1077 : i32
      %get3A_1080 = arith.index_cast %add3A_1079 : i32 to index
      %get3A_1081 = tpu.vector_load %arg7[%get3A_1080] {strides = array<i32>} : memref<8192xi32, #tpu.memory_space<vmem>>, vector<16xi32>,
      %mul3A_1082 = arith.constant 16 : i32
      %mul3A_1083 = arith.muli %sub3A_494, %mul3A_1082 : i32
      %add3A_1084 = arith.constant 5248 : i32
      %add3A_1085 = arith.addi %add3A_1084, %mul3A_1083 : i32
      %get3A_1086 = arith.index_cast %add3A_1085 : i32 to index
      %get3A_1087 = tpu.vector_load %arg7[%get3A_1086] {strides = array<i32>} : memref<8192xi32, #tpu.memory_space<vmem>>, vector<16xi32>,
      %mul3A_1088 = arith.constant 16 : i32
      %mul3A_1089 = arith.muli %sub3A_494, %mul3A_1088 : i32
      %add3A_1090 = arith.constant 5376 : i32
      %add3A_1091 = arith.addi %add3A_1090, %mul3A_1089 : i32
      %get3A_1092 = arith.index_cast %add3A_1091 : i32 to index
      %get3A_1093 = tpu.vector_load %arg7[%get3A_1092] {strides = array<i32>} : memref<8192xi32, #tpu.memory_space<vmem>>, vector<16xi32>,
      %mul3A_1094 = arith.constant 16 : i32
      %mul3A_1095 = arith.muli %sub3A_494, %mul3A_1094 : i32
      %add3A_1096 = arith.constant 5504 : i32
      %add3A_1097 = arith.addi %add3A_1096, %mul3A_1095 : i32
      %get3A_1098 = arith.index_cast %add3A_1097 : i32 to index
      %get3A_1099 = tpu.vector_load %arg7[%get3A_1098] {strides = array<i32>} : memref<8192xi32, #tpu.memory_space<vmem>>, vector<16xi32>,
      %mul3A_1100 = arith.constant 16 : i32
      %mul3A_1101 = arith.muli %sub3A_494, %mul3A_1100 : i32
      %add3A_1102 = arith.constant 5632 : i32
      %add3A_1103 = arith.addi %add3A_1102, %mul3A_1101 : i32
      %get3A_1104 = arith.index_cast %add3A_1103 : i32 to index
      %get3A_1105 = tpu.vector_load %arg7[%get3A_1104] {strides = array<i32>} : memref<8192xi32, #tpu.memory_space<vmem>>, vector<16xi32>,
      %mul3A_1106 = arith.constant 16 : i32
      %mul3A_1107 = arith.muli %sub3A_494, %mul3A_1106 : i32
      %add3A_1108 = arith.constant 5760 : i32
      %add3A_1109 = arith.addi %add3A_1108, %mul3A_1107 : i32
      %get3A_1110 = arith.index_cast %add3A_1109 : i32 to index
      %get3A_1111 = tpu.vector_load %arg7[%get3A_1110] {strides = array<i32>} : memref<8192xi32, #tpu.memory_space<vmem>>, vector<16xi32>,
      %mul3A_1112 = arith.constant 16 : i32
      %mul3A_1113 = arith.muli %sub3A_494, %mul3A_1112 : i32
      %add3A_1114 = arith.constant 5888 : i32
      %add3A_1115 = arith.addi %add3A_1114, %mul3A_1113 : i32
      %get3A_1116 = arith.index_cast %add3A_1115 : i32 to index
      %get3A_1117 = tpu.vector_load %arg7[%get3A_1116] {strides = array<i32>} : memref<8192xi32, #tpu.memory_space<vmem>>, vector<16xi32>,
      %mul3A_1118 = arith.constant 16 : i32
      %mul3A_1119 = arith.muli %sub3A_494, %mul3A_1118 : i32
      %add3A_1120 = arith.constant 6016 : i32
      %add3A_1121 = arith.addi %add3A_1120, %mul3A_1119 : i32
      %get3A_1122 = arith.index_cast %add3A_1121 : i32 to index
      %get3A_1123 = tpu.vector_load %arg7[%get3A_1122] {strides = array<i32>} : memref<8192xi32, #tpu.memory_space<vmem>>, vector<16xi32>,
      %add3A_1124 = arith.addi %get3A_1033, %get3A_1039 : vector<16xi32>
      %add3A_1125 = arith.addi %get3A_1045, %get3A_1051 : vector<16xi32>
      %add3A_1126 = arith.addi %get3A_1057, %get3A_1063 : vector<16xi32>
      %add3A_1127 = arith.addi %get3A_1069, %get3A_1075 : vector<16xi32>
      %add3A_1128 = arith.addi %get3A_1081, %get3A_1087 : vector<16xi32>
      %add3A_1129 = arith.addi %get3A_1093, %get3A_1099 : vector<16xi32>
      %add3A_1130 = arith.addi %get3A_1105, %get3A_1111 : vector<16xi32>
      %add3A_1131 = arith.addi %get3A_1117, %get3A_1123 : vector<16xi32>
      %add3A_1132 = arith.addi %add3A_1124, %add3A_1125 : vector<16xi32>
      %add3A_1133 = arith.addi %add3A_1126, %add3A_1127 : vector<16xi32>
      %add3A_1134 = arith.addi %add3A_1128, %add3A_1129 : vector<16xi32>
      %add3A_1135 = arith.addi %add3A_1130, %add3A_1131 : vector<16xi32>
      %add3A_1136 = arith.addi %add3A_1132, %add3A_1133 : vector<16xi32>
      %add3A_1137 = arith.addi %add3A_1134, %add3A_1135 : vector<16xi32>
      %add3A_1138 = arith.addi %add3A_1136, %add3A_1137 : vector<16xi32>
      %mul3A_1139 = arith.constant 16 : i32
      %mul3A_1140 = arith.muli %sub3A_494, %mul3A_1139 : i32
      %add3A_1141 = arith.constant 4096 : i32
      %add3A_1142 = arith.addi %add3A_1141, %mul3A_1140 : i32
      %get3A_1143 = arith.index_cast %add3A_1142 : i32 to index
      %get3A_1144 = tpu.vector_load %arg8[%get3A_1143] {strides = array<i32>} : memref<8192xf32, #tpu.memory_space<vmem>>, vector<16xf32>,
      %mul3A_1145 = arith.constant 16 : i32
      %mul3A_1146 = arith.muli %sub3A_494, %mul3A_1145 : i32
      %add3A_1147 = arith.constant 4224 : i32
      %add3A_1148 = arith.addi %add3A_1147, %mul3A_1146 : i32
      %get3A_1149 = arith.index_cast %add3A_1148 : i32 to index
      %get3A_1150 = tpu.vector_load %arg8[%get3A_1149] {strides = array<i32>} : memref<8192xf32, #tpu.memory_space<vmem>>, vector<16xf32>,
      %mul3A_1151 = arith.constant 16 : i32
      %mul3A_1152 = arith.muli %sub3A_494, %mul3A_1151 : i32
      %add3A_1153 = arith.constant 4352 : i32
      %add3A_1154 = arith.addi %add3A_1153, %mul3A_1152 : i32
      %get3A_1155 = arith.index_cast %add3A_1154 : i32 to index
      %get3A_1156 = tpu.vector_load %arg8[%get3A_1155] {strides = array<i32>} : memref<8192xf32, #tpu.memory_space<vmem>>, vector<16xf32>,
      %mul3A_1157 = arith.constant 16 : i32
      %mul3A_1158 = arith.muli %sub3A_494, %mul3A_1157 : i32
      %add3A_1159 = arith.constant 4480 : i32
      %add3A_1160 = arith.addi %add3A_1159, %mul3A_1158 : i32
      %get3A_1161 = arith.index_cast %add3A_1160 : i32 to index
      %get3A_1162 = tpu.vector_load %arg8[%get3A_1161] {strides = array<i32>} : memref<8192xf32, #tpu.memory_space<vmem>>, vector<16xf32>,
      %mul3A_1163 = arith.constant 16 : i32
      %mul3A_1164 = arith.muli %sub3A_494, %mul3A_1163 : i32
      %add3A_1165 = arith.constant 4608 : i32
      %add3A_1166 = arith.addi %add3A_1165, %mul3A_1164 : i32
      %get3A_1167 = arith.index_cast %add3A_1166 : i32 to index
      %get3A_1168 = tpu.vector_load %arg8[%get3A_1167] {strides = array<i32>} : memref<8192xf32, #tpu.memory_space<vmem>>, vector<16xf32>,
      %mul3A_1169 = arith.constant 16 : i32
      %mul3A_1170 = arith.muli %sub3A_494, %mul3A_1169 : i32
      %add3A_1171 = arith.constant 4736 : i32
      %add3A_1172 = arith.addi %add3A_1171, %mul3A_1170 : i32
      %get3A_1173 = arith.index_cast %add3A_1172 : i32 to index
      %get3A_1174 = tpu.vector_load %arg8[%get3A_1173] {strides = array<i32>} : memref<8192xf32, #tpu.memory_space<vmem>>, vector<16xf32>,
      %mul3A_1175 = arith.constant 16 : i32
      %mul3A_1176 = arith.muli %sub3A_494, %mul3A_1175 : i32
      %add3A_1177 = arith.constant 4864 : i32
      %add3A_1178 = arith.addi %add3A_1177, %mul3A_1176 : i32
      %get3A_1179 = arith.index_cast %add3A_1178 : i32 to index
      %get3A_1180 = tpu.vector_load %arg8[%get3A_1179] {strides = array<i32>} : memref<8192xf32, #tpu.memory_space<vmem>>, vector<16xf32>,
      %mul3A_1181 = arith.constant 16 : i32
      %mul3A_1182 = arith.muli %sub3A_494, %mul3A_1181 : i32
      %add3A_1183 = arith.constant 4992 : i32
      %add3A_1184 = arith.addi %add3A_1183, %mul3A_1182 : i32
      %get3A_1185 = arith.index_cast %add3A_1184 : i32 to index
      %get3A_1186 = tpu.vector_load %arg8[%get3A_1185] {strides = array<i32>} : memref<8192xf32, #tpu.memory_space<vmem>>, vector<16xf32>,
      %mul3A_1187 = arith.constant 16 : i32
      %mul3A_1188 = arith.muli %sub3A_494, %mul3A_1187 : i32
      %add3A_1189 = arith.constant 5120 : i32
      %add3A_1190 = arith.addi %add3A_1189, %mul3A_1188 : i32
      %get3A_1191 = arith.index_cast %add3A_1190 : i32 to index
      %get3A_1192 = tpu.vector_load %arg8[%get3A_1191] {strides = array<i32>} : memref<8192xf32, #tpu.memory_space<vmem>>, vector<16xf32>,
      %mul3A_1193 = arith.constant 16 : i32
      %mul3A_1194 = arith.muli %sub3A_494, %mul3A_1193 : i32
      %add3A_1195 = arith.constant 5248 : i32
      %add3A_1196 = arith.addi %add3A_1195, %mul3A_1194 : i32
      %get3A_1197 = arith.index_cast %add3A_1196 : i32 to index
      %get3A_1198 = tpu.vector_load %arg8[%get3A_1197] {strides = array<i32>} : memref<8192xf32, #tpu.memory_space<vmem>>, vector<16xf32>,
      %mul3A_1199 = arith.constant 16 : i32
      %mul3A_1200 = arith.muli %sub3A_494, %mul3A_1199 : i32
      %add3A_1201 = arith.constant 5376 : i32
      %add3A_1202 = arith.addi %add3A_1201, %mul3A_1200 : i32
      %get3A_1203 = arith.index_cast %add3A_1202 : i32 to index
      %get3A_1204 = tpu.vector_load %arg8[%get3A_1203] {strides = array<i32>} : memref<8192xf32, #tpu.memory_space<vmem>>, vector<16xf32>,
      %mul3A_1205 = arith.constant 16 : i32
      %mul3A_1206 = arith.muli %sub3A_494, %mul3A_1205 : i32
      %add3A_1207 = arith.constant 5504 : i32
      %add3A_1208 = arith.addi %add3A_1207, %mul3A_1206 : i32
      %get3A_1209 = arith.index_cast %add3A_1208 : i32 to index
      %get3A_1210 = tpu.vector_load %arg8[%get3A_1209] {strides = array<i32>} : memref<8192xf32, #tpu.memory_space<vmem>>, vector<16xf32>,
      %mul3A_1211 = arith.constant 16 : i32
      %mul3A_1212 = arith.muli %sub3A_494, %mul3A_1211 : i32
      %add3A_1213 = arith.constant 5632 : i32
      %add3A_1214 = arith.addi %add3A_1213, %mul3A_1212 : i32
      %get3A_1215 = arith.index_cast %add3A_1214 : i32 to index
      %get3A_1216 = tpu.vector_load %arg8[%get3A_1215] {strides = array<i32>} : memref<8192xf32, #tpu.memory_space<vmem>>, vector<16xf32>,
      %mul3A_1217 = arith.constant 16 : i32
      %mul3A_1218 = arith.muli %sub3A_494, %mul3A_1217 : i32
      %add3A_1219 = arith.constant 5760 : i32
      %add3A_1220 = arith.addi %add3A_1219, %mul3A_1218 : i32
      %get3A_1221 = arith.index_cast %add3A_1220 : i32 to index
      %get3A_1222 = tpu.vector_load %arg8[%get3A_1221] {strides = array<i32>} : memref<8192xf32, #tpu.memory_space<vmem>>, vector<16xf32>,
      %mul3A_1223 = arith.constant 16 : i32
      %mul3A_1224 = arith.muli %sub3A_494, %mul3A_1223 : i32
      %add3A_1225 = arith.constant 5888 : i32
      %add3A_1226 = arith.addi %add3A_1225, %mul3A_1224 : i32
      %get3A_1227 = arith.index_cast %add3A_1226 : i32 to index
      %get3A_1228 = tpu.vector_load %arg8[%get3A_1227] {strides = array<i32>} : memref<8192xf32, #tpu.memory_space<vmem>>, vector<16xf32>,
      %mul3A_1229 = arith.constant 16 : i32
      %mul3A_1230 = arith.muli %sub3A_494, %mul3A_1229 : i32
      %add3A_1231 = arith.constant 6016 : i32
      %add3A_1232 = arith.addi %add3A_1231, %mul3A_1230 : i32
      %get3A_1233 = arith.index_cast %add3A_1232 : i32 to index
      %get3A_1234 = tpu.vector_load %arg8[%get3A_1233] {strides = array<i32>} : memref<8192xf32, #tpu.memory_space<vmem>>, vector<16xf32>,
      %add3A_1235 = arith.addf %get3A_1144, %get3A_1150 : vector<16xf32>
      %add3A_1236 = arith.addf %get3A_1156, %get3A_1162 : vector<16xf32>
      %add3A_1237 = arith.addf %get3A_1168, %get3A_1174 : vector<16xf32>
      %add3A_1238 = arith.addf %get3A_1180, %get3A_1186 : vector<16xf32>
      %add3A_1239 = arith.addf %get3A_1192, %get3A_1198 : vector<16xf32>
      %add3A_1240 = arith.addf %get3A_1204, %get3A_1210 : vector<16xf32>
      %add3A_1241 = arith.addf %get3A_1216, %get3A_1222 : vector<16xf32>
      %add3A_1242 = arith.addf %get3A_1228, %get3A_1234 : vector<16xf32>
      %add3A_1243 = arith.addf %add3A_1235, %add3A_1236 : vector<16xf32>
      %add3A_1244 = arith.addf %add3A_1237, %add3A_1238 : vector<16xf32>
      %add3A_1245 = arith.addf %add3A_1239, %add3A_1240 : vector<16xf32>
      %add3A_1246 = arith.addf %add3A_1241, %add3A_1242 : vector<16xf32>
      %add3A_1247 = arith.addf %add3A_1243, %add3A_1244 : vector<16xf32>
      %add3A_1248 = arith.addf %add3A_1245, %add3A_1246 : vector<16xf32>
      %add3A_1249 = arith.addf %add3A_1247, %add3A_1248 : vector<16xf32>
      %reduce_sum3A_1250 = arith.constant true
      %reduce_sum3A_1251 = vector.broadcast %reduce_sum3A_1250 : i1 to vector<16xi1>
      %reduce_sum3A_1252 = tpu.scan <sum>, %add3A_1138 masked %reduce_sum3A_1251 : vector<16xi32>, vector<16xi1> -> vector<16xi32>
      %reduce_sum3A_1253 = vector.extract %reduce_sum3A_1252[15] : i32 from vector<16xi32>
      %reduce_sum3A_1254 = arith.constant true
      %reduce_sum3A_1255 = vector.broadcast %reduce_sum3A_1254 : i1 to vector<16xi1>
      %reduce_sum3A_1256 = tpu.scan <sum>, %add3A_1249 masked %reduce_sum3A_1255 : vector<16xf32>, vector<16xi1> -> vector<16xf32>
      %reduce_sum3A_1257 = vector.extract %reduce_sum3A_1256[15] : f32 from vector<16xf32>
      %broadcast_in_dim3A_1258 = arith.constant true
      %broadcast_in_dim3A_1259 = vector.broadcast %broadcast_in_dim3A_1258 : i1 to vector<16xi1>
      %masked_cumsum3A_1260 = tpu.scan <sum>, %add3A_1138 masked %broadcast_in_dim3A_1259 : vector<16xi32>, vector<16xi1> -> vector<16xi32>
      %sub3A_1261 = vector.broadcast %reduce_sum3A_1253 : i32 to vector<16xi32>
      %sub3A_1262 = arith.subi %sub3A_1261, %masked_cumsum3A_1260 : vector<16xi32>
      %broadcast_in_dim3A_1263 = arith.constant true
      %broadcast_in_dim3A_1264 = vector.broadcast %broadcast_in_dim3A_1263 : i1 to vector<16xi1>
      %masked_cumsum3A_1265 = tpu.scan <sum>, %add3A_1249 masked %broadcast_in_dim3A_1264 : vector<16xf32>, vector<16xi1> -> vector<16xf32>
      %sub3A_1266 = vector.broadcast %reduce_sum3A_1257 : f32 to vector<16xf32>
      %sub3A_1267 = arith.subf %sub3A_1266, %masked_cumsum3A_1265 : vector<16xf32>
      %add3A_1268 = vector.broadcast %scan3A_481 : i32 to vector<16xi32>
      %add3A_1269 = arith.addi %add3A_1268, %sub3A_1262 : vector<16xi32>
      %lt3A_1270 = vector.broadcast %scan3A_204 : i32 to vector<16xi32>
      %lt3A_1271 = arith.cmpi slt, %add3A_1269, %lt3A_1270 : vector<16xi32>
      %add3A_1272 = arith.addi %add3A_1269, %add3A_1138 : vector<16xi32>
      %ge3A_1273 = vector.broadcast %scan3A_204 : i32 to vector<16xi32>
      %ge3A_1274 = arith.cmpi sge, %add3A_1272, %ge3A_1273 : vector<16xi32>
      %and3A_1275 = arith.andi %lt3A_1271, %ge3A_1274 : vector<16xi1>
      %jit3A_1276 = arith.constant 0 : i32
      %broadcast_in_dim3A_1277 = vector.broadcast %jit3A_1276 : i32 to vector<16xi32>
      %select_n3A_1278 = arith.select %and3A_1275, %add3A_1269, %broadcast_in_dim3A_1277 : vector<16xi1>, vector<16xi32>
      %add3A_1279 = arith.addi %scan3A_483, %select_n3A_1278 : vector<16xi32>
      %add3A_1280 = vector.broadcast %scan3A_482 : f32 to vector<16xf32>
      %add3A_1281 = arith.addf %add3A_1280, %sub3A_1267 : vector<16xf32>
      %jit3A_1282 = arith.constant 0.000000e+00 : f32
      %broadcast_in_dim3A_1283 = vector.broadcast %jit3A_1282 : f32 to vector<16xf32>
      %select_n3A_1284 = arith.select %and3A_1275, %add3A_1281, %broadcast_in_dim3A_1283 : vector<16xi1>, vector<16xf32>
      %add3A_1285 = arith.addf %scan3A_484, %select_n3A_1284 : vector<16xf32>
      %jit3A_1286 = arith.constant 0 : i32
      %broadcast_in_dim3A_1287 = vector.broadcast %jit3A_1286 : i32 to vector<16xi32>
      %select_n3A_1288 = arith.select %and3A_1275, %add3A_1138, %broadcast_in_dim3A_1287 : vector<16xi1>, vector<16xi32>
      %add3A_1289 = arith.addi %scan3A_485, %select_n3A_1288 : vector<16xi32>
      %jit3A_1290 = arith.constant 0.000000e+00 : f32
      %broadcast_in_dim3A_1291 = vector.broadcast %jit3A_1290 : f32 to vector<16xf32>
      %select_n3A_1292 = arith.select %and3A_1275, %add3A_1249, %broadcast_in_dim3A_1291 : vector<16xi1>, vector<16xf32>
      %add3A_1293 = arith.addf %scan3A_486, %select_n3A_1292 : vector<16xf32>
      %add3A_1294 = arith.addi %scan3A_481, %reduce_sum3A_1253 : i32
      %add3A_1295 = arith.addf %scan3A_482, %reduce_sum3A_1257 : f32
      %mul3A_1296 = arith.constant 16 : i32
      %mul3A_1297 = arith.muli %sub3A_494, %mul3A_1296 : i32
      %add3A_1298 = arith.constant 6144 : i32
      %add3A_1299 = arith.addi %add3A_1298, %mul3A_1297 : i32
      %get3A_1300 = arith.index_cast %add3A_1299 : i32 to index
      %get3A_1301 = tpu.vector_load %arg7[%get3A_1300] {strides = array<i32>} : memref<8192xi32, #tpu.memory_space<vmem>>, vector<16xi32>,
      %mul3A_1302 = arith.constant 16 : i32
      %mul3A_1303 = arith.muli %sub3A_494, %mul3A_1302 : i32
      %add3A_1304 = arith.constant 6272 : i32
      %add3A_1305 = arith.addi %add3A_1304, %mul3A_1303 : i32
      %get3A_1306 = arith.index_cast %add3A_1305 : i32 to index
      %get3A_1307 = tpu.vector_load %arg7[%get3A_1306] {strides = array<i32>} : memref<8192xi32, #tpu.memory_space<vmem>>, vector<16xi32>,
      %mul3A_1308 = arith.constant 16 : i32
      %mul3A_1309 = arith.muli %sub3A_494, %mul3A_1308 : i32
      %add3A_1310 = arith.constant 6400 : i32
      %add3A_1311 = arith.addi %add3A_1310, %mul3A_1309 : i32
      %get3A_1312 = arith.index_cast %add3A_1311 : i32 to index
      %get3A_1313 = tpu.vector_load %arg7[%get3A_1312] {strides = array<i32>} : memref<8192xi32, #tpu.memory_space<vmem>>, vector<16xi32>,
      %mul3A_1314 = arith.constant 16 : i32
      %mul3A_1315 = arith.muli %sub3A_494, %mul3A_1314 : i32
      %add3A_1316 = arith.constant 6528 : i32
      %add3A_1317 = arith.addi %add3A_1316, %mul3A_1315 : i32
      %get3A_1318 = arith.index_cast %add3A_1317 : i32 to index
      %get3A_1319 = tpu.vector_load %arg7[%get3A_1318] {strides = array<i32>} : memref<8192xi32, #tpu.memory_space<vmem>>, vector<16xi32>,
      %mul3A_1320 = arith.constant 16 : i32
      %mul3A_1321 = arith.muli %sub3A_494, %mul3A_1320 : i32
      %add3A_1322 = arith.constant 6656 : i32
      %add3A_1323 = arith.addi %add3A_1322, %mul3A_1321 : i32
      %get3A_1324 = arith.index_cast %add3A_1323 : i32 to index
      %get3A_1325 = tpu.vector_load %arg7[%get3A_1324] {strides = array<i32>} : memref<8192xi32, #tpu.memory_space<vmem>>, vector<16xi32>,
      %mul3A_1326 = arith.constant 16 : i32
      %mul3A_1327 = arith.muli %sub3A_494, %mul3A_1326 : i32
      %add3A_1328 = arith.constant 6784 : i32
      %add3A_1329 = arith.addi %add3A_1328, %mul3A_1327 : i32
      %get3A_1330 = arith.index_cast %add3A_1329 : i32 to index
      %get3A_1331 = tpu.vector_load %arg7[%get3A_1330] {strides = array<i32>} : memref<8192xi32, #tpu.memory_space<vmem>>, vector<16xi32>,
      %mul3A_1332 = arith.constant 16 : i32
      %mul3A_1333 = arith.muli %sub3A_494, %mul3A_1332 : i32
      %add3A_1334 = arith.constant 6912 : i32
      %add3A_1335 = arith.addi %add3A_1334, %mul3A_1333 : i32
      %get3A_1336 = arith.index_cast %add3A_1335 : i32 to index
      %get3A_1337 = tpu.vector_load %arg7[%get3A_1336] {strides = array<i32>} : memref<8192xi32, #tpu.memory_space<vmem>>, vector<16xi32>,
      %mul3A_1338 = arith.constant 16 : i32
      %mul3A_1339 = arith.muli %sub3A_494, %mul3A_1338 : i32
      %add3A_1340 = arith.constant 7040 : i32
      %add3A_1341 = arith.addi %add3A_1340, %mul3A_1339 : i32
      %get3A_1342 = arith.index_cast %add3A_1341 : i32 to index
      %get3A_1343 = tpu.vector_load %arg7[%get3A_1342] {strides = array<i32>} : memref<8192xi32, #tpu.memory_space<vmem>>, vector<16xi32>,
      %mul3A_1344 = arith.constant 16 : i32
      %mul3A_1345 = arith.muli %sub3A_494, %mul3A_1344 : i32
      %add3A_1346 = arith.constant 7168 : i32
      %add3A_1347 = arith.addi %add3A_1346, %mul3A_1345 : i32
      %get3A_1348 = arith.index_cast %add3A_1347 : i32 to index
      %get3A_1349 = tpu.vector_load %arg7[%get3A_1348] {strides = array<i32>} : memref<8192xi32, #tpu.memory_space<vmem>>, vector<16xi32>,
      %mul3A_1350 = arith.constant 16 : i32
      %mul3A_1351 = arith.muli %sub3A_494, %mul3A_1350 : i32
      %add3A_1352 = arith.constant 7296 : i32
      %add3A_1353 = arith.addi %add3A_1352, %mul3A_1351 : i32
      %get3A_1354 = arith.index_cast %add3A_1353 : i32 to index
      %get3A_1355 = tpu.vector_load %arg7[%get3A_1354] {strides = array<i32>} : memref<8192xi32, #tpu.memory_space<vmem>>, vector<16xi32>,
      %mul3A_1356 = arith.constant 16 : i32
      %mul3A_1357 = arith.muli %sub3A_494, %mul3A_1356 : i32
      %add3A_1358 = arith.constant 7424 : i32
      %add3A_1359 = arith.addi %add3A_1358, %mul3A_1357 : i32
      %get3A_1360 = arith.index_cast %add3A_1359 : i32 to index
      %get3A_1361 = tpu.vector_load %arg7[%get3A_1360] {strides = array<i32>} : memref<8192xi32, #tpu.memory_space<vmem>>, vector<16xi32>,
      %mul3A_1362 = arith.constant 16 : i32
      %mul3A_1363 = arith.muli %sub3A_494, %mul3A_1362 : i32
      %add3A_1364 = arith.constant 7552 : i32
      %add3A_1365 = arith.addi %add3A_1364, %mul3A_1363 : i32
      %get3A_1366 = arith.index_cast %add3A_1365 : i32 to index
      %get3A_1367 = tpu.vector_load %arg7[%get3A_1366] {strides = array<i32>} : memref<8192xi32, #tpu.memory_space<vmem>>, vector<16xi32>,
      %mul3A_1368 = arith.constant 16 : i32
      %mul3A_1369 = arith.muli %sub3A_494, %mul3A_1368 : i32
      %add3A_1370 = arith.constant 7680 : i32
      %add3A_1371 = arith.addi %add3A_1370, %mul3A_1369 : i32
      %get3A_1372 = arith.index_cast %add3A_1371 : i32 to index
      %get3A_1373 = tpu.vector_load %arg7[%get3A_1372] {strides = array<i32>} : memref<8192xi32, #tpu.memory_space<vmem>>, vector<16xi32>,
      %mul3A_1374 = arith.constant 16 : i32
      %mul3A_1375 = arith.muli %sub3A_494, %mul3A_1374 : i32
      %add3A_1376 = arith.constant 7808 : i32
      %add3A_1377 = arith.addi %add3A_1376, %mul3A_1375 : i32
      %get3A_1378 = arith.index_cast %add3A_1377 : i32 to index
      %get3A_1379 = tpu.vector_load %arg7[%get3A_1378] {strides = array<i32>} : memref<8192xi32, #tpu.memory_space<vmem>>, vector<16xi32>,
      %mul3A_1380 = arith.constant 16 : i32
      %mul3A_1381 = arith.muli %sub3A_494, %mul3A_1380 : i32
      %add3A_1382 = arith.constant 7936 : i32
      %add3A_1383 = arith.addi %add3A_1382, %mul3A_1381 : i32
      %get3A_1384 = arith.index_cast %add3A_1383 : i32 to index
      %get3A_1385 = tpu.vector_load %arg7[%get3A_1384] {strides = array<i32>} : memref<8192xi32, #tpu.memory_space<vmem>>, vector<16xi32>,
      %mul3A_1386 = arith.constant 16 : i32
      %mul3A_1387 = arith.muli %sub3A_494, %mul3A_1386 : i32
      %add3A_1388 = arith.constant 8064 : i32
      %add3A_1389 = arith.addi %add3A_1388, %mul3A_1387 : i32
      %get3A_1390 = arith.index_cast %add3A_1389 : i32 to index
      %get3A_1391 = tpu.vector_load %arg7[%get3A_1390] {strides = array<i32>} : memref<8192xi32, #tpu.memory_space<vmem>>, vector<16xi32>,
      %add3A_1392 = arith.addi %get3A_1301, %get3A_1307 : vector<16xi32>
      %add3A_1393 = arith.addi %get3A_1313, %get3A_1319 : vector<16xi32>
      %add3A_1394 = arith.addi %get3A_1325, %get3A_1331 : vector<16xi32>
      %add3A_1395 = arith.addi %get3A_1337, %get3A_1343 : vector<16xi32>
      %add3A_1396 = arith.addi %get3A_1349, %get3A_1355 : vector<16xi32>
      %add3A_1397 = arith.addi %get3A_1361, %get3A_1367 : vector<16xi32>
      %add3A_1398 = arith.addi %get3A_1373, %get3A_1379 : vector<16xi32>
      %add3A_1399 = arith.addi %get3A_1385, %get3A_1391 : vector<16xi32>
      %add3A_1400 = arith.addi %add3A_1392, %add3A_1393 : vector<16xi32>
      %add3A_1401 = arith.addi %add3A_1394, %add3A_1395 : vector<16xi32>
      %add3A_1402 = arith.addi %add3A_1396, %add3A_1397 : vector<16xi32>
      %add3A_1403 = arith.addi %add3A_1398, %add3A_1399 : vector<16xi32>
      %add3A_1404 = arith.addi %add3A_1400, %add3A_1401 : vector<16xi32>
      %add3A_1405 = arith.addi %add3A_1402, %add3A_1403 : vector<16xi32>
      %add3A_1406 = arith.addi %add3A_1404, %add3A_1405 : vector<16xi32>
      %mul3A_1407 = arith.constant 16 : i32
      %mul3A_1408 = arith.muli %sub3A_494, %mul3A_1407 : i32
      %add3A_1409 = arith.constant 6144 : i32
      %add3A_1410 = arith.addi %add3A_1409, %mul3A_1408 : i32
      %get3A_1411 = arith.index_cast %add3A_1410 : i32 to index
      %get3A_1412 = tpu.vector_load %arg8[%get3A_1411] {strides = array<i32>} : memref<8192xf32, #tpu.memory_space<vmem>>, vector<16xf32>,
      %mul3A_1413 = arith.constant 16 : i32
      %mul3A_1414 = arith.muli %sub3A_494, %mul3A_1413 : i32
      %add3A_1415 = arith.constant 6272 : i32
      %add3A_1416 = arith.addi %add3A_1415, %mul3A_1414 : i32
      %get3A_1417 = arith.index_cast %add3A_1416 : i32 to index
      %get3A_1418 = tpu.vector_load %arg8[%get3A_1417] {strides = array<i32>} : memref<8192xf32, #tpu.memory_space<vmem>>, vector<16xf32>,
      %mul3A_1419 = arith.constant 16 : i32
      %mul3A_1420 = arith.muli %sub3A_494, %mul3A_1419 : i32
      %add3A_1421 = arith.constant 6400 : i32
      %add3A_1422 = arith.addi %add3A_1421, %mul3A_1420 : i32
      %get3A_1423 = arith.index_cast %add3A_1422 : i32 to index
      %get3A_1424 = tpu.vector_load %arg8[%get3A_1423] {strides = array<i32>} : memref<8192xf32, #tpu.memory_space<vmem>>, vector<16xf32>,
      %mul3A_1425 = arith.constant 16 : i32
      %mul3A_1426 = arith.muli %sub3A_494, %mul3A_1425 : i32
      %add3A_1427 = arith.constant 6528 : i32
      %add3A_1428 = arith.addi %add3A_1427, %mul3A_1426 : i32
      %get3A_1429 = arith.index_cast %add3A_1428 : i32 to index
      %get3A_1430 = tpu.vector_load %arg8[%get3A_1429] {strides = array<i32>} : memref<8192xf32, #tpu.memory_space<vmem>>, vector<16xf32>,
      %mul3A_1431 = arith.constant 16 : i32
      %mul3A_1432 = arith.muli %sub3A_494, %mul3A_1431 : i32
      %add3A_1433 = arith.constant 6656 : i32
      %add3A_1434 = arith.addi %add3A_1433, %mul3A_1432 : i32
      %get3A_1435 = arith.index_cast %add3A_1434 : i32 to index
      %get3A_1436 = tpu.vector_load %arg8[%get3A_1435] {strides = array<i32>} : memref<8192xf32, #tpu.memory_space<vmem>>, vector<16xf32>,
      %mul3A_1437 = arith.constant 16 : i32
      %mul3A_1438 = arith.muli %sub3A_494, %mul3A_1437 : i32
      %add3A_1439 = arith.constant 6784 : i32
      %add3A_1440 = arith.addi %add3A_1439, %mul3A_1438 : i32
      %get3A_1441 = arith.index_cast %add3A_1440 : i32 to index
      %get3A_1442 = tpu.vector_load %arg8[%get3A_1441] {strides = array<i32>} : memref<8192xf32, #tpu.memory_space<vmem>>, vector<16xf32>,
      %mul3A_1443 = arith.constant 16 : i32
      %mul3A_1444 = arith.muli %sub3A_494, %mul3A_1443 : i32
      %add3A_1445 = arith.constant 6912 : i32
      %add3A_1446 = arith.addi %add3A_1445, %mul3A_1444 : i32
      %get3A_1447 = arith.index_cast %add3A_1446 : i32 to index
      %get3A_1448 = tpu.vector_load %arg8[%get3A_1447] {strides = array<i32>} : memref<8192xf32, #tpu.memory_space<vmem>>, vector<16xf32>,
      %mul3A_1449 = arith.constant 16 : i32
      %mul3A_1450 = arith.muli %sub3A_494, %mul3A_1449 : i32
      %add3A_1451 = arith.constant 7040 : i32
      %add3A_1452 = arith.addi %add3A_1451, %mul3A_1450 : i32
      %get3A_1453 = arith.index_cast %add3A_1452 : i32 to index
      %get3A_1454 = tpu.vector_load %arg8[%get3A_1453] {strides = array<i32>} : memref<8192xf32, #tpu.memory_space<vmem>>, vector<16xf32>,
      %mul3A_1455 = arith.constant 16 : i32
      %mul3A_1456 = arith.muli %sub3A_494, %mul3A_1455 : i32
      %add3A_1457 = arith.constant 7168 : i32
      %add3A_1458 = arith.addi %add3A_1457, %mul3A_1456 : i32
      %get3A_1459 = arith.index_cast %add3A_1458 : i32 to index
      %get3A_1460 = tpu.vector_load %arg8[%get3A_1459] {strides = array<i32>} : memref<8192xf32, #tpu.memory_space<vmem>>, vector<16xf32>,
      %mul3A_1461 = arith.constant 16 : i32
      %mul3A_1462 = arith.muli %sub3A_494, %mul3A_1461 : i32
      %add3A_1463 = arith.constant 7296 : i32
      %add3A_1464 = arith.addi %add3A_1463, %mul3A_1462 : i32
      %get3A_1465 = arith.index_cast %add3A_1464 : i32 to index
      %get3A_1466 = tpu.vector_load %arg8[%get3A_1465] {strides = array<i32>} : memref<8192xf32, #tpu.memory_space<vmem>>, vector<16xf32>,
      %mul3A_1467 = arith.constant 16 : i32
      %mul3A_1468 = arith.muli %sub3A_494, %mul3A_1467 : i32
      %add3A_1469 = arith.constant 7424 : i32
      %add3A_1470 = arith.addi %add3A_1469, %mul3A_1468 : i32
      %get3A_1471 = arith.index_cast %add3A_1470 : i32 to index
      %get3A_1472 = tpu.vector_load %arg8[%get3A_1471] {strides = array<i32>} : memref<8192xf32, #tpu.memory_space<vmem>>, vector<16xf32>,
      %mul3A_1473 = arith.constant 16 : i32
      %mul3A_1474 = arith.muli %sub3A_494, %mul3A_1473 : i32
      %add3A_1475 = arith.constant 7552 : i32
      %add3A_1476 = arith.addi %add3A_1475, %mul3A_1474 : i32
      %get3A_1477 = arith.index_cast %add3A_1476 : i32 to index
      %get3A_1478 = tpu.vector_load %arg8[%get3A_1477] {strides = array<i32>} : memref<8192xf32, #tpu.memory_space<vmem>>, vector<16xf32>,
      %mul3A_1479 = arith.constant 16 : i32
      %mul3A_1480 = arith.muli %sub3A_494, %mul3A_1479 : i32
      %add3A_1481 = arith.constant 7680 : i32
      %add3A_1482 = arith.addi %add3A_1481, %mul3A_1480 : i32
      %get3A_1483 = arith.index_cast %add3A_1482 : i32 to index
      %get3A_1484 = tpu.vector_load %arg8[%get3A_1483] {strides = array<i32>} : memref<8192xf32, #tpu.memory_space<vmem>>, vector<16xf32>,
      %mul3A_1485 = arith.constant 16 : i32
      %mul3A_1486 = arith.muli %sub3A_494, %mul3A_1485 : i32
      %add3A_1487 = arith.constant 7808 : i32
      %add3A_1488 = arith.addi %add3A_1487, %mul3A_1486 : i32
      %get3A_1489 = arith.index_cast %add3A_1488 : i32 to index
      %get3A_1490 = tpu.vector_load %arg8[%get3A_1489] {strides = array<i32>} : memref<8192xf32, #tpu.memory_space<vmem>>, vector<16xf32>,
      %mul3A_1491 = arith.constant 16 : i32
      %mul3A_1492 = arith.muli %sub3A_494, %mul3A_1491 : i32
      %add3A_1493 = arith.constant 7936 : i32
      %add3A_1494 = arith.addi %add3A_1493, %mul3A_1492 : i32
      %get3A_1495 = arith.index_cast %add3A_1494 : i32 to index
      %get3A_1496 = tpu.vector_load %arg8[%get3A_1495] {strides = array<i32>} : memref<8192xf32, #tpu.memory_space<vmem>>, vector<16xf32>,
      %mul3A_1497 = arith.constant 16 : i32
      %mul3A_1498 = arith.muli %sub3A_494, %mul3A_1497 : i32
      %add3A_1499 = arith.constant 8064 : i32
      %add3A_1500 = arith.addi %add3A_1499, %mul3A_1498 : i32
      %get3A_1501 = arith.index_cast %add3A_1500 : i32 to index
      %get3A_1502 = tpu.vector_load %arg8[%get3A_1501] {strides = array<i32>} : memref<8192xf32, #tpu.memory_space<vmem>>, vector<16xf32>,
      %add3A_1503 = arith.addf %get3A_1412, %get3A_1418 : vector<16xf32>
      %add3A_1504 = arith.addf %get3A_1424, %get3A_1430 : vector<16xf32>
      %add3A_1505 = arith.addf %get3A_1436, %get3A_1442 : vector<16xf32>
      %add3A_1506 = arith.addf %get3A_1448, %get3A_1454 : vector<16xf32>
      %add3A_1507 = arith.addf %get3A_1460, %get3A_1466 : vector<16xf32>
      %add3A_1508 = arith.addf %get3A_1472, %get3A_1478 : vector<16xf32>
      %add3A_1509 = arith.addf %get3A_1484, %get3A_1490 : vector<16xf32>
      %add3A_1510 = arith.addf %get3A_1496, %get3A_1502 : vector<16xf32>
      %add3A_1511 = arith.addf %add3A_1503, %add3A_1504 : vector<16xf32>
      %add3A_1512 = arith.addf %add3A_1505, %add3A_1506 : vector<16xf32>
      %add3A_1513 = arith.addf %add3A_1507, %add3A_1508 : vector<16xf32>
      %add3A_1514 = arith.addf %add3A_1509, %add3A_1510 : vector<16xf32>
      %add3A_1515 = arith.addf %add3A_1511, %add3A_1512 : vector<16xf32>
      %add3A_1516 = arith.addf %add3A_1513, %add3A_1514 : vector<16xf32>
      %add3A_1517 = arith.addf %add3A_1515, %add3A_1516 : vector<16xf32>
      %reduce_sum3A_1518 = arith.constant true
      %reduce_sum3A_1519 = vector.broadcast %reduce_sum3A_1518 : i1 to vector<16xi1>
      %reduce_sum3A_1520 = tpu.scan <sum>, %add3A_1406 masked %reduce_sum3A_1519 : vector<16xi32>, vector<16xi1> -> vector<16xi32>
      %reduce_sum3A_1521 = vector.extract %reduce_sum3A_1520[15] : i32 from vector<16xi32>
      %reduce_sum3A_1522 = arith.constant true
      %reduce_sum3A_1523 = vector.broadcast %reduce_sum3A_1522 : i1 to vector<16xi1>
      %reduce_sum3A_1524 = tpu.scan <sum>, %add3A_1517 masked %reduce_sum3A_1523 : vector<16xf32>, vector<16xi1> -> vector<16xf32>
      %reduce_sum3A_1525 = vector.extract %reduce_sum3A_1524[15] : f32 from vector<16xf32>
      %broadcast_in_dim3A_1526 = arith.constant true
      %broadcast_in_dim3A_1527 = vector.broadcast %broadcast_in_dim3A_1526 : i1 to vector<16xi1>
      %masked_cumsum3A_1528 = tpu.scan <sum>, %add3A_1406 masked %broadcast_in_dim3A_1527 : vector<16xi32>, vector<16xi1> -> vector<16xi32>
      %sub3A_1529 = vector.broadcast %reduce_sum3A_1521 : i32 to vector<16xi32>
      %sub3A_1530 = arith.subi %sub3A_1529, %masked_cumsum3A_1528 : vector<16xi32>
      %broadcast_in_dim3A_1531 = arith.constant true
      %broadcast_in_dim3A_1532 = vector.broadcast %broadcast_in_dim3A_1531 : i1 to vector<16xi1>
      %masked_cumsum3A_1533 = tpu.scan <sum>, %add3A_1517 masked %broadcast_in_dim3A_1532 : vector<16xf32>, vector<16xi1> -> vector<16xf32>
      %sub3A_1534 = vector.broadcast %reduce_sum3A_1525 : f32 to vector<16xf32>
      %sub3A_1535 = arith.subf %sub3A_1534, %masked_cumsum3A_1533 : vector<16xf32>
      %add3A_1536 = vector.broadcast %scan3A_487 : i32 to vector<16xi32>
      %add3A_1537 = arith.addi %add3A_1536, %sub3A_1530 : vector<16xi32>
      %lt3A_1538 = vector.broadcast %scan3A_204 : i32 to vector<16xi32>
      %lt3A_1539 = arith.cmpi slt, %add3A_1537, %lt3A_1538 : vector<16xi32>
      %add3A_1540 = arith.addi %add3A_1537, %add3A_1406 : vector<16xi32>
      %ge3A_1541 = vector.broadcast %scan3A_204 : i32 to vector<16xi32>
      %ge3A_1542 = arith.cmpi sge, %add3A_1540, %ge3A_1541 : vector<16xi32>
      %and3A_1543 = arith.andi %lt3A_1539, %ge3A_1542 : vector<16xi1>
      %jit3A_1544 = arith.constant 0 : i32
      %broadcast_in_dim3A_1545 = vector.broadcast %jit3A_1544 : i32 to vector<16xi32>
      %select_n3A_1546 = arith.select %and3A_1543, %add3A_1537, %broadcast_in_dim3A_1545 : vector<16xi1>, vector<16xi32>
      %add3A_1547 = arith.addi %scan3A_489, %select_n3A_1546 : vector<16xi32>
      %add3A_1548 = vector.broadcast %scan3A_488 : f32 to vector<16xf32>
      %add3A_1549 = arith.addf %add3A_1548, %sub3A_1535 : vector<16xf32>
      %jit3A_1550 = arith.constant 0.000000e+00 : f32
      %broadcast_in_dim3A_1551 = vector.broadcast %jit3A_1550 : f32 to vector<16xf32>
      %select_n3A_1552 = arith.select %and3A_1543, %add3A_1549, %broadcast_in_dim3A_1551 : vector<16xi1>, vector<16xf32>
      %add3A_1553 = arith.addf %scan3A_490, %select_n3A_1552 : vector<16xf32>
      %jit3A_1554 = arith.constant 0 : i32
      %broadcast_in_dim3A_1555 = vector.broadcast %jit3A_1554 : i32 to vector<16xi32>
      %select_n3A_1556 = arith.select %and3A_1543, %add3A_1406, %broadcast_in_dim3A_1555 : vector<16xi1>, vector<16xi32>
      %add3A_1557 = arith.addi %scan3A_491, %select_n3A_1556 : vector<16xi32>
      %jit3A_1558 = arith.constant 0.000000e+00 : f32
      %broadcast_in_dim3A_1559 = vector.broadcast %jit3A_1558 : f32 to vector<16xf32>
      %select_n3A_1560 = arith.select %and3A_1543, %add3A_1517, %broadcast_in_dim3A_1559 : vector<16xi1>, vector<16xf32>
      %add3A_1561 = arith.addf %scan3A_492, %select_n3A_1560 : vector<16xf32>
      %add3A_1562 = arith.addi %scan3A_487, %reduce_sum3A_1521 : i32
      %add3A_1563 = arith.addf %scan3A_488, %reduce_sum3A_1525 : f32
      scf.yield %add3A_758, %add3A_759, %add3A_743, %add3A_749, %add3A_753, %add3A_757, %add3A_1026, %add3A_1027, %add3A_1011, %add3A_1017, %add3A_1021, %add3A_1025, %add3A_1294, %add3A_1295, %add3A_1279, %add3A_1285, %add3A_1289, %add3A_1293, %add3A_1562, %add3A_1563, %add3A_1547, %add3A_1553, %add3A_1557, %add3A_1561 : i32, f32, vector<16xi32>, vector<16xf32>, vector<16xi32>, vector<16xf32>, i32, f32, vector<16xi32>, vector<16xf32>, vector<16xi32>, vector<16xf32>, i32, f32, vector<16xi32>, vector<16xf32>, vector<16xi32>, vector<16xf32>, i32, f32, vector<16xi32>, vector<16xf32>, vector<16xi32>, vector<16xf32>
    }
    %scan3A_218 = arith.constant 8 : i32
    %dma_wait3A_219 = arith.constant 0 : i32
    %dma_wait3A_220 = tpu.memref_slice %arg9[%dma_wait3A_219] : memref<144xi32, #tpu.memory_space<vmem>> -> memref<128xi32, #tpu.memory_space<vmem>>
    %dma_wait3A_221 = arith.constant 0 : i32
    %dma_wait3A_222 = tpu.memref_slice %arg9[%dma_wait3A_221] : memref<144xi32, #tpu.memory_space<vmem>> -> memref<128xi32, #tpu.memory_space<vmem>>
    tpu.wait_dma2 semaphore(%arg13 : memref<!tpu.dma_semaphore, #tpu.memory_space<semaphore_mem>>) src(%arg3 : memref<128xi32, #tpu.memory_space<hbm>>) dst(%dma_wait3A_222 : memref<128xi32, #tpu.memory_space<vmem>>)
    %get3A_223 = arith.index_cast %mul3A_2 : i32 to index
    %get3A_224 = tpu.vector_load %arg9[%get3A_223] {strides = array<i32>} : memref<144xi32, #tpu.memory_space<vmem>>, vector<16xi32>,
    %convert_element_type3A_225 = arith.sitofp %get3A_224 : vector<16xi32> to vector<16xf32>
    %sub3A_226 = arith.constant 12 : i32
    %sub3A_227 = vector.broadcast %sub3A_226 : i32 to vector<16xi32>
    %sub3A_228 = arith.subi %iota3A, %sub3A_227 : vector<16xi32>
    %max3A_229 = arith.constant 0 : i32
    %max3A_230 = vector.broadcast %max3A_229 : i32 to vector<16xi32>
    %max3A_231 = arith.maxsi %sub3A_228, %max3A_230 : vector<16xi32>
    %ge3A = arith.constant 12 : i32
    %ge3A_232 = vector.broadcast %ge3A : i32 to vector<16xi32>
    %ge3A_233 = arith.cmpi sge, %iota3A, %ge3A_232 : vector<16xi32>
    %broadcast_in_dim3A_234 = vector.shape_cast %max3A_231 : vector<16xi32> to vector<16x1xi32>
    %gather3A_235 = vector.shape_cast %broadcast_in_dim3A_234 : vector<16x1xi32> to vector<16xi32>
    %gather3A_236 = tpu.dynamic_gather %convert_element_type3A_225[%gather3A_235] in [0] : vector<16xf32>, vector<16xi32> -> vector<16xf32>
    %jit3A_237 = arith.constant 0.000000e+00 : f32
    %broadcast_in_dim3A_238 = vector.broadcast %jit3A_237 : f32 to vector<16xf32>
    %select_n3A_239 = arith.select %ge3A_233, %gather3A_236, %broadcast_in_dim3A_238 : vector<16xi1>, vector<16xf32>
    %broadcast_in_dim3A_240 = arith.constant 0.000000e+00 : f32
    %broadcast_in_dim3A_241 = vector.broadcast %broadcast_in_dim3A_240 : f32 to vector<16xf32>
    %eq3A_242 = arith.constant 0 : i32
    %eq3A_243 = vector.broadcast %eq3A_242 : i32 to vector<16xi32>
    %eq3A_244 = arith.cmpi eq, %iota3A, %eq3A_243 : vector<16xi32>
    %reduce_sum3A = arith.constant true
    %reduce_sum3A_245 = vector.broadcast %reduce_sum3A : i1 to vector<16xi1>
    %reduce_sum3A_246 = tpu.scan <sum>, %add3A_150 masked %reduce_sum3A_245 : vector<16xf32>, vector<16xi1> -> vector<16xf32>
    %reduce_sum3A_247 = vector.extract %reduce_sum3A_246[15] : f32 from vector<16xf32>
    %broadcast_in_dim3A_248 = vector.broadcast %reduce_sum3A_247 : f32 to vector<16xf32>
    %select_n3A_249 = arith.select %eq3A_244, %broadcast_in_dim3A_248, %select_n3A_239 : vector<16xi1>, vector<16xf32>
    %eq3A_250 = arith.constant 4 : i32
    %eq3A_251 = vector.broadcast %eq3A_250 : i32 to vector<16xi32>
    %eq3A_252 = arith.cmpi eq, %iota3A, %eq3A_251 : vector<16xi32>
    %reduce_sum3A_253 = arith.constant true
    %reduce_sum3A_254 = vector.broadcast %reduce_sum3A_253 : i1 to vector<16xi1>
    %reduce_sum3A_255 = tpu.scan <sum>, %add3A_152 masked %reduce_sum3A_254 : vector<16xf32>, vector<16xi1> -> vector<16xf32>
    %reduce_sum3A_256 = vector.extract %reduce_sum3A_255[15] : f32 from vector<16xf32>
    %broadcast_in_dim3A_257 = vector.broadcast %reduce_sum3A_256 : f32 to vector<16xf32>
    %select_n3A_258 = arith.select %eq3A_252, %broadcast_in_dim3A_257, %select_n3A_249 : vector<16xi1>, vector<16xf32>
    %eq3A_259 = arith.constant 8 : i32
    %eq3A_260 = vector.broadcast %eq3A_259 : i32 to vector<16xi32>
    %eq3A_261 = arith.cmpi eq, %iota3A, %eq3A_260 : vector<16xi32>
    %reduce_sum3A_262 = arith.constant true
    %reduce_sum3A_263 = vector.broadcast %reduce_sum3A_262 : i1 to vector<16xi1>
    %reduce_sum3A_264 = tpu.scan <sum>, %scan3A_217#3 masked %reduce_sum3A_263 : vector<16xf32>, vector<16xi1> -> vector<16xf32>
    %reduce_sum3A_265 = vector.extract %reduce_sum3A_264[15] : f32 from vector<16xf32>
    %broadcast_in_dim3A_266 = vector.broadcast %reduce_sum3A_265 : f32 to vector<16xf32>
    %select_n3A_267 = arith.select %eq3A_261, %broadcast_in_dim3A_266, %select_n3A_258 : vector<16xi1>, vector<16xf32>
    %eq3A_268 = arith.constant 0 : i32
    %eq3A_269 = vector.broadcast %eq3A_268 : i32 to vector<16xi32>
    %eq3A_270 = arith.cmpi eq, %iota3A, %eq3A_269 : vector<16xi32>
    %reduce_sum3A_271 = arith.constant true
    %reduce_sum3A_272 = vector.broadcast %reduce_sum3A_271 : i1 to vector<16xi1>
    %reduce_sum3A_273 = tpu.scan <sum>, %scan3A_217#2 masked %reduce_sum3A_272 : vector<16xi32>, vector<16xi1> -> vector<16xi32>
    %reduce_sum3A_274 = vector.extract %reduce_sum3A_273[15] : i32 from vector<16xi32>
    %convert_element_type3A_275 = arith.sitofp %reduce_sum3A_274 : i32 to f32
    %broadcast_in_dim3A_276 = vector.broadcast %convert_element_type3A_275 : f32 to vector<16xf32>
    %select_n3A_277 = arith.select %eq3A_270, %broadcast_in_dim3A_276, %broadcast_in_dim3A_241 : vector<16xi1>, vector<16xf32>
    %eq3A_278 = arith.constant 4 : i32
    %eq3A_279 = vector.broadcast %eq3A_278 : i32 to vector<16xi32>
    %eq3A_280 = arith.cmpi eq, %iota3A, %eq3A_279 : vector<16xi32>
    %reduce_sum3A_281 = arith.constant true
    %reduce_sum3A_282 = vector.broadcast %reduce_sum3A_281 : i1 to vector<16xi1>
    %reduce_sum3A_283 = tpu.scan <sum>, %scan3A_217#4 masked %reduce_sum3A_282 : vector<16xi32>, vector<16xi1> -> vector<16xi32>
    %reduce_sum3A_284 = vector.extract %reduce_sum3A_283[15] : i32 from vector<16xi32>
    %convert_element_type3A_285 = arith.sitofp %reduce_sum3A_284 : i32 to f32
    %broadcast_in_dim3A_286 = vector.broadcast %convert_element_type3A_285 : f32 to vector<16xf32>
    %select_n3A_287 = arith.select %eq3A_280, %broadcast_in_dim3A_286, %select_n3A_277 : vector<16xi1>, vector<16xf32>
    %eq3A_288 = arith.constant 8 : i32
    %eq3A_289 = vector.broadcast %eq3A_288 : i32 to vector<16xi32>
    %eq3A_290 = arith.cmpi eq, %iota3A, %eq3A_289 : vector<16xi32>
    %reduce_sum3A_291 = arith.constant true
    %reduce_sum3A_292 = vector.broadcast %reduce_sum3A_291 : i1 to vector<16xi1>
    %reduce_sum3A_293 = tpu.scan <sum>, %scan3A_217#5 masked %reduce_sum3A_292 : vector<16xf32>, vector<16xi1> -> vector<16xf32>
    %reduce_sum3A_294 = vector.extract %reduce_sum3A_293[15] : f32 from vector<16xf32>
    %broadcast_in_dim3A_295 = vector.broadcast %reduce_sum3A_294 : f32 to vector<16xf32>
    %select_n3A_296 = arith.select %eq3A_290, %broadcast_in_dim3A_295, %select_n3A_287 : vector<16xi1>, vector<16xf32>
    %eq3A_297 = arith.constant 1 : i32
    %eq3A_298 = vector.broadcast %eq3A_297 : i32 to vector<16xi32>
    %eq3A_299 = arith.cmpi eq, %iota3A, %eq3A_298 : vector<16xi32>
    %reduce_sum3A_300 = arith.constant true
    %reduce_sum3A_301 = vector.broadcast %reduce_sum3A_300 : i1 to vector<16xi1>
    %reduce_sum3A_302 = tpu.scan <sum>, %add3A_167 masked %reduce_sum3A_301 : vector<16xf32>, vector<16xi1> -> vector<16xf32>
    %reduce_sum3A_303 = vector.extract %reduce_sum3A_302[15] : f32 from vector<16xf32>
    %broadcast_in_dim3A_304 = vector.broadcast %reduce_sum3A_303 : f32 to vector<16xf32>
    %select_n3A_305 = arith.select %eq3A_299, %broadcast_in_dim3A_304, %select_n3A_267 : vector<16xi1>, vector<16xf32>
    %eq3A_306 = arith.constant 5 : i32
    %eq3A_307 = vector.broadcast %eq3A_306 : i32 to vector<16xi32>
    %eq3A_308 = arith.cmpi eq, %iota3A, %eq3A_307 : vector<16xi32>
    %reduce_sum3A_309 = arith.constant true
    %reduce_sum3A_310 = vector.broadcast %reduce_sum3A_309 : i1 to vector<16xi1>
    %reduce_sum3A_311 = tpu.scan <sum>, %add3A_169 masked %reduce_sum3A_310 : vector<16xf32>, vector<16xi1> -> vector<16xf32>
    %reduce_sum3A_312 = vector.extract %reduce_sum3A_311[15] : f32 from vector<16xf32>
    %broadcast_in_dim3A_313 = vector.broadcast %reduce_sum3A_312 : f32 to vector<16xf32>
    %select_n3A_314 = arith.select %eq3A_308, %broadcast_in_dim3A_313, %select_n3A_305 : vector<16xi1>, vector<16xf32>
    %eq3A_315 = arith.constant 9 : i32
    %eq3A_316 = vector.broadcast %eq3A_315 : i32 to vector<16xi32>
    %eq3A_317 = arith.cmpi eq, %iota3A, %eq3A_316 : vector<16xi32>
    %reduce_sum3A_318 = arith.constant true
    %reduce_sum3A_319 = vector.broadcast %reduce_sum3A_318 : i1 to vector<16xi1>
    %reduce_sum3A_320 = tpu.scan <sum>, %scan3A_217#9 masked %reduce_sum3A_319 : vector<16xf32>, vector<16xi1> -> vector<16xf32>
    %reduce_sum3A_321 = vector.extract %reduce_sum3A_320[15] : f32 from vector<16xf32>
    %broadcast_in_dim3A_322 = vector.broadcast %reduce_sum3A_321 : f32 to vector<16xf32>
    %select_n3A_323 = arith.select %eq3A_317, %broadcast_in_dim3A_322, %select_n3A_314 : vector<16xi1>, vector<16xf32>
    %eq3A_324 = arith.constant 1 : i32
    %eq3A_325 = vector.broadcast %eq3A_324 : i32 to vector<16xi32>
    %eq3A_326 = arith.cmpi eq, %iota3A, %eq3A_325 : vector<16xi32>
    %reduce_sum3A_327 = arith.constant true
    %reduce_sum3A_328 = vector.broadcast %reduce_sum3A_327 : i1 to vector<16xi1>
    %reduce_sum3A_329 = tpu.scan <sum>, %scan3A_217#8 masked %reduce_sum3A_328 : vector<16xi32>, vector<16xi1> -> vector<16xi32>
    %reduce_sum3A_330 = vector.extract %reduce_sum3A_329[15] : i32 from vector<16xi32>
    %convert_element_type3A_331 = arith.sitofp %reduce_sum3A_330 : i32 to f32
    %broadcast_in_dim3A_332 = vector.broadcast %convert_element_type3A_331 : f32 to vector<16xf32>
    %select_n3A_333 = arith.select %eq3A_326, %broadcast_in_dim3A_332, %select_n3A_296 : vector<16xi1>, vector<16xf32>
    %eq3A_334 = arith.constant 5 : i32
    %eq3A_335 = vector.broadcast %eq3A_334 : i32 to vector<16xi32>
    %eq3A_336 = arith.cmpi eq, %iota3A, %eq3A_335 : vector<16xi32>
    %reduce_sum3A_337 = arith.constant true
    %reduce_sum3A_338 = vector.broadcast %reduce_sum3A_337 : i1 to vector<16xi1>
    %reduce_sum3A_339 = tpu.scan <sum>, %scan3A_217#10 masked %reduce_sum3A_338 : vector<16xi32>, vector<16xi1> -> vector<16xi32>
    %reduce_sum3A_340 = vector.extract %reduce_sum3A_339[15] : i32 from vector<16xi32>
    %convert_element_type3A_341 = arith.sitofp %reduce_sum3A_340 : i32 to f32
    %broadcast_in_dim3A_342 = vector.broadcast %convert_element_type3A_341 : f32 to vector<16xf32>
    %select_n3A_343 = arith.select %eq3A_336, %broadcast_in_dim3A_342, %select_n3A_333 : vector<16xi1>, vector<16xf32>
    %eq3A_344 = arith.constant 9 : i32
    %eq3A_345 = vector.broadcast %eq3A_344 : i32 to vector<16xi32>
    %eq3A_346 = arith.cmpi eq, %iota3A, %eq3A_345 : vector<16xi32>
    %reduce_sum3A_347 = arith.constant true
    %reduce_sum3A_348 = vector.broadcast %reduce_sum3A_347 : i1 to vector<16xi1>
    %reduce_sum3A_349 = tpu.scan <sum>, %scan3A_217#11 masked %reduce_sum3A_348 : vector<16xf32>, vector<16xi1> -> vector<16xf32>
    %reduce_sum3A_350 = vector.extract %reduce_sum3A_349[15] : f32 from vector<16xf32>
    %broadcast_in_dim3A_351 = vector.broadcast %reduce_sum3A_350 : f32 to vector<16xf32>
    %select_n3A_352 = arith.select %eq3A_346, %broadcast_in_dim3A_351, %select_n3A_343 : vector<16xi1>, vector<16xf32>
    %eq3A_353 = arith.constant 2 : i32
    %eq3A_354 = vector.broadcast %eq3A_353 : i32 to vector<16xi32>
    %eq3A_355 = arith.cmpi eq, %iota3A, %eq3A_354 : vector<16xi32>
    %reduce_sum3A_356 = arith.constant true
    %reduce_sum3A_357 = vector.broadcast %reduce_sum3A_356 : i1 to vector<16xi1>
    %reduce_sum3A_358 = tpu.scan <sum>, %add3A_184 masked %reduce_sum3A_357 : vector<16xf32>, vector<16xi1> -> vector<16xf32>
    %reduce_sum3A_359 = vector.extract %reduce_sum3A_358[15] : f32 from vector<16xf32>
    %broadcast_in_dim3A_360 = vector.broadcast %reduce_sum3A_359 : f32 to vector<16xf32>
    %select_n3A_361 = arith.select %eq3A_355, %broadcast_in_dim3A_360, %select_n3A_323 : vector<16xi1>, vector<16xf32>
    %eq3A_362 = arith.constant 6 : i32
    %eq3A_363 = vector.broadcast %eq3A_362 : i32 to vector<16xi32>
    %eq3A_364 = arith.cmpi eq, %iota3A, %eq3A_363 : vector<16xi32>
    %reduce_sum3A_365 = arith.constant true
    %reduce_sum3A_366 = vector.broadcast %reduce_sum3A_365 : i1 to vector<16xi1>
    %reduce_sum3A_367 = tpu.scan <sum>, %add3A_186 masked %reduce_sum3A_366 : vector<16xf32>, vector<16xi1> -> vector<16xf32>
    %reduce_sum3A_368 = vector.extract %reduce_sum3A_367[15] : f32 from vector<16xf32>
    %broadcast_in_dim3A_369 = vector.broadcast %reduce_sum3A_368 : f32 to vector<16xf32>
    %select_n3A_370 = arith.select %eq3A_364, %broadcast_in_dim3A_369, %select_n3A_361 : vector<16xi1>, vector<16xf32>
    %eq3A_371 = arith.constant 10 : i32
    %eq3A_372 = vector.broadcast %eq3A_371 : i32 to vector<16xi32>
    %eq3A_373 = arith.cmpi eq, %iota3A, %eq3A_372 : vector<16xi32>
    %reduce_sum3A_374 = arith.constant true
    %reduce_sum3A_375 = vector.broadcast %reduce_sum3A_374 : i1 to vector<16xi1>
    %reduce_sum3A_376 = tpu.scan <sum>, %scan3A_217#15 masked %reduce_sum3A_375 : vector<16xf32>, vector<16xi1> -> vector<16xf32>
    %reduce_sum3A_377 = vector.extract %reduce_sum3A_376[15] : f32 from vector<16xf32>
    %broadcast_in_dim3A_378 = vector.broadcast %reduce_sum3A_377 : f32 to vector<16xf32>
    %select_n3A_379 = arith.select %eq3A_373, %broadcast_in_dim3A_378, %select_n3A_370 : vector<16xi1>, vector<16xf32>
    %eq3A_380 = arith.constant 2 : i32
    %eq3A_381 = vector.broadcast %eq3A_380 : i32 to vector<16xi32>
    %eq3A_382 = arith.cmpi eq, %iota3A, %eq3A_381 : vector<16xi32>
    %reduce_sum3A_383 = arith.constant true
    %reduce_sum3A_384 = vector.broadcast %reduce_sum3A_383 : i1 to vector<16xi1>
    %reduce_sum3A_385 = tpu.scan <sum>, %scan3A_217#14 masked %reduce_sum3A_384 : vector<16xi32>, vector<16xi1> -> vector<16xi32>
    %reduce_sum3A_386 = vector.extract %reduce_sum3A_385[15] : i32 from vector<16xi32>
    %convert_element_type3A_387 = arith.sitofp %reduce_sum3A_386 : i32 to f32
    %broadcast_in_dim3A_388 = vector.broadcast %convert_element_type3A_387 : f32 to vector<16xf32>
    %select_n3A_389 = arith.select %eq3A_382, %broadcast_in_dim3A_388, %select_n3A_352 : vector<16xi1>, vector<16xf32>
    %eq3A_390 = arith.constant 6 : i32
    %eq3A_391 = vector.broadcast %eq3A_390 : i32 to vector<16xi32>
    %eq3A_392 = arith.cmpi eq, %iota3A, %eq3A_391 : vector<16xi32>
    %reduce_sum3A_393 = arith.constant true
    %reduce_sum3A_394 = vector.broadcast %reduce_sum3A_393 : i1 to vector<16xi1>
    %reduce_sum3A_395 = tpu.scan <sum>, %scan3A_217#16 masked %reduce_sum3A_394 : vector<16xi32>, vector<16xi1> -> vector<16xi32>
    %reduce_sum3A_396 = vector.extract %reduce_sum3A_395[15] : i32 from vector<16xi32>
    %convert_element_type3A_397 = arith.sitofp %reduce_sum3A_396 : i32 to f32
    %broadcast_in_dim3A_398 = vector.broadcast %convert_element_type3A_397 : f32 to vector<16xf32>
    %select_n3A_399 = arith.select %eq3A_392, %broadcast_in_dim3A_398, %select_n3A_389 : vector<16xi1>, vector<16xf32>
    %eq3A_400 = arith.constant 10 : i32
    %eq3A_401 = vector.broadcast %eq3A_400 : i32 to vector<16xi32>
    %eq3A_402 = arith.cmpi eq, %iota3A, %eq3A_401 : vector<16xi32>
    %reduce_sum3A_403 = arith.constant true
    %reduce_sum3A_404 = vector.broadcast %reduce_sum3A_403 : i1 to vector<16xi1>
    %reduce_sum3A_405 = tpu.scan <sum>, %scan3A_217#17 masked %reduce_sum3A_404 : vector<16xf32>, vector<16xi1> -> vector<16xf32>
    %reduce_sum3A_406 = vector.extract %reduce_sum3A_405[15] : f32 from vector<16xf32>
    %broadcast_in_dim3A_407 = vector.broadcast %reduce_sum3A_406 : f32 to vector<16xf32>
    %select_n3A_408 = arith.select %eq3A_402, %broadcast_in_dim3A_407, %select_n3A_399 : vector<16xi1>, vector<16xf32>
    %eq3A_409 = arith.constant 3 : i32
    %eq3A_410 = vector.broadcast %eq3A_409 : i32 to vector<16xi32>
    %eq3A_411 = arith.cmpi eq, %iota3A, %eq3A_410 : vector<16xi32>
    %reduce_sum3A_412 = arith.constant true
    %reduce_sum3A_413 = vector.broadcast %reduce_sum3A_412 : i1 to vector<16xi1>
    %reduce_sum3A_414 = tpu.scan <sum>, %add3A_201 masked %reduce_sum3A_413 : vector<16xf32>, vector<16xi1> -> vector<16xf32>
    %reduce_sum3A_415 = vector.extract %reduce_sum3A_414[15] : f32 from vector<16xf32>
    %broadcast_in_dim3A_416 = vector.broadcast %reduce_sum3A_415 : f32 to vector<16xf32>
    %select_n3A_417 = arith.select %eq3A_411, %broadcast_in_dim3A_416, %select_n3A_379 : vector<16xi1>, vector<16xf32>
    %eq3A_418 = arith.constant 7 : i32
    %eq3A_419 = vector.broadcast %eq3A_418 : i32 to vector<16xi32>
    %eq3A_420 = arith.cmpi eq, %iota3A, %eq3A_419 : vector<16xi32>
    %reduce_sum3A_421 = arith.constant true
    %reduce_sum3A_422 = vector.broadcast %reduce_sum3A_421 : i1 to vector<16xi1>
    %reduce_sum3A_423 = tpu.scan <sum>, %add3A_203 masked %reduce_sum3A_422 : vector<16xf32>, vector<16xi1> -> vector<16xf32>
    %reduce_sum3A_424 = vector.extract %reduce_sum3A_423[15] : f32 from vector<16xf32>
    %broadcast_in_dim3A_425 = vector.broadcast %reduce_sum3A_424 : f32 to vector<16xf32>
    %select_n3A_426 = arith.select %eq3A_420, %broadcast_in_dim3A_425, %select_n3A_417 : vector<16xi1>, vector<16xf32>
    %eq3A_427 = arith.constant 11 : i32
    %eq3A_428 = vector.broadcast %eq3A_427 : i32 to vector<16xi32>
    %eq3A_429 = arith.cmpi eq, %iota3A, %eq3A_428 : vector<16xi32>
    %reduce_sum3A_430 = arith.constant true
    %reduce_sum3A_431 = vector.broadcast %reduce_sum3A_430 : i1 to vector<16xi1>
    %reduce_sum3A_432 = tpu.scan <sum>, %scan3A_217#21 masked %reduce_sum3A_431 : vector<16xf32>, vector<16xi1> -> vector<16xf32>
    %reduce_sum3A_433 = vector.extract %reduce_sum3A_432[15] : f32 from vector<16xf32>
    %broadcast_in_dim3A_434 = vector.broadcast %reduce_sum3A_433 : f32 to vector<16xf32>
    %select_n3A_435 = arith.select %eq3A_429, %broadcast_in_dim3A_434, %select_n3A_426 : vector<16xi1>, vector<16xf32>
    %eq3A_436 = arith.constant 3 : i32
    %eq3A_437 = vector.broadcast %eq3A_436 : i32 to vector<16xi32>
    %eq3A_438 = arith.cmpi eq, %iota3A, %eq3A_437 : vector<16xi32>
    %reduce_sum3A_439 = arith.constant true
    %reduce_sum3A_440 = vector.broadcast %reduce_sum3A_439 : i1 to vector<16xi1>
    %reduce_sum3A_441 = tpu.scan <sum>, %scan3A_217#20 masked %reduce_sum3A_440 : vector<16xi32>, vector<16xi1> -> vector<16xi32>
    %reduce_sum3A_442 = vector.extract %reduce_sum3A_441[15] : i32 from vector<16xi32>
    %convert_element_type3A_443 = arith.sitofp %reduce_sum3A_442 : i32 to f32
    %broadcast_in_dim3A_444 = vector.broadcast %convert_element_type3A_443 : f32 to vector<16xf32>
    %select_n3A_445 = arith.select %eq3A_438, %broadcast_in_dim3A_444, %select_n3A_408 : vector<16xi1>, vector<16xf32>
    %eq3A_446 = arith.constant 7 : i32
    %eq3A_447 = vector.broadcast %eq3A_446 : i32 to vector<16xi32>
    %eq3A_448 = arith.cmpi eq, %iota3A, %eq3A_447 : vector<16xi32>
    %reduce_sum3A_449 = arith.constant true
    %reduce_sum3A_450 = vector.broadcast %reduce_sum3A_449 : i1 to vector<16xi1>
    %reduce_sum3A_451 = tpu.scan <sum>, %scan3A_217#22 masked %reduce_sum3A_450 : vector<16xi32>, vector<16xi1> -> vector<16xi32>
    %reduce_sum3A_452 = vector.extract %reduce_sum3A_451[15] : i32 from vector<16xi32>
    %convert_element_type3A_453 = arith.sitofp %reduce_sum3A_452 : i32 to f32
    %broadcast_in_dim3A_454 = vector.broadcast %convert_element_type3A_453 : f32 to vector<16xf32>
    %select_n3A_455 = arith.select %eq3A_448, %broadcast_in_dim3A_454, %select_n3A_445 : vector<16xi1>, vector<16xf32>
    %eq3A_456 = arith.constant 11 : i32
    %eq3A_457 = vector.broadcast %eq3A_456 : i32 to vector<16xi32>
    %eq3A_458 = arith.cmpi eq, %iota3A, %eq3A_457 : vector<16xi32>
    %reduce_sum3A_459 = arith.constant true
    %reduce_sum3A_460 = vector.broadcast %reduce_sum3A_459 : i1 to vector<16xi1>
    %reduce_sum3A_461 = tpu.scan <sum>, %scan3A_217#23 masked %reduce_sum3A_460 : vector<16xf32>, vector<16xi1> -> vector<16xf32>
    %reduce_sum3A_462 = vector.extract %reduce_sum3A_461[15] : f32 from vector<16xf32>
    %broadcast_in_dim3A_463 = vector.broadcast %reduce_sum3A_462 : f32 to vector<16xf32>
    %select_n3A_464 = arith.select %eq3A_458, %broadcast_in_dim3A_463, %select_n3A_455 : vector<16xi1>, vector<16xf32>
    %swap3A = arith.constant 0 : index
    %swap3A_465 = tpu.vector_load %arg10[%swap3A] {strides = array<i32>} : memref<16xf32, #tpu.memory_space<vmem>>, vector<16xf32>,
    tpu.vector_store %arg10[%swap3A], %select_n3A_435 {strides = array<i32>} : memref<16xf32, #tpu.memory_space<vmem>>, vector<16xf32>,
    %swap3A_466 = arith.constant 0 : index
    %swap3A_467 = tpu.vector_load %arg11[%swap3A_466] {strides = array<i32>} : memref<16xf32, #tpu.memory_space<vmem>>, vector<16xf32>,
    tpu.vector_store %arg11[%swap3A_466], %select_n3A_464 {strides = array<i32>} : memref<16xf32, #tpu.memory_space<vmem>>, vector<16xf32>,
    "tpu.region"() ({
      %run_scoped3A = tpu.sem_alloc : memref<!tpu.dma_semaphore, #tpu.memory_space<semaphore_mem>>
      %dma_start3A_468 = arith.constant 0 : i32
      %dma_start3A_469 = tpu.memref_slice %arg4[%add3A, %dma_start3A_468] : memref<32x16xf32, #tpu.memory_space<hbm>> -> memref<1x16xf32, #tpu.memory_space<hbm>>
      %dma_start3A_470 = tpu.memref_squeeze %dma_start3A_469 : memref<1x16xf32, #tpu.memory_space<hbm>> -> memref<16xf32, #tpu.memory_space<hbm>>
      %dma_start3A_471 = arith.constant 0 : i32
      %dma_start3A_472 = tpu.memref_slice %arg4[%add3A, %dma_start3A_471] : memref<32x16xf32, #tpu.memory_space<hbm>> -> memref<1x16xf32, #tpu.memory_space<hbm>>
      %dma_start3A_473 = tpu.memref_squeeze %dma_start3A_472 : memref<1x16xf32, #tpu.memory_space<hbm>> -> memref<16xf32, #tpu.memory_space<hbm>>
      tpu.enqueue_dma source(%arg10 : memref<16xf32, #tpu.memory_space<vmem>>) target(%dma_start3A_473 : memref<16xf32, #tpu.memory_space<hbm>>) target_semaphore(%run_scoped3A : memref<!tpu.dma_semaphore, #tpu.memory_space<semaphore_mem>>)
      %dma_wait3A_474 = arith.constant 0 : i32
      %dma_wait3A_475 = tpu.memref_slice %arg4[%add3A, %dma_wait3A_474] : memref<32x16xf32, #tpu.memory_space<hbm>> -> memref<1x16xf32, #tpu.memory_space<hbm>>
      %dma_wait3A_476 = tpu.memref_squeeze %dma_wait3A_475 : memref<1x16xf32, #tpu.memory_space<hbm>> -> memref<16xf32, #tpu.memory_space<hbm>>
      %dma_wait3A_477 = arith.constant 0 : i32
      %dma_wait3A_478 = tpu.memref_slice %arg4[%add3A, %dma_wait3A_477] : memref<32x16xf32, #tpu.memory_space<hbm>> -> memref<1x16xf32, #tpu.memory_space<hbm>>
      %dma_wait3A_479 = tpu.memref_squeeze %dma_wait3A_478 : memref<1x16xf32, #tpu.memory_space<hbm>> -> memref<16xf32, #tpu.memory_space<hbm>>
      tpu.wait_dma2 semaphore(%run_scoped3A : memref<!tpu.dma_semaphore, #tpu.memory_space<semaphore_mem>>) src(%arg10 : memref<16xf32, #tpu.memory_space<vmem>>) dst(%dma_wait3A_479 : memref<16xf32, #tpu.memory_space<hbm>>)
      tpu.yield
    }) : () -> ()
    "tpu.region"() ({
      %run_scoped3A = tpu.sem_alloc : memref<!tpu.dma_semaphore, #tpu.memory_space<semaphore_mem>>
      %dma_start3A_468 = arith.constant 0 : i32
      %dma_start3A_469 = tpu.memref_slice %arg5[%add3A, %dma_start3A_468] : memref<32x16xf32, #tpu.memory_space<hbm>> -> memref<1x16xf32, #tpu.memory_space<hbm>>
      %dma_start3A_470 = tpu.memref_squeeze %dma_start3A_469 : memref<1x16xf32, #tpu.memory_space<hbm>> -> memref<16xf32, #tpu.memory_space<hbm>>
      %dma_start3A_471 = arith.constant 0 : i32
      %dma_start3A_472 = tpu.memref_slice %arg5[%add3A, %dma_start3A_471] : memref<32x16xf32, #tpu.memory_space<hbm>> -> memref<1x16xf32, #tpu.memory_space<hbm>>
      %dma_start3A_473 = tpu.memref_squeeze %dma_start3A_472 : memref<1x16xf32, #tpu.memory_space<hbm>> -> memref<16xf32, #tpu.memory_space<hbm>>
      tpu.enqueue_dma source(%arg11 : memref<16xf32, #tpu.memory_space<vmem>>) target(%dma_start3A_473 : memref<16xf32, #tpu.memory_space<hbm>>) target_semaphore(%run_scoped3A : memref<!tpu.dma_semaphore, #tpu.memory_space<semaphore_mem>>)
      %dma_wait3A_474 = arith.constant 0 : i32
      %dma_wait3A_475 = tpu.memref_slice %arg5[%add3A, %dma_wait3A_474] : memref<32x16xf32, #tpu.memory_space<hbm>> -> memref<1x16xf32, #tpu.memory_space<hbm>>
      %dma_wait3A_476 = tpu.memref_squeeze %dma_wait3A_475 : memref<1x16xf32, #tpu.memory_space<hbm>> -> memref<16xf32, #tpu.memory_space<hbm>>
      %dma_wait3A_477 = arith.constant 0 : i32
      %dma_wait3A_478 = tpu.memref_slice %arg5[%add3A, %dma_wait3A_477] : memref<32x16xf32, #tpu.memory_space<hbm>> -> memref<1x16xf32, #tpu.memory_space<hbm>>
      %dma_wait3A_479 = tpu.memref_squeeze %dma_wait3A_478 : memref<1x16xf32, #tpu.memory_space<hbm>> -> memref<16xf32, #tpu.memory_space<hbm>>
      tpu.wait_dma2 semaphore(%run_scoped3A : memref<!tpu.dma_semaphore, #tpu.memory_space<semaphore_mem>>) src(%arg11 : memref<16xf32, #tpu.memory_space<vmem>>) dst(%dma_wait3A_479 : memref<16xf32, #tpu.memory_space<hbm>>)
      tpu.yield
    }) : () -> ()
    return
  }
}

module attributes {stable_mosaic.version = 14 : i64} {
  func.func @tc_body(%arg0: memref<32x16xf32, #tpu.memory_space<vmem>>, %arg1: memref<32x16xf32, #tpu.memory_space<vmem>>, %arg2: memref<1x1xf32, #tpu.memory_space<vmem>>, %arg3: memref<1x1xf32, #tpu.memory_space<vmem>>, %arg4: memref<1x1xf32, #tpu.memory_space<vmem>>, %arg5: memref<1x1xf32, #tpu.memory_space<vmem>>) attributes {dimension_semantics = [], scalar_prefetch = 0 : i64, scratch_operands = 0 : i64, tpu.core_type = #tpu.core_type<tc>} {
    %get3A = arith.constant 0 : index
    %get3A_0 = arith.constant 0 : index
    %get3A_1 = vector.load %arg0[%get3A, %get3A_0] : memref<32x16xf32, #tpu.memory_space<vmem>>, vector<32x16xf32>
    %get3A_2 = arith.constant 0 : index
    %get3A_3 = arith.constant 0 : index
    %get3A_4 = vector.load %arg1[%get3A_2, %get3A_3] : memref<32x16xf32, #tpu.memory_space<vmem>>, vector<32x16xf32>
    %slice3A = vector.extract_strided_slice %get3A_1 {offsets = [0, 0], sizes = [32, 4], strides = [1, 1]} : vector<32x16xf32> to vector<32x4xf32>
    %slice3A_5 = vector.extract_strided_slice %get3A_1 {offsets = [0, 4], sizes = [32, 4], strides = [1, 1]} : vector<32x16xf32> to vector<32x4xf32>
    %slice3A_6 = vector.extract_strided_slice %get3A_1 {offsets = [0, 8], sizes = [32, 4], strides = [1, 1]} : vector<32x16xf32> to vector<32x4xf32>
    %slice3A_7 = vector.extract_strided_slice %get3A_1 {offsets = [0, 12], sizes = [32, 4], strides = [1, 1]} : vector<32x16xf32> to vector<32x4xf32>
    %slice3A_8 = vector.extract_strided_slice %get3A_4 {offsets = [0, 0], sizes = [32, 4], strides = [1, 1]} : vector<32x16xf32> to vector<32x4xf32>
    %slice3A_9 = vector.extract_strided_slice %get3A_4 {offsets = [0, 4], sizes = [32, 4], strides = [1, 1]} : vector<32x16xf32> to vector<32x4xf32>
    %max3A = arith.constant 1.000000e+00 : f32
    %max3A_10 = vector.broadcast %max3A : f32 to vector<32x4xf32>
    %max3A_11 = arith.maximumf %slice3A_9, %max3A_10 : vector<32x4xf32>
    %slice3A_12 = vector.extract_strided_slice %get3A_4 {offsets = [0, 8], sizes = [32, 4], strides = [1, 1]} : vector<32x16xf32> to vector<32x4xf32>
    %sub3A = arith.constant 4.090000e+02 : f32
    %sub3A_13 = vector.broadcast %sub3A : f32 to vector<32x4xf32>
    %sub3A_14 = arith.subf %sub3A_13, %slice3A_8 : vector<32x4xf32>
    %div3A = arith.divf %slice3A_12, %max3A_11 : vector<32x4xf32>
    %mul3A = arith.mulf %sub3A_14, %div3A : vector<32x4xf32>
    %mul3A_15 = arith.constant 0.00390655501 : f32
    %mul3A_16 = vector.broadcast %mul3A_15 : f32 to vector<32x4xf32>
    %mul3A_17 = arith.mulf %mul3A_16, %sub3A_14 : vector<32x4xf32>
    %sub3A_18 = arith.subf %max3A_11, %sub3A_14 : vector<32x4xf32>
    %mul3A_19 = arith.mulf %mul3A_17, %sub3A_18 : vector<32x4xf32>
    %div3A_20 = arith.divf %mul3A_19, %max3A_11 : vector<32x4xf32>
    %add3A = arith.addf %mul3A, %div3A_20 : vector<32x4xf32>
    %add3A_21 = arith.addf %slice3A_6, %add3A : vector<32x4xf32>
    %mul3A_22 = arith.constant 0.00244498788 : f32
    %mul3A_23 = vector.broadcast %mul3A_22 : f32 to vector<32x4xf32>
    %mul3A_24 = arith.mulf %add3A_21, %mul3A_23 : vector<32x4xf32>
    %eq3A = arith.constant 1.000000e+00 : f32
    %eq3A_25 = vector.broadcast %eq3A : f32 to vector<32x4xf32>
    %eq3A_26 = arith.cmpf oeq, %slice3A_7, %eq3A_25 : vector<32x4xf32>
    %convert_element_type3A = arith.extui %eq3A_26 : vector<32x4xi1> to vector<32x4xi32>
    %convert_element_type3A_27 = arith.sitofp %convert_element_type3A : vector<32x4xi32> to vector<32x4xf32>
    %eq3A_28 = arith.constant 0.000000e+00 : f32
    %eq3A_29 = vector.broadcast %eq3A_28 : f32 to vector<32x4xf32>
    %eq3A_30 = arith.cmpf oeq, %slice3A_7, %eq3A_29 : vector<32x4xf32>
    %convert_element_type3A_31 = arith.extui %eq3A_30 : vector<32x4xi1> to vector<32x4xi32>
    %convert_element_type3A_32 = arith.sitofp %convert_element_type3A_31 : vector<32x4xi32> to vector<32x4xf32>
    %mul3A_33 = arith.mulf %mul3A_24, %convert_element_type3A_27 : vector<32x4xf32>
    %reduce_sum3A = vector.shape_cast %mul3A_33 : vector<32x4xf32> to vector<1x32x4xf32>
    %reduce_sum3A_34 = arith.constant dense<0.000000e+00> : vector<1xf32>
    %reduce_sum3A_35 = vector.multi_reduction <add>, %reduce_sum3A, %reduce_sum3A_34 [1, 2] : vector<1x32x4xf32> to vector<1xf32>
    %reduce_sum3A_36 = vector.shape_cast %reduce_sum3A_35 : vector<1xf32> to vector<1x1x1xf32>
    %reduce_sum3A_37 = vector.extract %reduce_sum3A_36[0, 0, 0] : f32 from vector<1x1x1xf32>
    %mul3A_38 = arith.mulf %mul3A_24, %convert_element_type3A_32 : vector<32x4xf32>
    %reduce_sum3A_39 = vector.shape_cast %mul3A_38 : vector<32x4xf32> to vector<1x32x4xf32>
    %reduce_sum3A_40 = arith.constant dense<0.000000e+00> : vector<1xf32>
    %reduce_sum3A_41 = vector.multi_reduction <add>, %reduce_sum3A_39, %reduce_sum3A_40 [1, 2] : vector<1x32x4xf32> to vector<1xf32>
    %reduce_sum3A_42 = vector.shape_cast %reduce_sum3A_41 : vector<1xf32> to vector<1x1x1xf32>
    %reduce_sum3A_43 = vector.extract %reduce_sum3A_42[0, 0, 0] : f32 from vector<1x1x1xf32>
    %reduce_sum3A_44 = vector.shape_cast %convert_element_type3A_27 : vector<32x4xf32> to vector<1x32x4xf32>
    %reduce_sum3A_45 = arith.constant dense<0.000000e+00> : vector<1xf32>
    %reduce_sum3A_46 = vector.multi_reduction <add>, %reduce_sum3A_44, %reduce_sum3A_45 [1, 2] : vector<1x32x4xf32> to vector<1xf32>
    %reduce_sum3A_47 = vector.shape_cast %reduce_sum3A_46 : vector<1xf32> to vector<1x1x1xf32>
    %reduce_sum3A_48 = vector.extract %reduce_sum3A_47[0, 0, 0] : f32 from vector<1x1x1xf32>
    %reduce_sum3A_49 = vector.shape_cast %convert_element_type3A_32 : vector<32x4xf32> to vector<1x32x4xf32>
    %reduce_sum3A_50 = arith.constant dense<0.000000e+00> : vector<1xf32>
    %reduce_sum3A_51 = vector.multi_reduction <add>, %reduce_sum3A_49, %reduce_sum3A_50 [1, 2] : vector<1x32x4xf32> to vector<1xf32>
    %reduce_sum3A_52 = vector.shape_cast %reduce_sum3A_51 : vector<1xf32> to vector<1x1x1xf32>
    %reduce_sum3A_53 = vector.extract %reduce_sum3A_52[0, 0, 0] : f32 from vector<1x1x1xf32>
    %mul3A_54 = arith.mulf %reduce_sum3A_48, %reduce_sum3A_53 : f32
    %gt3A = arith.constant 0.000000e+00 : f32
    %gt3A_55 = arith.cmpf ogt, %mul3A_54, %gt3A : f32
    %max3A_56 = arith.constant 1.000000e+00 : f32
    %max3A_57 = arith.maximumf %reduce_sum3A_48, %max3A_56 : f32
    %div3A_58 = arith.divf %reduce_sum3A_37, %max3A_57 : f32
    %sub3A_59 = arith.constant 1.000000e+00 : f32
    %sub3A_60 = arith.subf %sub3A_59, %div3A_58 : f32
    %max3A_61 = arith.constant 1.000000e+00 : f32
    %max3A_62 = arith.maximumf %reduce_sum3A_53, %max3A_61 : f32
    %div3A_63 = arith.divf %reduce_sum3A_43, %max3A_62 : f32
    %add3A_64 = arith.addf %sub3A_60, %div3A_63 : f32
    %jit3A = arith.constant 0.000000e+00 : f32
    %select_n3A = arith.select %gt3A_55, %add3A_64, %jit3A : f32
    %reduce_sum3A_65 = vector.shape_cast %slice3A : vector<32x4xf32> to vector<1x32x4xf32>
    %reduce_sum3A_66 = arith.constant dense<0.000000e+00> : vector<1xf32>
    %reduce_sum3A_67 = vector.multi_reduction <add>, %reduce_sum3A_65, %reduce_sum3A_66 [1, 2] : vector<1x32x4xf32> to vector<1xf32>
    %reduce_sum3A_68 = vector.shape_cast %reduce_sum3A_67 : vector<1xf32> to vector<1x1x1xf32>
    %reduce_sum3A_69 = vector.extract %reduce_sum3A_68[0, 0, 0] : f32 from vector<1x1x1xf32>
    %div3A_70 = arith.constant 5.242880e+05 : f32
    %div3A_71 = arith.divf %reduce_sum3A_69, %div3A_70 : f32
    %reduce_sum3A_72 = vector.shape_cast %slice3A_5 : vector<32x4xf32> to vector<1x32x4xf32>
    %reduce_sum3A_73 = arith.constant dense<0.000000e+00> : vector<1xf32>
    %reduce_sum3A_74 = vector.multi_reduction <add>, %reduce_sum3A_72, %reduce_sum3A_73 [1, 2] : vector<1x32x4xf32> to vector<1xf32>
    %reduce_sum3A_75 = vector.shape_cast %reduce_sum3A_74 : vector<1xf32> to vector<1x1x1xf32>
    %reduce_sum3A_76 = vector.extract %reduce_sum3A_75[0, 0, 0] : f32 from vector<1x1x1xf32>
    %div3A_77 = arith.constant 5.241600e+05 : f32
    %div3A_78 = arith.divf %reduce_sum3A_76, %div3A_77 : f32
    %mul3A_79 = arith.constant 1.000000e+00 : f32
    %mul3A_80 = arith.mulf %mul3A_79, %select_n3A : f32
    %mul3A_81 = arith.constant 1.000000e-01 : f32
    %mul3A_82 = arith.mulf %mul3A_81, %div3A_78 : f32
    %add3A_83 = arith.addf %mul3A_80, %mul3A_82 : f32
    %mul3A_84 = arith.constant 0.00999999977 : f32
    %mul3A_85 = arith.mulf %mul3A_84, %div3A_71 : f32
    %add3A_86 = arith.addf %add3A_83, %mul3A_85 : f32
    %broadcast_in_dim3A = arith.constant 0.000000e+00 : f32
    %broadcast_in_dim3A_87 = vector.broadcast %broadcast_in_dim3A : f32 to vector<1x1xf32>
    %add3A_88 = vector.broadcast %add3A_86 : f32 to vector<1x1xf32>
    %add3A_89 = arith.addf %broadcast_in_dim3A_87, %add3A_88 : vector<1x1xf32>
    %swap3A = arith.constant 0 : index
    %swap3A_90 = arith.constant 0 : index
    %swap3A_91 = vector.load %arg2[%swap3A, %swap3A_90] : memref<1x1xf32, #tpu.memory_space<vmem>>, vector<1x1xf32>
    tpu.vector_store %arg2[%swap3A, %swap3A_90], %add3A_89 {strides = array<i32>} : memref<1x1xf32, #tpu.memory_space<vmem>>, vector<1x1xf32>,
    %broadcast_in_dim3A_92 = arith.constant 0.000000e+00 : f32
    %broadcast_in_dim3A_93 = vector.broadcast %broadcast_in_dim3A_92 : f32 to vector<1x1xf32>
    %add3A_94 = vector.broadcast %select_n3A : f32 to vector<1x1xf32>
    %add3A_95 = arith.addf %broadcast_in_dim3A_93, %add3A_94 : vector<1x1xf32>
    %swap3A_96 = arith.constant 0 : index
    %swap3A_97 = arith.constant 0 : index
    %swap3A_98 = vector.load %arg3[%swap3A_96, %swap3A_97] : memref<1x1xf32, #tpu.memory_space<vmem>>, vector<1x1xf32>
    tpu.vector_store %arg3[%swap3A_96, %swap3A_97], %add3A_95 {strides = array<i32>} : memref<1x1xf32, #tpu.memory_space<vmem>>, vector<1x1xf32>,
    %broadcast_in_dim3A_99 = arith.constant 0.000000e+00 : f32
    %broadcast_in_dim3A_100 = vector.broadcast %broadcast_in_dim3A_99 : f32 to vector<1x1xf32>
    %add3A_101 = vector.broadcast %div3A_78 : f32 to vector<1x1xf32>
    %add3A_102 = arith.addf %broadcast_in_dim3A_100, %add3A_101 : vector<1x1xf32>
    %swap3A_103 = arith.constant 0 : index
    %swap3A_104 = arith.constant 0 : index
    %swap3A_105 = vector.load %arg4[%swap3A_103, %swap3A_104] : memref<1x1xf32, #tpu.memory_space<vmem>>, vector<1x1xf32>
    tpu.vector_store %arg4[%swap3A_103, %swap3A_104], %add3A_102 {strides = array<i32>} : memref<1x1xf32, #tpu.memory_space<vmem>>, vector<1x1xf32>,
    %broadcast_in_dim3A_106 = arith.constant 0.000000e+00 : f32
    %broadcast_in_dim3A_107 = vector.broadcast %broadcast_in_dim3A_106 : f32 to vector<1x1xf32>
    %add3A_108 = vector.broadcast %div3A_71 : f32 to vector<1x1xf32>
    %add3A_109 = arith.addf %broadcast_in_dim3A_107, %add3A_108 : vector<1x1xf32>
    %swap3A_110 = arith.constant 0 : index
    %swap3A_111 = arith.constant 0 : index
    %swap3A_112 = vector.load %arg5[%swap3A_110, %swap3A_111] : memref<1x1xf32, #tpu.memory_space<vmem>>, vector<1x1xf32>
    tpu.vector_store %arg5[%swap3A_110, %swap3A_111], %add3A_109 {strides = array<i32>} : memref<1x1xf32, #tpu.memory_space<vmem>>, vector<1x1xf32>,
    return
  }
}

</mosaic_0001>

<sc_bundles>
// kernel: kernel.4.cloned.1.call-start
scs
__scs_entry_jumppad:
0x0: {  	(pc) =	sbr.rel $0x88, $3  }
0x1: {  	(tag) =	ssettag $0x0;
	lr =	simm.s32 $0x1  }
0x2: {  	[smem:$0x3F9F] =	sst lr;
	_ =	strace $0xD0000000  }
0x3: {  	_ = 	snop  }
0x4: {  	_ = 	snop  }
0x5: {  	_ = 	snop  }
0x6: {  	_ = 	snop  }
0x7: {  	_ = 	snop  }
__scs_overlays_trampoline_lowered:
0x8: {  	[smem:$0x3FAE] =	sst s0  }
0x9: {  	[smem:$0x3FAF] =	sst s1  }
0xa: {  	[smem:$0x3FB0] =	sst s2  }
0xb: {  	[smem:$0x3FB1] =	sst s3  }
0xc: {  	[smem:$0x3FB2] =	sst s4  }
0xd: {  	[smem:$0x3FB3] =	sst s5  }
0xe: {  	[smem:$0x3FB4] =	sst s6  }
0xf: {  	[smem:$0x3FB5] =	sst s7  }
0x10: {  	[smem:$0x3FB6] =	sst s8  }
0x11: {  	[smem:$0x3FB7] =	sst s9;
	s0 =	simm.s32 @!p0 $0x0  }
0x12: {  	s1 =	sld [smem:$0x3F9D];
	s0 =	simm.s32 @p0 $0x1  }
0x13: {  	[smem:$0x3FB8] =	sst s0;
	s0 =	simm.s32 @!p1 $0x0  }
0x14: {  	s2 =	sld [smem:$0x3F9C];
	s0 =	simm.s32 @p1 $0x1  }
0x15: {  	[smem:$0x3FB9] =	sst s0;
	s0 =	simm.s32 @!p2 $0x0  }
0x16: {  	s3 =	sld [smem:$0x3FDB];
	s0 =	simm.s32 @p2 $0x1  }
0x17: {  	s4 =	simm.s32 $0x1BF5;
	[smem:$0x3FBB] =	sst s0  }
0x18: {  	s0 =	sld [smem:$0x3F9E];
	_ =	swait.ge [sflag:s4], $0x0  }
0x19: {  	s7 =	sld [smem:$0x3F9F]  }
0x1a: {  	s8 =	sadd.s32 $0xFFFFE003, lr  }
0x1b: {  	s9 =	sadd.s32 $0xFFFFFEF7, lr;
	s5 =	simm.s32 $0xFFFFFFFF;
	p2 =	slt.u32 s8, $0xFFFFF086  }
0x1c: {  	p1 =	slt.u32 s9, $0xF7A;
	s5 =	simm.s32 @!p2 $0x0  }
0x1d: {  	s5 =	simm.s32 @p1 $0x1;
	p0 =	seq.s32 s7, s2  }
0x1e: {  	s7 =	smul.u32 @!p0 $0xF7A, s2;
	p2 =	seq.s32 @!p0 s5, $0x0  }
0x1f: {  	s9 =	smul.u32 $0xF7A, s1;
	s8 =	simm.s32 @!p0 $0x1BF5;
	p2 =	por !p2, p0  }
0x20: {  	[sflag:s8] =	ssyncset.s32 @!p0 $0xFFFFF086;
	s6 =	sadd.s32 @!p0 s3, s7;
	s7 =	simm.s32 @!p0 $0x108  }
0x21: {  	s3 =	sadd.s32 s3, s9;
	s6 =	sadd.s32 @!p0 $0x88, s6;
	s7 =	simm.s32 @p2 $0x1082  }
0x22: {  	[simem:s7], [sflag:s8] =	dma.local @!p0 [hbm:s6], $0xF7A  }
0x23: {  	s9 =	sor.u32 $0xD0000000, s2;
	s6 =	simm.s32 $0x108;
	_ =	swait.ge @!p0 [sflag:s8], $0x0  }
0x24: {  	s3 =	sadd.s32 $0x88, s3;
	s6 =	simm.s32 @!p1 $0x1082;
	[sflag:s4] =	ssyncset.s32 $0xFFFFF086  }
0x25: {  	[simem:s6], [sflag:s4] =	dma.local [hbm:s3], $0xF7A  }
0x26: {  	[smem:$0x3F9F] =	sst s1;
	(tag) =	ssettag s2;
	_ =	strace s9  }
0x27: {  	s1 =	sld [smem:$0x3FAF]  }
0x28: {  	s2 =	sld [smem:$0x3FB0]  }
0x29: {  	s4 =	sld [smem:$0x3FB2]  }
0x2a: {  	p0 =	seq.s32 s5, $0x0;
	s5 =	sld [smem:$0x3FB3]  }
0x2b: {  	s6 =	sld [smem:$0x3FB4]  }
0x2c: {  	s7 =	sld [smem:$0x3FB5]  }
0x2d: {  	s3 =	simm.s32 $0x108;
	s8 =	sld [smem:$0x3FB6]  }
0x2e: {  	s3 =	simm.s32 @!p0 $0x1082;
	s9 =	sld [smem:$0x3FB7]  }
0x2f: {  	lr =	sadd.s32 s0, s3;
	s0 =	sld [smem:$0x3FAE]  }
0x30: {  	s3 =	sld [smem:$0x3FB1]  }
0x31: {  	[smem:$0x3FBA] =	sst s10  }
0x32: {  	s10 =	sld [smem:$0x3FB8];
	_ =	sdelay $0x3  }
0x33: {  	p0 =	seq.s32 s10, $0x1;
	s10 =	sld [smem:$0x3FBA];
	_ =	sdelay $0x3  }
0x34: {  	[smem:$0x3FBA] =	sst s10  }
0x35: {  	s10 =	sld [smem:$0x3FB9];
	_ =	sdelay $0x3  }
0x36: {  	p1 =	seq.s32 s10, $0x1;
	s10 =	sld [smem:$0x3FBA];
	_ =	sdelay $0x3  }
0x37: {  	[smem:$0x3FBA] =	sst s10  }
0x38: {  	s10 =	sld [smem:$0x3FBB]  }
0x39: {  	_ = 	snop;
	(pc) =	sbr.ind lr, $3  }
0x3a: {  	_ = 	snop  }
0x3b: {  	_ = 	snop  }
0x3c: {  	p2 =	seq.s32 s10, $0x1;
	s10 =	sld [smem:$0x3FBA]  }
0x3d: {  	_ =	shalt  }
0x3e: {  	_ =	shalt  }
0x3f: {  	_ =	shalt  }
0x40: {  	_ =	shalt  }
0x41: {  	_ =	shalt  }
0x42: {  	_ =	shalt  }
0x43: {  	_ =	shalt  }
0x44: {  	_ =	shalt  }
0x45: {  	_ =	shalt  }
0x46: {  	_ =	shalt  }
0x47: {  	_ =	shalt  }
0x48: {  	_ =	shalt  }
0x49: {  	_ =	shalt  }
0x4a: {  	_ =	shalt  }
0x4b: {  	_ =	shalt  }
0x4c: {  	_ =	shalt  }
0x4d: {  	_ =	shalt  }
0x4e: {  	_ =	shalt  }
0x4f: {  	_ =	shalt  }
0x50: {  	_ =	shalt  }
0x51: {  	_ =	shalt  }
0x52: {  	_ =	shalt  }
0x53: {  	_ =	shalt  }
0x54: {  	_ =	shalt  }
0x55: {  	_ =	shalt  }
0x56: {  	_ =	shalt  }
0x57: {  	_ =	shalt  }
0x58: {  	_ =	shalt  }
0x59: {  	_ =	shalt  }
0x5a: {  	_ =	shalt  }
0x5b: {  	_ =	shalt  }
0x5c: {  	_ =	shalt  }
0x5d: {  	_ =	shalt  }
0x5e: {  	_ =	shalt  }
0x5f: {  	_ =	shalt  }
0x60: {  	_ =	shalt  }
0x61: {  	_ =	shalt  }
0x62: {  	_ =	shalt  }
0x63: {  	_ =	shalt  }
0x64: {  	_ =	shalt  }
0x65: {  	_ =	shalt  }
0x66: {  	_ =	shalt  }
0x67: {  	_ =	shalt  }
0x68: {  	_ =	shalt  }
0x69: {  	_ =	shalt  }
0x6a: {  	_ =	shalt  }
0x6b: {  	_ =	shalt  }
0x6c: {  	_ =	shalt  }
0x6d: {  	_ =	shalt  }
0x6e: {  	_ =	shalt  }
0x6f: {  	_ =	shalt  }
0x70: {  	_ =	shalt  }
0x71: {  	_ =	shalt  }
0x72: {  	_ =	shalt  }
0x73: {  	_ =	shalt  }
0x74: {  	_ =	shalt  }
0x75: {  	_ =	shalt  }
0x76: {  	_ =	shalt  }
0x77: {  	_ =	shalt  }
0x78: {  	_ =	shalt  }
0x79: {  	_ =	shalt  }
0x7a: {  	_ =	shalt  }
0x7b: {  	_ =	shalt  }
0x7c: {  	_ =	shalt  }
0x7d: {  	_ =	shalt  }
0x7e: {  	_ =	shalt  }
0x7f: {  	_ =	shalt  }
0x80: {  	_ =	shalt  }
0x81: {  	_ =	shalt  }
0x82: {  	_ =	shalt  }
0x83: {  	_ =	shalt  }
0x84: {  	_ =	shalt  }
0x85: {  	_ =	shalt  }
0x86: {  	_ =	shalt  }
0x87: {  	_ =	shalt  }
.Lfunc_end0:
.L_simem_size_0:
called_computation_lowered:
.L_overlay_start_0:
0x88: {  	s2 =	sld [smem:$0x3FD9]  }
0x89: {  	s3 =	sld [smem:$0x3FFE];
	_ =	sdelay $0x1  }
0x8a: {  	s1 =	srdreg.scid  }
0x8b: {  	s0 =	sand.u32 $0x1, s1  }
0x8c: {  	s17 =	sshll.u32 s0, $0xA;
	s2 =	sadd.s32 s3, s2  }
0x8d: {  	s2 =	sadd.s32 s2, s17  }
0x8e: {  	[smem:$0x3FC6] =	sst s2  }
0x8f: {  	_ = 	snop  }
0x90: {  	s2 =	sld [smem:$0x3FC9]  }
0x91: {  	s18 =	sld [smem:$0x3FC8];
	(tm) =	ssettm $0x1  }
0x92: {  	s4 =	sld [smem:$0x3FFB];
	_ =	sdelay $0x3  }
0x93: {  	_ =	strace s4  }
0x94: {  	s4 =	sld [smem:$0x3FFC];
	_ =	sdelay $0x3  }
0x95: {  	_ =	strace s4  }
0x96: {  	s4 =	sld [smem:$0x3FFD];
	_ =	sdelay $0x3  }
0x97: {  	_ =	strace s4  }
0x98: {  	_ =	strace $0x8FFFFFFF  }
0x99: {  	s19 =	sld [smem:$0x3FDB];
	_ =	sdelay $0x1  }
0x9a: {  	s5 =	simm.s32 $_scs_section_size  }
0x9b: {  	s6 =	simm.s32 $_size__tile_overlayer_lowered;
	s7 =	simm.s32 $_tile_overlayer_lowered  }
0x9c: {  	s22 =	simm.s32 $0x1BFF;
	s21 =	sshll.u32 s7, $0x1;
	s4 =	sadd.s32 s5, s19  }
0x9d: {  	s8 =	simm.s32 $0x0;
	s20 =	sshll.u32 s6, $0x1;
	s6 =	sadd.s32 s21, s4  }
0x9e: {  	[timem:s8], [sflag:s22] =	dma.local [hbm:s6], s20  }
0x9f: {  	_ =	swait.ge [sflag:s22], s20  }
0xa0: {  	s5 =	ssub.s32 $0x0, s20;
	[sflag:s22] =	ssyncset.done $0x0  }
0xa1: {  	[sflag:s22] =	ssyncadd.s32 s5;
	_ =	sdelay $0x1  }
0xa2: {  	s23 =	simm.s32 $0x1B8B  }
0xa3: {  	_ =	swait.ge [sflag:s23], $0x1  }
0xa4: {  	[sflag:s23] =	ssyncset.done $0x0  }
0xa5: {  	s25 =	simm.s32 $0x1B8E;
	s24 =	sld [smem:$0x3FFE];
	[sflag:s23] =	ssyncadd.s32 $0xFFFFFFFF  }
0xa6: {  	s26 =	simm.s32 $execute0_lowered;
	[smem:$0x3FD2] =	sst s25  }
0xa7: {  	s6 =	sshll.u32 s26, $0x1;
	_ =	strace $0x80000046;
	[dreg:$0x1] =	wrdreg $0xFFFFFFFF  }
0xa8: {  	s28 =	simm.s32 $_size_execute0_lowered;
	s4 =	sadd.s32 s4, s6;
	[dreg:$0x0] =	wrdreg $0x0  }
0xa9: {  	s6 =	sshll.u32 s28, $0x1;
	[dreg:$0x2] =	wrdreg s4  }
0xaa: {  	[dreg:$0x3] =	wrdreg s6  }
0xab: {  	[dreg:$0x4] =	wrdreg $0xC0  }
0xac: {  	_ =	task [dreg:s8], $0x5FFFF  }
0xad: {  	[dreg:$0x1] =	wrdreg $0xFFFFFFFF  }
0xae: {  	[dreg:$0x0] =	wrdreg $0x60  }
0xaf: {  	[dreg:$0x2] =	wrdreg s2  }
0xb0: {  	[dreg:$0x3] =	wrdreg s18  }
0xb1: {  	[dreg:$0x4] =	wrdreg s24  }
0xb2: {  	[dreg:$0x5] =	wrdreg $0x9  }
0xb3: {  	_ =	task.clear_ibuf [dreg:s8], $0x6FFFF;
	_ =	strace $0x90000046  }
0xb4: {  	s29 =	simm.s32 $0x9;
	_ =	strace $0x80000048  }
0xb5: {  	_ =	swait.ge [sflag:s29], $0x1  }
0xb6: {  	[sflag:s29] =	ssyncadd.s32 $0xFFFFFFFF  }
0xb7: {  	_ =	strace $0x90000048  }
0xb8: {  	_ =	sfence  }
0xb9: {  	s30 =	sld [smem:$0x0];
	_ =	sdelay $0x2  }
0xba: {  	s31 =	sshll.u32 s1, $0xD;
	s1 =	sshrl.u32 s1, $0x2  }
0xbb: {  	s3 =	sand.u32 $0x4000, s31;
	s1 =	sadd.s32 s1, s30  }
0xbc: {  	s0 =	sor.u32 s3, s0;
	s1 =	sshll.u32 s1, $0x11  }
0xbd: {  	s0 =	sor.u32 s1, s0  }
0xbe: {  	s0 =	sadd.s32 $0x8F2B, s0  }
0xbf: {  	[sflag:s0] =	ssyncadd.remote.s32 $0x1  }
0xc0: {  	_ =	sfence.sel $0xFFFF  }
0xc1: {  	[dreg:$0x0] =	wrdreg $0xFFFFFFFF;
	(pc) =	sbr.abs _section_cstart, $3  }
0xc2: {  	[dreg:$0x1] =	wrdreg $0xFFFFFFFF  }
0xc3: {  	_ =	task.clear_ibuf [dreg:s8], $0x2FFFF;
	_ =	strace $0x9FFFFFFF  }
0xc4: {  	(tm) =	ssettm $0x7FFFFFFF  }
0xc5: {  	_ =	shalt  }
tec
execute0_lowered:
.L_overlay_start_1:
0x0: {  	(tag) =	ssettag $0x1  }
0x1: {  	v0 =	vimm.f32 $1.920000000e+03;
	vm0 =	vcmask $0x300  }
0x2: {  	vm14 =	vcmask $0x704;
	v0 =	vsel vm0, $0x0, v0  }
0x3: {  	vm13 =	vcmask $0xB08;
	v0 =	vsel vm14, $0x43000000, v0  }
0x4: {  	vm12 =	vcmask $0xF0C;
	v0 =	vsel vm13, $0x43800000, v0  }
0x5: {  	vm1 =	vcmask $0x1310;
	v0 =	vsel vm12, $0x43C00000, v0  }
0x6: {  	vm11 =	vcmask $0x1714;
	v0 =	vsel vm1, $0x44000000, v0  }
0x7: {  	vm10 =	vcmask $0x1B18;
	v0 =	vsel vm11, $0x44200000, v0  }
0x8: {  	vm9 =	vcmask $0x1F1C;
	v0 =	vsel vm10, $0x44400000, v0  }
0x9: {  	vm2 =	vcmask $0x2320;
	v0 =	vsel vm9, $0x44600000, v0  }
0xa: {  	vm3 =	vcmask $0x2724;
	v0 =	vsel vm2, $0x44800000, v0  }
0xb: {  	vm4 =	vcmask $0x2B28;
	v0 =	vsel vm3, $0x44900000, v0  }
0xc: {  	vm5 =	vcmask $0x2F2C;
	vm8 =	vcmask $0x3330;
	v0 =	vsel vm4, $0x44A00000, v0  }
0xd: {  	vm7 =	vcmask $0x3734;
	v3 =	vimm.s32 $0x65432100;
	v1 =	vsel vm5, $0x44B00000, v0  }
0xe: {  	v7 =	vimm.s32 $0xE4000000;
	v2 =	vsel vm8, $0x44C00000, v1;
	v1 =	vimm.s32 $0xEDCBA987  }
0xf: {  	vm6 =	vcmask $0x3B38;
	v7 =	vunpack.c.l.s2.s4 v7;
	v4 =	vunpack.c.l.s4.s8 v1  }
0x10: {  	v5 =	vimm.f32 $3.968000000e+03;
	v15 =	vlaneseq.u32;
	v3 =	vunpack.c.l.s4.s8 v3  }
0x11: {  	v5 =	vsel vm0, $0x45000000, v5;
	v7 =	vunpack.c.l.s4.s8 v7;
	v4 =	vunpack.c.0.s8.s32 v4  }
0x12: {  	v5 =	vsel vm14, $0x45080000, v5;
	v6 =	vunpack.c.0.s8.s32 v3;
	v3 =	vimm.s32 $0x1  }
0x13: {  	v9 =	vunpack.c.0.s8.s32 v7;
	v0 =	vimm.s32 $0x0;
	v4 =	vand.u32 $0xF, v4  }
0x14: {  	v2 =	vsel vm7, $0x44D00000, v2;
	v4 =	vcombine.low v6, v4;
	v6 =	vimm.f32 $8.064000000e+03  }
0x15: {  	v1 =	vimm.f32 $0.0e+00;
	v2 =	vsel vm6, $0x44E00000, v2;
	v6 =	vsel vm0, $0x45C00000, v6  }
0x16: {  	[tilespmem:$0x1FFA0] =	vst v4;
	v4 =	vsel vm13, $0x45100000, v5;
	v5 =	vimm.f32 $6.016000000e+03;
	v6 =	vsel vm14, $0x45C40000, v6  }
0x17: {  	v4 =	vsel vm12, $0x45180000, v4;
	v5 =	vsel vm0, $0x45800000, v5;
	v6 =	vsel vm13, $0x45C80000, v6  }
0x18: {  	vm0 =	vcmask $0xB30;
	v4 =	vsel vm1, $0x45200000, v4;
	v5 =	vsel vm14, $0x45840000, v5  }
0x19: {  	v6 =	vsel vm12, $0x45CC0000, v6;
	v4 =	vsel vm11, $0x45280000, v4;
	v5 =	vsel vm13, $0x45880000, v5  }
0x1a: {  	s5 =	rddreg [dreg:$0x0];
	v6 =	vsel vm1, $0x45D00000, v6;
	vm13 =	vcmask $0x1B30;
	v4 =	vsel vm10, $0x45300000, v4  }
0x1b: {  	s0 =	rddreg [dreg:$0x1];
	v5 =	vsel vm12, $0x458C0000, v5;
	v6 =	vsel vm11, $0x45D40000, v6;
	v4 =	vsel vm9, $0x45380000, v4  }
0x1c: {  	s6 =	rddreg [dreg:$0x2];
	v5 =	vsel vm1, $0x45900000, v5;
	v6 =	vsel vm10, $0x45D80000, v6;
	v4 =	vsel vm2, $0x45400000, v4  }
0x1d: {  	s1 =	rddreg [dreg:$0x3];
	v5 =	vsel vm11, $0x45940000, v5;
	v6 =	vsel vm9, $0x45DC0000, v6;
	v4 =	vsel vm3, $0x45480000, v4  }
0x1e: {  	s4 =	srdreg.scid;
	s3 =	simm.s32 $0x0;
	s2 =	stileid.u32;
	v5 =	vsel vm10, $0x45980000, v5;
	v6 =	vsel vm2, $0x45E00000, v6;
	vm10 =	vcmask $0x1B10  }
0x1f: {  	s11 =	simm.s32 $0x8000;
	s12 =	simm.s32 $0x4000;
	s13 =	simm.s32 $0x6000;
	v4 =	vsel vm4, $0x45500000, v4;
	v5 =	vsel vm9, $0x459C0000, v5;
	v6 =	vsel vm3, $0x45E40000, v6  }
0x20: {  	s14 =	simm.s32 $0x2;
	s15 =	simm.s32 $0x8100;
	s16 =	simm.s32 $0x3;
	v4 =	vsel vm5, $0x45580000, v4;
	v5 =	vsel vm2, $0x45A00000, v5;
	v6 =	vsel vm4, $0x45E80000, v6  }
0x21: {  	s17 =	simm.s32 $0x8180;
	s18 =	simm.s32 $0x0;
	s7 =	sand.u32 $0x1, s4;
	v5 =	vsel vm3, $0x45A40000, v5;
	v4 =	vsel vm8, $0x45600000, v4;
	v6 =	vsel vm5, $0x45EC0000, v6  }
0x22: {  	[smem:$0x7FF] =	sst s3;
	s30 =	sshll.u32 s2, $0x5;
	s10 =	sshll.u32 s2, $0xC;
	v5 =	vsel vm4, $0x45A80000, v5;
	v4 =	vsel vm7, $0x45680000, v4;
	v6 =	vsel vm8, $0x45F00000, v6  }
0x23: {  	s8 =	sshll.u32 s7, $0x4;
	s31 =	ssub.s32 $0x2, s7;
	_ =	strace $0x80000047;
	[tilespmem:$0x1FFC0] =	vst v2;
	v5 =	vsel vm5, $0x45AC0000, v5;
	v7 =	vsel vm6, $0x45700000, v4;
	v4 =	vand.u32 $0x3, v9  }
0x24: {  	s7 =	sshll.u32 s7, $0x6;
	s4 =	sor.u32 s8, s30;
	s9 =	sshrl.u32 s31, $0x1;
	vm9 =	vcmask $0x2720;
	v8 =	vsel vm7, $0x45F40000, v6;
	v5 =	vsel vm8, $0x45B00000, v5;
	[tilespmem:$0x1FFB0] =	vst v4  }
0x25: {  	s5 =	sadd.s32 s5, s7;
	s8 =	sadd.s32 s4, s6;
	s9 =	ssub.s32 s31, s9;
	vm3 =	vcmask $0x2B20;
	v8 =	vsel vm6, $0x45F80000, v8;
	[tilespmem:$0x1FFD0] =	vst v7;
	v5 =	vsel vm7, $0x45B40000, v5  }
0x26: {  	s5 =	sadd.s32 s10, s5;
	s10 =	simm.s32 $0x400;
	s6 =	sadd.s32 $0xE00, s8;
	vm12 =	vmor vm0, vm10;
	vm13 =	vmor vm13, vm3;
	[tilespmem:$0x1FFF0] =	vst v8;
	v31 =	vsel vm6, $0x45B80000, v5  }
0x27: {  	s7 =	sadd.s32 $0x1000, s8;
	s8 =	smax.u32 s9, $0x1;
	s9 =	simm.s32 $0x200;
	vm8 =	vcmask $0x1710;
	vm7 =	vcmask $0x730;
	vm6 =	vcmask $0x330;
	[tilespmem:$0x1FFE0] =	vst v31  }
.LBB2_1:
0x28: {  	[tilespmem:s3], [sflag:$0x1] =	stream.strided.gather [hbm4b:s5+s9], $0x4000, s10, s9, $0x38;
	[tilespmem:$0x8200] =	vst v63  }
0x29: {  	s19 =	simm.s32 $0x0;
	s20 =	simm.s32 $0x40  }
0x2a: {  	[tilespmem:s11], [sflag:$0x2] =	stream.linear.gather [hbm4b:s0+s3], $0x80, $0x38;
	[tilespmem:$0x8200] =	vst v63  }
.LBB2_2:
0x2b: {  	p0 =	sne.s32 s20, $0x1FC0;
	[tilespmem:s19+$0x7800] =	vst v1  }
0x2c: {  	[tilespmem:s19+$0x4000] =	vst v0  }
0x2d: {  	[tilespmem:s19+$0x6000] =	vst v1  }
.Ltmp0:
0x2e: {  	[tilespmem:s19+$0x4800] =	vst v0;
	(pc) =	sbr.rel @p0 .LBB2_2-.Ltmp0, $4  }
0x2f: {  	[tilespmem:s19+$0x6800] =	vst v1  }
0x30: {  	[tilespmem:s19+$0x5000] =	vst v0  }
0x31: {  	[tilespmem:s19+$0x7000] =	vst v1  }
0x32: {  	[tilespmem:s19+$0x5800] =	vst v0;
	s19 =	sshra.s32 s20, $0x2;
	s20 =	sadd.s32 $0x40, s20  }
0x33: {  	[tilespmem:s19+$0x7800] =	vst v1  }
0x34: {  	[tilespmem:s19+$0x4000] =	vst v0  }
0x35: {  	[tilespmem:s19+$0x6000] =	vst v1  }
0x36: {  	[tilespmem:s19+$0x4800] =	vst v0  }
0x37: {  	[tilespmem:s19+$0x6800] =	vst v1  }
0x38: {  	[tilespmem:s19+$0x5000] =	vst v0  }
0x39: {  	[tilespmem:s19+$0x7000] =	vst v1  }
0x3a: {  	[tilespmem:s19+$0x5800] =	vst v0;
	s19 =	simm.s32 $0x1  }
0x3b: {  	_ =	swait.ge [sflag:s19], $0x4000  }
0x3c: {  	[sflag:s19] =	ssyncset.done $0x0  }
0x3d: {  	[sflag:s19] =	ssyncadd.s32 $0xFFFFC000  }
0x3e: {  	v16 =	vld [tilespmem:$0x0];
	_ =	sdelay $0x4  }
0x3f: {  	v4 =	vmul.f32 $1.279899980e+02, v16;
	_ =	sdelay $0x1  }
0x40: {  	v4 =	vadd.f32 v2, v4;
	_ =	sdelay $0x1  }
0x41: {  	v4 =	vtrunc.f32 v4  }
0x42: {  	v4 =	vcvt.f32.s32 v4;
	_ =	sdelay $0x5  }
0x43: {  	[tilespmem:v4+s12+$0x0] =	vst.idx.add.s32.msk $0xffff, v3  }
0x44: {  	[tilespmem:v4+s13+$0x0] =	vst.idx.add.f32.msk $0xffff, v16  }
0x45: {  	v14 =	vld [tilespmem:$0x80];
	_ =	sdelay $0x4  }
0x46: {  	v4 =	vmul.f32 $1.279899980e+02, v14;
	_ =	sdelay $0x1  }
0x47: {  	v4 =	vadd.f32 v7, v4;
	_ =	sdelay $0x1  }
0x48: {  	v4 =	vtrunc.f32 v4  }
0x49: {  	v4 =	vcvt.f32.s32 v4;
	_ =	sdelay $0x5  }
0x4a: {  	[tilespmem:v4+s12+$0x0] =	vst.idx.add.s32.msk $0xffff, v3  }
0x4b: {  	[tilespmem:v4+s13+$0x0] =	vst.idx.add.f32.msk $0xffff, v14  }
0x4c: {  	v12 =	vld [tilespmem:$0x100];
	_ =	sdelay $0x4  }
0x4d: {  	v4 =	vmul.f32 $1.279899980e+02, v12;
	_ =	sdelay $0x1  }
0x4e: {  	v4 =	vadd.f32 v31, v4;
	_ =	sdelay $0x1  }
0x4f: {  	v4 =	vtrunc.f32 v4  }
0x50: {  	v4 =	vcvt.f32.s32 v4;
	_ =	sdelay $0x5  }
0x51: {  	[tilespmem:v4+s12+$0x0] =	vst.idx.add.s32.msk $0xffff, v3  }
0x52: {  	[tilespmem:v4+s13+$0x0] =	vst.idx.add.f32.msk $0xffff, v12  }
0x53: {  	v10 =	vld [tilespmem:$0x180];
	_ =	sdelay $0x4  }
0x54: {  	v6 =	vld [tilespmem:$0x1FFA0];
	v4 =	vmul.f32 $1.279899980e+02, v10;
	_ =	sdelay $0x1  }
0x55: {  	v4 =	vadd.f32 v8, v4;
	_ =	sdelay $0x1  }
0x56: {  	v4 =	vtrunc.f32 v4  }
0x57: {  	v5 =	vperm.xlane v16, v6;
	v4 =	vcvt.f32.s32 v4  }
0x58: {  	v9 =	vperm.xlane v14, v6  }
0x59: {  	v5 =	vsub.f32 v16, v5;
	v11 =	vperm.xlane v12, v6;
	v13 =	vperm.xlane v10, v6  }
0x5a: {  	vm10 =	veq.s32 v15, $0x0;
	v9 =	vsub.f32 v14, v9  }
0x5b: {  	v5 =	vsel vm10, $0x0, v5;
	v11 =	vsub.f32 v12, v11;
	v13 =	vsub.f32 v10, v13  }
0x5c: {  	v17 =	vmul.f32 v5, v5;
	v9 =	vsel vm10, $0x0, v9  }
0x5d: {  	v15 =	vmul.f32 v9, v9;
	v11 =	vsel vm10, $0x0, v11;
	v18 =	vsel vm10, $0x0, v13;
	[tilespmem:v4+s12+$0x0] =	vst.idx.add.s32.msk $0xffff, v3  }
0x5e: {  	s22 =	simm.s32 $0x0;
	s20 =	simm.s32 $0x0;
	s21 =	simm.s32 $0x0;
	v13 =	vmul.f32 v11, v11;
	v11 =	vmul.f32 v18, v18;
	[tilespmem:v4+s13+$0x0] =	vst.idx.add.f32.msk $0xffff, v10  }
.LBB2_4:
0x5f: {  	s23 =	sand.u32 $0x60, s20;
	s24 =	sand.u32 $0x3E00, s22  }
0x60: {  	s24 =	sor.u32 s24, s23  }
0x61: {  	v4 =	vld [tilespmem:s24+$0x10];
	_ =	sdelay $0x4  }
0x62: {  	v5 =	vmul.f32 $1.279899980e+02, v4;
	_ =	sdelay $0x1  }
0x63: {  	v5 =	vadd.f32 v2, v5;
	_ =	sdelay $0x1  }
0x64: {  	v5 =	vtrunc.f32 v5  }
0x65: {  	v5 =	vcvt.f32.s32 v5;
	_ =	sdelay $0x4  }
0x66: {  	v9 =	vld [tilespmem:s24+$0xF]  }
0x67: {  	[tilespmem:v5+s12+$0x0] =	vst.idx.add.s32.msk $0xffff, v3  }
0x68: {  	[tilespmem:v5+s13+$0x0] =	vst.idx.add.f32.msk $0xffff, v4  }
0x69: {  	v5 =	vld [tilespmem:s24+$0x90];
	_ =	sdelay $0x4  }
0x6a: {  	v18 =	vmul.f32 $1.279899980e+02, v5;
	_ =	sdelay $0x1  }
0x6b: {  	v18 =	vadd.f32 v7, v18;
	_ =	sdelay $0x1  }
0x6c: {  	v18 =	vtrunc.f32 v18  }
0x6d: {  	v18 =	vcvt.f32.s32 v18;
	_ =	sdelay $0x4  }
0x6e: {  	v19 =	vld [tilespmem:s24+$0x8F]  }
0x6f: {  	[tilespmem:v18+s12+$0x0] =	vst.idx.add.s32.msk $0xffff, v3  }
0x70: {  	[tilespmem:v18+s13+$0x0] =	vst.idx.add.f32.msk $0xffff, v5  }
0x71: {  	v18 =	vld [tilespmem:s24+$0x110];
	_ =	sdelay $0x4  }
0x72: {  	v20 =	vmul.f32 $1.279899980e+02, v18;
	_ =	sdelay $0x1  }
0x73: {  	v20 =	vadd.f32 v31, v20;
	_ =	sdelay $0x1  }
0x74: {  	v20 =	vtrunc.f32 v20  }
0x75: {  	v20 =	vcvt.f32.s32 v20;
	_ =	sdelay $0x2  }
0x76: {  	s26 =	sand.u32 $0x3, s21  }
0x77: {  	s23 =	sshll.u32 s26, $0x5  }
0x78: {  	s25 =	sadd.s32 s23, s22;
	v21 =	vld [tilespmem:s24+$0x10F]  }
0x79: {  	s23 =	sadd.s32 $0x10, s25;
	[tilespmem:v20+s12+$0x0] =	vst.idx.add.s32.msk $0xffff, v3  }
0x7a: {  	s23 =	sor.u32 $0x180, s23;
	[tilespmem:v20+s13+$0x0] =	vst.idx.add.f32.msk $0xffff, v18  }
0x7b: {  	v20 =	vld [tilespmem:s23+$0x0];
	_ =	sdelay $0x4  }
0x7c: {  	v22 =	vmul.f32 $1.279899980e+02, v20;
	_ =	sdelay $0x1  }
0x7d: {  	v22 =	vadd.f32 v8, v22;
	_ =	sdelay $0x1  }
0x7e: {  	v22 =	vtrunc.f32 v22  }
0x7f: {  	v22 =	vcvt.f32.s32 v22;
	_ =	sdelay $0x2  }
0x80: {  	s28 =	sadd.s32 $0xF, s25  }
0x81: {  	s23 =	sor.u32 $0x180, s28  }
0x82: {  	s20 =	sadd.s32 $0x20, s20;
	v23 =	vld [tilespmem:s23+$0x0];
	s23 =	sadd.s32 $0x80, s22  }
0x83: {  	s26 =	sand.u32 $0x60, s20;
	s28 =	sand.u32 $0x7E00, s23;
	[tilespmem:v22+s12+$0x0] =	vst.idx.add.s32.msk $0xffff, v3  }
0x84: {  	s26 =	sor.u32 s26, s28;
	[tilespmem:v22+s13+$0x0] =	vst.idx.add.f32.msk $0xffff, v20  }
0x85: {  	v22 =	vld [tilespmem:s26+$0x0];
	_ =	sdelay $0x4  }
0x86: {  	v24 =	vmul.f32 $1.279899980e+02, v22;
	_ =	sdelay $0x1  }
0x87: {  	v24 =	vadd.f32 v2, v24;
	_ =	sdelay $0x1  }
0x88: {  	v24 =	vtrunc.f32 v24  }
0x89: {  	v24 =	vcvt.f32.s32 v24;
	_ =	sdelay $0x4  }
0x8a: {  	v25 =	vld [tilespmem:s24+$0x1F]  }
0x8b: {  	[tilespmem:v24+s12+$0x0] =	vst.idx.add.s32.msk $0xffff, v3  }
0x8c: {  	[tilespmem:v24+s13+$0x0] =	vst.idx.add.f32.msk $0xffff, v22  }
0x8d: {  	v24 =	vld [tilespmem:s26+$0x80];
	_ =	sdelay $0x4  }
0x8e: {  	v26 =	vmul.f32 $1.279899980e+02, v24;
	_ =	sdelay $0x1  }
0x8f: {  	v26 =	vadd.f32 v7, v26;
	_ =	sdelay $0x1  }
0x90: {  	v26 =	vtrunc.f32 v26  }
0x91: {  	v26 =	vcvt.f32.s32 v26;
	_ =	sdelay $0x4  }
0x92: {  	v27 =	vld [tilespmem:s24+$0x9F]  }
0x93: {  	[tilespmem:v26+s12+$0x0] =	vst.idx.add.s32.msk $0xffff, v3  }
0x94: {  	[tilespmem:v26+s13+$0x0] =	vst.idx.add.f32.msk $0xffff, v24  }
0x95: {  	v26 =	vld [tilespmem:s26+$0x100];
	_ =	sdelay $0x4  }
0x96: {  	v28 =	vmul.f32 $1.279899980e+02, v26;
	_ =	sdelay $0x1  }
0x97: {  	v28 =	vadd.f32 v31, v28;
	_ =	sdelay $0x1  }
0x98: {  	v28 =	vtrunc.f32 v28  }
0x99: {  	v28 =	vcvt.f32.s32 v28;
	_ =	sdelay $0x3  }
0x9a: {  	s29 =	sand.u32 $0x3, s19  }
0x9b: {  	s26 =	sshll.u32 s29, $0x5;
	v29 =	vld [tilespmem:s24+$0x11F]  }
0x9c: {  	s30 =	sadd.s32 s26, s23;
	[tilespmem:v28+s12+$0x0] =	vst.idx.add.s32.msk $0xffff, v3  }
0x9d: {  	s24 =	sor.u32 $0x180, s30;
	[tilespmem:v28+s13+$0x0] =	vst.idx.add.f32.msk $0xffff, v26  }
0x9e: {  	v28 =	vld [tilespmem:s24+$0x0];
	_ =	sdelay $0x1  }
0x9f: {  	v9 =	vsub.f32 v4, v9;
	_ =	sdelay $0x1  }
0xa0: {  	v9 =	vmul.f32 v9, v9;
	v19 =	vsub.f32 v5, v19  }
0xa1: {  	v30 =	vmul.f32 $1.279899980e+02, v28  }
0xa2: {  	s31 =	sadd.s32 $0x1F, s25;
	v9 =	vadd.f32 v9, v17;
	v4 =	vadd.f32 v4, v16;
	v16 =	vmul.f32 v19, v19  }
0xa3: {  	v17 =	vsub.f32 v18, v21;
	s24 =	sor.u32 $0x180, s31;
	v19 =	vadd.f32 v8, v30  }
0xa4: {  	v15 =	vadd.f32 v16, v15;
	v5 =	vadd.f32 v5, v14;
	v14 =	vld [tilespmem:s24+$0x0]  }
0xa5: {  	v16 =	vmul.f32 v17, v17;
	v17 =	vsub.f32 v20, v23;
	v19 =	vtrunc.f32 v19  }
0xa6: {  	v12 =	vadd.f32 v18, v12;
	v18 =	vsub.f32 v22, v25;
	v19 =	vcvt.f32.s32 v19  }
0xa7: {  	v13 =	vadd.f32 v16, v13;
	v16 =	vmul.f32 v17, v17;
	v17 =	vsub.f32 v24, v27  }
0xa8: {  	p0 =	sne.s32 s22, $0x3F00;
	v10 =	vadd.f32 v20, v10;
	v18 =	vmul.f32 v18, v18;
	v61 =	vsub.f32 v26, v29  }
.Ltmp1:
0xa9: {  	v11 =	vadd.f32 v16, v11;
	v62 =	vmul.f32 v17, v17;
	v63 =	vsub.f32 v28, v14;
	(pc) =	sbr.rel @p0 .LBB2_4-.Ltmp1, $4  }
0xaa: {  	v16 =	vadd.f32 v22, v4;
	v17 =	vadd.f32 v18, v9;
	v4 =	vmul.f32 v61, v61  }
0xab: {  	v15 =	vadd.f32 v62, v15;
	v14 =	vadd.f32 v24, v5;
	v5 =	vmul.f32 v63, v63  }
0xac: {  	v12 =	vadd.f32 v26, v12;
	v13 =	vadd.f32 v4, v13;
	[tilespmem:v19+s12+$0x0] =	vst.idx.add.s32.msk $0xffff, v3  }
0xad: {  	s21 =	sadd.s32 $0x1, s21;
	s19 =	sadd.s32 $0x1, s19;
	s22 =	smov.u32 s23;
	v10 =	vadd.f32 v28, v10;
	v11 =	vadd.f32 v5, v11;
	[tilespmem:v19+s13+$0x0] =	vst.idx.add.f32.msk $0xffff, v28  }
0xae: {  	v5 =	vld [tilespmem:$0x3E70];
	_ =	sdelay $0x4  }
0xaf: {  	v4 =	vmul.f32 $1.279899980e+02, v5;
	_ =	sdelay $0x1  }
0xb0: {  	v4 =	vadd.f32 v2, v4;
	_ =	sdelay $0x1  }
0xb1: {  	v4 =	vtrunc.f32 v4  }
0xb2: {  	v4 =	vcvt.f32.s32 v4;
	_ =	sdelay $0x2  }
0xb3: {  	v2 =	vld [tilespmem:$0x3E6F];
	_ =	sdelay $0x2  }
0xb4: {  	[tilespmem:v4+s12+$0x0] =	vst.idx.add.s32.msk $0xffff, v3  }
0xb5: {  	[tilespmem:v4+s13+$0x0] =	vst.idx.add.f32.msk $0xffff, v5  }
0xb6: {  	[tilespmem:$0x1FDC0] =	vst v2;
	v2 =	vld [tilespmem:$0x3EF0];
	_ =	sdelay $0x4  }
0xb7: {  	v4 =	vmul.f32 $1.279899980e+02, v2;
	_ =	sdelay $0x1  }
0xb8: {  	v4 =	vadd.f32 v7, v4;
	_ =	sdelay $0x1  }
0xb9: {  	v4 =	vtrunc.f32 v4  }
0xba: {  	v4 =	vcvt.f32.s32 v4;
	_ =	sdelay $0x4  }
0xbb: {  	[tilespmem:$0x1FDD0] =	vst v5;
	v5 =	vld [tilespmem:$0x3EEF]  }
0xbc: {  	[tilespmem:v4+s12+$0x0] =	vst.idx.add.s32.msk $0xffff, v3  }
0xbd: {  	[tilespmem:v4+s13+$0x0] =	vst.idx.add.f32.msk $0xffff, v2  }
0xbe: {  	[tilespmem:$0x1FDF0] =	vst v2;
	v2 =	vld [tilespmem:$0x3F70];
	_ =	sdelay $0x4  }
0xbf: {  	v4 =	vmul.f32 $1.279899980e+02, v2;
	_ =	sdelay $0x1  }
0xc0: {  	v4 =	vadd.f32 v31, v4;
	_ =	sdelay $0x1  }
0xc1: {  	v4 =	vtrunc.f32 v4  }
0xc2: {  	v4 =	vcvt.f32.s32 v4;
	_ =	sdelay $0x4  }
0xc3: {  	[tilespmem:$0x1FDE0] =	vst v5;
	v5 =	vld [tilespmem:$0x3F6F]  }
0xc4: {  	[tilespmem:v4+s12+$0x0] =	vst.idx.add.s32.msk $0xffff, v3  }
0xc5: {  	[tilespmem:v4+s13+$0x0] =	vst.idx.add.f32.msk $0xffff, v2  }
0xc6: {  	[tilespmem:$0x1FE10] =	vst v2;
	v2 =	vld [tilespmem:$0x3FF0];
	_ =	sdelay $0x4  }
0xc7: {  	v4 =	vmul.f32 $1.279899980e+02, v2;
	_ =	sdelay $0x1  }
0xc8: {  	v4 =	vadd.f32 v8, v4;
	_ =	sdelay $0x1  }
0xc9: {  	v4 =	vtrunc.f32 v4  }
0xca: {  	v4 =	vcvt.f32.s32 v4;
	_ =	sdelay $0x4  }
0xcb: {  	[tilespmem:$0x1FE00] =	vst v5;
	v5 =	vld [tilespmem:$0x3FEF]  }
0xcc: {  	[tilespmem:v4+s12+$0x0] =	vst.idx.add.s32.msk $0xffff, v3  }
0xcd: {  	s24 =	simm.s32 $0x0;
	[tilespmem:v4+s13+$0x0] =	vst.idx.add.f32.msk $0xffff, v2  }
0xce: {  	[tilespmem:$0x1FE30] =	vst v2;
	v2 =	vld [tilespmem:s24+$0x5AF0];
	_ =	sdelay $0x4  }
0xcf: {  	[tilespmem:$0x1FE40] =	vst v2;
	v2 =	vld [tilespmem:s24+$0x5B70];
	_ =	sdelay $0x4  }
0xd0: {  	[tilespmem:$0x1FE50] =	vst v2;
	v2 =	vld [tilespmem:s24+$0x5BF0];
	_ =	sdelay $0x4  }
0xd1: {  	[tilespmem:$0x1FE60] =	vst v2;
	v2 =	vld [tilespmem:s24+$0x5C70];
	_ =	sdelay $0x4  }
0xd2: {  	[tilespmem:$0x1FE70] =	vst v2;
	v2 =	vld [tilespmem:s24+$0x5CF0];
	_ =	sdelay $0x4  }
0xd3: {  	[tilespmem:$0x1FE80] =	vst v2;
	v2 =	vld [tilespmem:s24+$0x5D70];
	_ =	sdelay $0x4  }
0xd4: {  	[tilespmem:$0x1FE90] =	vst v2;
	v2 =	vld [tilespmem:s24+$0x5DF0];
	_ =	sdelay $0x4  }
0xd5: {  	[tilespmem:$0x1FEA0] =	vst v2;
	v2 =	vld [tilespmem:s24+$0x5E70];
	_ =	sdelay $0x4  }
0xd6: {  	[tilespmem:$0x1FEB0] =	vst v2;
	v2 =	vld [tilespmem:s24+$0x5EF0];
	_ =	sdelay $0x2  }
0xd7: {  	v43 =	vld [tilespmem:s24+$0x5870]  }
0xd8: {  	v42 =	vld [tilespmem:s24+$0x58F0]  }
0xd9: {  	[tilespmem:$0x1FEC0] =	vst v2;
	v2 =	vld [tilespmem:s24+$0x5F70]  }
0xda: {  	v44 =	vld [tilespmem:s24+$0x5970]  }
0xdb: {  	v45 =	vld [tilespmem:s24+$0x59F0]  }
0xdc: {  	v46 =	vld [tilespmem:s24+$0x5A70]  }
0xdd: {  	v32 =	vld [tilespmem:s24+$0x6070]  }
0xde: {  	[tilespmem:$0x1FED0] =	vst v2;
	v2 =	vld [tilespmem:s24+$0x5FF0]  }
0xdf: {  	v47 =	vld [tilespmem:s24+$0x60F0]  }
0xe0: {  	v48 =	vld [tilespmem:s24+$0x6170]  }
0xe1: {  	v49 =	vld [tilespmem:s24+$0x61F0]  }
0xe2: {  	v50 =	vld [tilespmem:s24+$0x6270]  }
0xe3: {  	[tilespmem:$0x1FEE0] =	vst v2;
	v2 =	vld [tilespmem:s24+$0x4070]  }
0xe4: {  	v51 =	vld [tilespmem:s24+$0x62F0]  }
0xe5: {  	v52 =	vld [tilespmem:s24+$0x6370]  }
0xe6: {  	v53 =	vld [tilespmem:s24+$0x63F0]  }
0xe7: {  	v54 =	vld [tilespmem:s24+$0x6470]  }
0xe8: {  	[tilespmem:$0x1FEF0] =	vst v2;
	v2 =	vld [tilespmem:s24+$0x40F0]  }
0xe9: {  	v55 =	vld [tilespmem:s24+$0x64F0]  }
0xea: {  	v56 =	vld [tilespmem:s24+$0x65F0]  }
0xeb: {  	v58 =	vld [tilespmem:s24+$0x6670]  }
0xec: {  	v59 =	vld [tilespmem:s24+$0x66F0]  }
0xed: {  	[tilespmem:$0x1FF00] =	vst v2;
	v2 =	vld [tilespmem:s24+$0x4870]  }
0xee: {  	v57 =	vld [tilespmem:s24+$0x6770]  }
0xef: {  	v60 =	vld [tilespmem:s24+$0x67F0]  }
0xf0: {  	v62 =	vld [tilespmem:s24+$0x6870]  }
0xf1: {  	v63 =	vld [tilespmem:s24+$0x68F0]  }
0xf2: {  	[tilespmem:$0x1FF10] =	vst v2;
	v2 =	vld [tilespmem:s24+$0x48F0]  }
0xf3: {  	[tilespmem:$0x1FE20] =	vst v5;
	v5 =	vld [tilespmem:s24+$0x6970]  }
0xf4: {  	v4 =	vld [tilespmem:s24+$0x69F0]  }
0xf5: {  	v18 =	vld [tilespmem:s24+$0x6A70]  }
0xf6: {  	v9 =	vld [tilespmem:s24+$0x6AF0]  }
0xf7: {  	[tilespmem:$0x1FF20] =	vst v2;
	v2 =	vld [tilespmem:s24+$0x5070]  }
0xf8: {  	v23 =	vld [tilespmem:s24+$0x6B70]  }
0xf9: {  	v19 =	vld [tilespmem:s24+$0x6BF0]  }
0xfa: {  	v28 =	vld [tilespmem:s24+$0x6C70]  }
0xfb: {  	v26 =	vld [tilespmem:s24+$0x6CF0]  }
0xfc: {  	[tilespmem:$0x1FF30] =	vst v2;
	v2 =	vld [tilespmem:s24+$0x50F0]  }
0xfd: {  	v22 =	vld [tilespmem:s24+$0x6D70]  }
0xfe: {  	v20 =	vld [tilespmem:s24+$0x6DF0]  }
0xff: {  	v27 =	vld [tilespmem:s24+$0x6E70]  }
0x100: {  	v24 =	vld [tilespmem:s24+$0x6EF0]  }
0x101: {  	[tilespmem:$0x1FF40] =	vst v2;
	v2 =	vld [tilespmem:s24+$0x4170]  }
0x102: {  	v25 =	vld [tilespmem:s24+$0x6F70]  }
0x103: {  	v21 =	vld [tilespmem:s24+$0x6FF0]  }
0x104: {  	v30 =	vld [tilespmem:s24+$0x7070]  }
0x105: {  	v29 =	vld [tilespmem:s24+$0x70F0]  }
0x106: {  	[tilespmem:$0x1FF50] =	vst v2;
	v2 =	vld [tilespmem:s24+$0x4970]  }
0x107: {  	v36 =	vld [tilespmem:s24+$0x7170]  }
0x108: {  	v31 =	vld [tilespmem:s24+$0x71F0]  }
0x109: {  	v41 =	vld [tilespmem:s24+$0x7270]  }
0x10a: {  	v39 =	vld [tilespmem:s24+$0x72F0]  }
0x10b: {  	[tilespmem:$0x1FF60] =	vst v2;
	v2 =	vld [tilespmem:s24+$0x5170]  }
0x10c: {  	v35 =	vld [tilespmem:s24+$0x7370]  }
0x10d: {  	v33 =	vld [tilespmem:s24+$0x73F0]  }
0x10e: {  	v40 =	vld [tilespmem:s24+$0x7470]  }
0x10f: {  	v26 =	vadd.f32 v26, v28;
	v28 =	vld [tilespmem:$0x1FE40]  }
0x110: {  	[tilespmem:$0x1FF70] =	vst v2;
	v2 =	vld [tilespmem:s24+$0x41F0]  }
0x111: {  	v42 =	vadd.s32 v43, v42;
	v24 =	vadd.f32 v24, v27;
	v27 =	vld [tilespmem:$0x1FE50]  }
0x112: {  	v37 =	vld [tilespmem:s24+$0x74F0];
	v42 =	vadd.s32 v44, v42  }
0x113: {  	v38 =	vld [tilespmem:s24+$0x7570];
	v42 =	vadd.s32 v45, v42  }
0x114: {  	v34 =	vld [tilespmem:s24+$0x75F0];
	v32 =	vadd.f32 v47, v32;
	v42 =	vadd.s32 v46, v42  }
0x115: {  	v47 =	vadd.f32 v49, v48;
	v49 =	vadd.f32 v51, v50;
	v28 =	vadd.s32 v28, v42;
	[tilespmem:$0x1FF80] =	vst v2;
	v2 =	vld [tilespmem:s24+$0x49F0]  }
0x116: {  	v50 =	vadd.f32 v53, v52;
	v62 =	vadd.f32 v63, v62;
	v27 =	vadd.s32 v27, v28;
	v28 =	vld [tilespmem:$0x1FE60]  }
0x117: {  	v48 =	vld [tilespmem:s24+$0x7670];
	v4 =	vadd.f32 v4, v5;
	v20 =	vadd.f32 v20, v22  }
0x118: {  	v51 =	vld [tilespmem:s24+$0x76F0];
	v9 =	vadd.f32 v9, v18;
	v19 =	vadd.f32 v19, v23  }
0x119: {  	v58 =	vadd.f32 v59, v58;
	v20 =	vadd.f32 v20, v26;
	v26 =	vld [tilespmem:$0x1FE70]  }
0x11a: {  	v4 =	vadd.f32 v4, v62;
	v9 =	vadd.f32 v19, v9;
	[tilespmem:$0x1FF90] =	vst v2;
	v2 =	vld [tilespmem:s24+$0x6570]  }
0x11b: {  	v59 =	vadd.f32 v60, v57;
	v21 =	vadd.f32 v21, v25;
	v27 =	vadd.s32 v28, v27;
	v28 =	vld [tilespmem:$0x1FE80]  }
0x11c: {  	v4 =	vadd.f32 v9, v4;
	v9 =	vadd.f32 v29, v30;
	v29 =	vld [tilespmem:$0x1FE90]  }
0x11d: {  	v52 =	vld [tilespmem:s24+$0x7770];
	v32 =	vadd.f32 v47, v32;
	v21 =	vadd.f32 v21, v24  }
0x11e: {  	v53 =	vld [tilespmem:s24+$0x77F0];
	v47 =	vadd.f32 v55, v54;
	v49 =	vadd.f32 v50, v49  }
0x11f: {  	v22 =	vld [tilespmem:s24+$0x7B70];
	v20 =	vadd.f32 v21, v20;
	v26 =	vadd.s32 v26, v27;
	v50 =	vadd.f32 v56, v2  }
0x120: {  	v21 =	vadd.f32 v31, v36;
	v30 =	vadd.f32 v33, v35;
	v26 =	vadd.s32 v28, v26;
	v46 =	vld [tilespmem:$0x1FEA0]  }
0x121: {  	v26 =	vadd.s32 v29, v26;
	v29 =	vadd.f32 v39, v41;
	v47 =	vadd.f32 v50, v47;
	v50 =	vld [tilespmem:$0x1FEB0]  }
0x122: {  	v60 =	vadd.f32 v59, v58;
	v58 =	vld [tilespmem:$0x1FEC0]  }
0x123: {  	v9 =	vadd.f32 v21, v9;
	v21 =	vadd.f32 v30, v29;
	v30 =	vld [tilespmem:$0x1FED0]  }
0x124: {  	v25 =	vld [tilespmem:s24+$0x7BF0];
	v34 =	vadd.f32 v34, v38;
	v32 =	vadd.f32 v49, v32  }
0x125: {  	v49 =	vld [tilespmem:s24+$0x78F0];
	v55 =	vadd.f32 v51, v48;
	v26 =	vadd.s32 v46, v26;
	v56 =	vadd.f32 v53, v52  }
0x126: {  	v2 =	vld [tilespmem:s24+$0x7870];
	v63 =	vadd.f32 v60, v47;
	v47 =	vadd.f32 v37, v40;
	v26 =	vadd.s32 v50, v26  }
0x127: {  	v19 =	vld [tilespmem:s24+$0x7C70];
	v26 =	vadd.s32 v58, v26  }
0x128: {  	v24 =	vld [tilespmem:s24+$0x7CF0];
	v59 =	vadd.f32 v56, v55;
	v26 =	vadd.s32 v30, v26;
	v30 =	vadd.f32 v34, v47  }
0x129: {  	v43 =	vadd.f32 v20, v4;
	v27 =	vld [tilespmem:s24+$0x7D70]  }
0x12a: {  	v28 =	vld [tilespmem:s24+$0x7DF0];
	v4 =	vadd.f32 v21, v9;
	v21 =	vadd.f32 v59, v30  }
0x12b: {  	v20 =	vadd.f32 v49, v2;
	v2 =	vld [tilespmem:$0x1FEF0]  }
0x12c: {  	v44 =	vadd.f32 v21, v4;
	v4 =	vadd.f32 v25, v22;
	v22 =	vld [tilespmem:$0x1FF00];
	_ =	sdelay $0x3  }
0x12d: {  	v19 =	vadd.f32 v24, v19;
	v24 =	vadd.f32 v28, v27;
	v27 =	vld [tilespmem:$0x1FF20]  }
0x12e: {  	v22 =	vadd.s32 v2, v22;
	v2 =	vld [tilespmem:$0x1FF10];
	_ =	sdelay $0x2  }
0x12f: {  	v61 =	vld [tilespmem:s24+$0x51F0]  }
0x130: {  	v30 =	vld [tilespmem:$0x1FF40]  }
0x131: {  	v27 =	vadd.s32 v2, v27;
	v2 =	vld [tilespmem:$0x1FF30]  }
0x132: {  	v8 =	vld [tilespmem:s24+$0x4270]  }
0x133: {  	v5 =	vld [tilespmem:s24+$0x79F0]  }
0x134: {  	v54 =	vld [tilespmem:s24+$0x7970]  }
0x135: {  	v7 =	vld [tilespmem:s24+$0x4A70]  }
0x136: {  	v30 =	vadd.s32 v2, v30;
	v2 =	vld [tilespmem:$0x1FF50]  }
0x137: {  	v6 =	vld [tilespmem:s24+$0x5270]  }
0x138: {  	v18 =	vld [tilespmem:s24+$0x7A70]  }
0x139: {  	v23 =	vld [tilespmem:s24+$0x7AF0];
	v5 =	vadd.f32 v5, v54  }
0x13a: {  	v57 =	vld [tilespmem:s24+$0x7F70]  }
0x13b: {  	v5 =	vadd.f32 v5, v20;
	v20 =	vadd.s32 v2, v22;
	v2 =	vld [tilespmem:$0x1FF60]  }
0x13c: {  	v31 =	vld [tilespmem:s24+$0x7E70]  }
0x13d: {  	v35 =	vld [tilespmem:s24+$0x7EF0]  }
0x13e: {  	v62 =	vld [tilespmem:$0x1FEE0]  }
0x13f: {  	v29 =	vld [tilespmem:s24+$0x7FF0]  }
0x140: {  	v27 =	vadd.s32 v2, v27;
	v2 =	vld [tilespmem:$0x1FF70]  }
0x141: {  	v18 =	vadd.f32 v23, v18;
	v23 =	vld [tilespmem:s24+$0x4370]  }
0x142: {  	v54 =	vld [tilespmem:s24+$0x4CF0]  }
0x143: {  	v9 =	vld [tilespmem:s24+$0x4AF0];
	v32 =	vadd.f32 v63, v32;
	v26 =	vadd.s32 v62, v26  }
0x144: {  	v28 =	vadd.f32 v35, v31;
	v29 =	vadd.f32 v29, v57;
	v57 =	vld [tilespmem:s24+$0x4570];
	(xrf0) =	vadd.scan.msk.s32 $0xffff, v26  }
0x145: {  	(xrf2) =	vadd.scan.msk.f32 $0xffff, v32;
	v30 =	vadd.s32 v2, v30;
	v2 =	vld [tilespmem:$0x1FF80]  }
0x146: {  	v19 =	vadd.f32 v24, v19;
	v24 =	vadd.f32 v29, v28;
	v28 =	vld [tilespmem:s24+$0x53F0];
	(xrf2) =	vadd.scan.msk.f32 $0xffff, v43  }
0x147: {  	v52 =	vld [tilespmem:s24+$0x4470]  }
0x148: {  	v53 =	vld [tilespmem:s24+$0x5470];
	(xrf2) =	vadd.scan.msk.f32 $0xffff, v44  }
0x149: {  	v38 =	vimm.s32 $0x0;
	v55 =	vld [tilespmem:s24+$0x54F0];
	v4 =	vadd.f32 v4, v18  }
0x14a: {  	v33 =	vimm.s32 $0x0;
	v36 =	vimm.f32 $0.0e+00;
	v22, _, _ =	vpop (xrf0);
	v20 =	vadd.s32 v2, v20;
	v2 =	vld [tilespmem:$0x1FF90]  }
0x14b: {  	v60 =	vld [tilespmem:s24+$0x42F0];
	v4 =	vadd.f32 v4, v5;
	v5 =	vadd.f32 v24, v19;
	v29 =	vbroadcast v22, $0xF  }
0x14c: {  	v42 =	vimm.s32 $0x0;
	v39 =	vimm.f32 $0.0e+00;
	v41 =	vimm.f32 $0.0e+00;
	v63 =	vld [tilespmem:s24+$0x52F0]  }
0x14d: {  	s20 =	simm.s32 $0x0;
	v47 =	vld [tilespmem:s24+$0x43F0];
	v4 =	vadd.f32 v5, v4;
	(v2sf) =	vpush v22, $0xF;
	v22 =	vsub.s32 v29, v22  }
0x14e: {  	v35 =	vimm.s32 $0x0;
	v37 =	vimm.f32 $0.0e+00;
	v62 =	vld [tilespmem:s24+$0x4670];
	v22 =	vadd.s32 s20, v22  }
0x14f: {  	v59 =	vld [tilespmem:s24+$0x4D70];
	v29, _, _ =	vpop (xrf2);
	(xrf2) =	vadd.scan.msk.f32 $0xffff, v4;
	v24 =	vadd.s32 v2, v27;
	v27 =	vadd.s32 v61, v30;
	v30 =	vadd.s32 v26, v22  }
0x150: {  	v5 =	vld [tilespmem:s24+$0x44F0];
	v31, _, _ =	vpop (xrf2);
	v20 =	vadd.s32 v8, v20;
	vm14 =	vgt.s32 v30, $0x198;
	v30 =	vbroadcast v29, $0xF  }
0x151: {  	v21 =	vld [tilespmem:s24+$0x4B70];
	(v2sf) =	vpush v29, $0xF;
	v56 =	vbroadcast v31, $0xF;
	v20 =	vadd.s32 v60, v20  }
0x152: {  	v25 =	vld [tilespmem:s24+$0x5370];
	(v2sf) =	vpush v31, $0xF;
	v20 =	vadd.s32 v23, v20;
	v58 =	vsub.f32 v30, v29;
	v29, _, _ =	vpop (xrf2)  }
0x153: {  	v18 =	vld [tilespmem:s24+$0x4BF0];
	vm10 =	vlt.s32 v22, $0x199;
	v20 =	vadd.s32 v47, v20;
	(v2sf) =	vpush v29, $0xF  }
0x154: {  	v19 =	vld [tilespmem:s24+$0x4C70];
	v40 =	vsub.f32 v56, v31;
	v31 =	vimm.f32 $0.0e+00;
	v20 =	vadd.s32 v52, v20  }
0x155: {  	v60 =	vld [tilespmem:s24+$0x4DF0];
	v24 =	vadd.s32 v7, v24;
	v27 =	vadd.s32 v6, v27;
	v5 =	vadd.s32 v5, v20  }
0x156: {  	v23 =	vld [tilespmem:s24+$0x45F0];
	vm10 =	vmand vm10, vm14;
	v9 =	vadd.s32 v9, v24;
	v27 =	vadd.s32 v63, v27  }
0x157: {  	v61 =	vld [tilespmem:s24+$0x55F0];
	v5 =	vadd.s32 v57, v5;
	v30 =	vimm.s32 $0x0;
	v9 =	vadd.s32 v21, v9  }
0x158: {  	v24 =	vld [tilespmem:s24+$0x5570];
	v25 =	vadd.s32 v25, v27;
	v22 =	vnsel vm10, $0x0, v22;
	v9 =	vadd.s32 v18, v9  }
0x159: {  	v63 =	vld [tilespmem:s24+$0x4EF0];
	v26 =	vnsel vm10, $0x0, v26;
	v21 =	vbroadcast v29, $0xF;
	v9 =	vadd.s32 v19, v9;
	v19, _, _ =	vpop (xrf2)  }
0x15a: {  	v4 =	vnsel vm10, $0x0, v4;
	v27 =	vadd.s32 v30, v26;
	v18 =	vld [tilespmem:s24+$0x4E70];
	(v2sf) =	vpush v19, $0xF  }
0x15b: {  	v26 =	vld [tilespmem:s24+$0x46F0];
	v21 =	vsub.f32 v21, v29;
	v29 =	vadd.s32 v30, v22;
	v22 =	vadd.s32 v28, v25  }
0x15c: {  	s19 =	simm.f32 $0.0e+00;
	v25 =	vld [tilespmem:s24+$0x5670];
	v20 =	vbroadcast v19, $0xF;
	v28 =	vadd.f32 v4, v31;
	v22 =	vadd.s32 v53, v22  }
0x15d: {  	v4 =	vadd.s32 v54, v9;
	v47 =	vadd.f32 s19, v21;
	v21 =	vadd.s32 v55, v22;
	v22 =	vld [tilespmem:s24+$0x4770]  }
0x15e: {  	v5 =	vadd.s32 v23, v5;
	v23 =	vld [tilespmem:s24+$0x4F70];
	v4 =	vadd.s32 v59, v4;
	v20 =	vsub.f32 v20, v19  }
0x15f: {  	s21 =	spop (v2sf);
	v5 =	vadd.s32 v62, v5;
	v9 =	vld [tilespmem:s24+$0x56F0];
	v4 =	vadd.s32 v60, v4;
	v21 =	vadd.s32 v24, v21  }
0x160: {  	v49 =	vld [tilespmem:s24+$0x5770];
	s22 =	spop (v2sf);
	v4 =	vadd.s32 v18, v4;
	v19 =	vadd.f32 s19, v20;
	v20 =	vadd.s32 v61, v21  }
0x161: {  	s25 =	spop (v2sf);
	v5 =	vadd.s32 v26, v5;
	v18 =	vadd.s32 v25, v20;
	v20 =	vadd.s32 v63, v4;
	v4 =	vld [tilespmem:s24+$0x47F0]  }
0x162: {  	s29 =	simm.s32 $0xFFFFFF80;
	v34 =	vimm.f32 $0.0e+00;
	v46 =	vadd.f32 s19, v40;
	s23 =	sadd.f32 s22, s19;
	v51 =	vadd.s32 v22, v5;
	v22 =	vld [tilespmem:s24+$0x4FF0];
	s28 =	spop (v2sf)  }
0x163: {  	v40 =	vimm.s32 $0x0;
	s26 =	sadd.s32 $0x0, s21;
	v52 =	vld [tilespmem:s24+$0x57F0];
	v45 =	vadd.f32 s19, v58;
	v19 =	vnsel vm10, $0x0, v19;
	s21 =	sadd.f32 s28, s19;
	s28 =	simm.s32 $0xFFFFFFF0  }
0x164: {  	s22 =	sadd.f32 s25, s19;
	s25 =	simm.s32 $0x0;
	v50 =	vadd.s32 v9, v18;
	v55 =	vadd.s32 v23, v20;
	v26 =	vadd.f32 v19, v31;
	s24 =	simm.s32 $0x0;
	v24 =	vld [tilespmem:s28+$0x5870]  }
.LBB2_6:
0x165: {  	p0 =	sne.s32 s29, $0xFFFFFE40;
	v5 =	vld [tilespmem:s28+$0x58F0];
	v9 =	vadd.s32 v49, v50  }
0x166: {  	v18 =	vld [tilespmem:s28+$0x5970];
	v4 =	vadd.s32 v4, v51  }
0x167: {  	v19 =	vld [tilespmem:s28+$0x59F0];
	v20 =	vadd.s32 v22, v55;
	(xrf0) =	vadd.scan.msk.s32 $0xffff, v4  }
0x168: {  	v21 =	vld [tilespmem:s28+$0x5A70];
	v9 =	vadd.s32 v52, v9;
	(xrf0) =	vadd.scan.msk.s32 $0xffff, v20  }
0x169: {  	v22 =	vld [tilespmem:s28+$0x5AF0];
	(xrf0) =	vadd.scan.msk.s32 $0xffff, v9;
	s30 =	spop (v2sf)  }
0x16a: {  	v23 =	vld [tilespmem:s28+$0x5B70];
	v5 =	vadd.s32 v24, v5;
	s19 =	sadd.f32 s30, s19  }
0x16b: {  	v24 =	vld [tilespmem:s28+$0x5BF0];
	v5 =	vadd.s32 v18, v5  }
0x16c: {  	v18 =	vld [tilespmem:s28+$0x5C70];
	v5 =	vadd.s32 v19, v5  }
0x16d: {  	v19 =	vld [tilespmem:s28+$0x5CF0];
	v5 =	vadd.s32 v21, v5;
	v21, _, _ =	vpop (xrf0)  }
0x16e: {  	v25 =	vld [tilespmem:s28+$0x5D70];
	v5 =	vadd.s32 v22, v5;
	v22 =	vbroadcast v21, $0xF;
	(v2sf) =	vpush v21, $0xF;
	v48, _, _ =	vpop (xrf0)  }
0x16f: {  	v49 =	vld [tilespmem:s28+$0x5DF0];
	v5 =	vadd.s32 v23, v5;
	v23 =	vbroadcast v48, $0xF;
	(v2sf) =	vpush v48, $0xF;
	v50, _, _ =	vpop (xrf0)  }
0x170: {  	v51 =	vld [tilespmem:s28+$0x5E70];
	v5 =	vadd.s32 v24, v5;
	v24 =	vbroadcast v50, $0xF;
	(v2sf) =	vpush v50, $0xF  }
0x171: {  	v52 =	vld [tilespmem:s28+$0x5EF0];
	v5 =	vadd.s32 v18, v5;
	v18 =	vsub.s32 v22, v21;
	v21 =	vsub.s32 v23, v48  }
0x172: {  	v22 =	vld [tilespmem:s28+$0x5F70];
	v5 =	vadd.s32 v19, v5;
	v18 =	vadd.s32 s20, v18;
	v19 =	vsub.s32 v24, v50  }
0x173: {  	v21 =	vadd.s32 s25, v21;
	v23 =	vld [tilespmem:s28+$0x5FF0];
	v5 =	vadd.s32 v25, v5;
	v19 =	vadd.s32 s24, v19  }
0x174: {  	v25 =	vadd.s32 v4, v18;
	v48 =	vadd.s32 v20, v21;
	v24 =	vld [tilespmem:s28+$0x4070];
	v5 =	vadd.s32 v49, v5  }
0x175: {  	vm10 =	vgt.s32 v25, $0x198;
	v25 =	vadd.s32 v9, v19;
	v49 =	vld [tilespmem:s28+$0x40F0];
	v5 =	vadd.s32 v51, v5  }
0x176: {  	vm14 =	vgt.s32 v48, $0x198;
	vm15 =	vgt.s32 v25, $0x198;
	v50 =	vld [tilespmem:s28+$0x4870];
	v5 =	vadd.s32 v52, v5  }
0x177: {  	vm11 =	vlt.s32 v18, $0x199;
	vm0 =	vlt.s32 v21, $0x199;
	v25 =	vld [tilespmem:s28+$0x48F0];
	v5 =	vadd.s32 v22, v5  }
0x178: {  	vm10 =	vmand vm11, vm10;
	vm11 =	vlt.s32 v19, $0x199;
	v22 =	vld [tilespmem:s28+$0x5070];
	v5 =	vadd.s32 v23, v5  }
0x179: {  	vm0 =	vmand vm0, vm14;
	v18 =	vnsel vm10, $0x0, v18;
	vm11 =	vmand vm11, vm15;
	v23 =	vld [tilespmem:s28+$0x50F0];
	(xrf0) =	vadd.scan.msk.s32 $0xffff, v5  }
0x17a: {  	v45 =	vnsel vm10, $0x0, v45;
	v4 =	vnsel vm10, $0x0, v4;
	v48 =	vld [tilespmem:s28+$0x4170];
	v24 =	vadd.s32 v24, v49  }
0x17b: {  	v32 =	vnsel vm10, $0x0, v32;
	v21 =	vnsel vm0, $0x0, v21;
	v46 =	vnsel vm0, $0x0, v46;
	v49 =	vld [tilespmem:s28+$0x4970]  }
0x17c: {  	v20 =	vnsel vm0, $0x0, v20;
	v43 =	vnsel vm0, $0x0, v43;
	v25 =	vadd.s32 v50, v25;
	v50 =	vld [tilespmem:s28+$0x5170]  }
0x17d: {  	v19 =	vnsel vm11, $0x0, v19;
	v52 =	vnsel vm11, $0x0, v47;
	v9 =	vnsel vm11, $0x0, v9;
	v51 =	vld [tilespmem:s28+$0x41F0];
	s30 =	spop (v2sf)  }
0x17e: {  	v30 =	vadd.s32 v30, v18;
	v18 =	vnsel vm11, $0x0, v44;
	v47 =	vld [tilespmem:s28+$0x49F0];
	v22 =	vadd.s32 v22, v23;
	s20 =	sadd.s32 s20, s30;
	s30 =	spop (v2sf)  }
0x17f: {  	v31 =	vadd.f32 v45, v31;
	v33 =	vadd.s32 v33, v4;
	v23 =	vadd.s32 v48, v24;
	v24 =	vld [tilespmem:s28+$0x51F0];
	v44, _, _ =	vpop (xrf0);
	s25 =	sadd.s32 s25, s30;
	s30 =	spop (v2sf)  }
0x180: {  	v4 =	vld [tilespmem:s28+$0x4270];
	v25 =	vadd.s32 v49, v25;
	v45 =	vbroadcast v44, $0xF;
	(v2sf) =	vpush v44, $0xF;
	s24 =	sadd.s32 s24, s30  }
0x181: {  	v37 =	vadd.f32 v32, v37;
	v38 =	vadd.s32 v38, v21;
	v48 =	vld [tilespmem:s28+$0x4A70];
	v22 =	vadd.s32 v50, v22  }
0x182: {  	v34 =	vadd.f32 v46, v34;
	v21 =	vadd.s32 v51, v23;
	v23 =	vld [tilespmem:s28+$0x5270];
	v32 =	vsub.s32 v45, v44  }
0x183: {  	v42 =	vadd.s32 v42, v20;
	v44 =	vld [tilespmem:s28+$0x6070];
	v25 =	vadd.s32 v47, v25;
	v32 =	vadd.s32 s26, v32  }
0x184: {  	v20 =	vld [tilespmem:s28+$0x60F0];
	v22 =	vadd.s32 v24, v22;
	vm0 =	vlt.s32 v32, $0x199;
	v24 =	vadd.s32 v5, v32  }
0x185: {  	v39 =	vadd.f32 v43, v39;
	v47 =	vadd.s32 v4, v21;
	v4 =	vld [tilespmem:s28+$0x6170];
	vm10 =	vgt.s32 v24, $0x198  }
0x186: {  	v40 =	vadd.s32 v40, v19;
	v21 =	vld [tilespmem:s28+$0x61F0];
	v48 =	vadd.s32 v48, v25;
	vm15 =	vmand vm0, vm10  }
0x187: {  	v19 =	vld [tilespmem:s28+$0x6270];
	v49 =	vadd.s32 v23, v22;
	v22 =	vnsel vm15, $0x0, v32;
	v5 =	vnsel vm15, $0x0, v5  }
0x188: {  	v41 =	vadd.f32 v52, v41;
	v35 =	vadd.s32 v35, v9;
	v36 =	vadd.f32 v18, v36;
	v23 =	vld [tilespmem:s28+$0x62F0]  }
0x189: {  	v29 =	vadd.s32 v29, v22;
	v27 =	vadd.s32 v27, v5;
	v9 =	vld [tilespmem:s28+$0x6370];
	v18 =	vadd.f32 v20, v44  }
0x18a: {  	v5 =	vld [tilespmem:s28+$0x63F0]  }
0x18b: {  	v20 =	vld [tilespmem:s28+$0x6470];
	v4 =	vadd.f32 v21, v4  }
0x18c: {  	v21 =	vld [tilespmem:s28+$0x64F0]  }
0x18d: {  	v22 =	vld [tilespmem:s28+$0x6570];
	v19 =	vadd.f32 v23, v19;
	v4 =	vadd.f32 v4, v18  }
0x18e: {  	v18 =	vld [tilespmem:s28+$0x65F0]  }
0x18f: {  	v23 =	vld [tilespmem:s28+$0x6670];
	v5 =	vadd.f32 v5, v9;
	s30 =	spop (v2sf)  }
0x190: {  	v9 =	vld [tilespmem:s28+$0x66F0];
	s26 =	sadd.s32 s26, s30  }
0x191: {  	v24 =	vld [tilespmem:s28+$0x6770];
	v20 =	vadd.f32 v21, v20;
	v5 =	vadd.f32 v5, v19  }
0x192: {  	v19 =	vld [tilespmem:s28+$0x67F0]  }
0x193: {  	v18 =	vadd.f32 v18, v22;
	v4 =	vadd.f32 v5, v4;
	v5 =	vld [tilespmem:s28+$0x6870]  }
0x194: {  	v21 =	vld [tilespmem:s28+$0x68F0]  }
0x195: {  	v9 =	vadd.f32 v9, v23;
	v18 =	vadd.f32 v18, v20;
	v20 =	vld [tilespmem:s28+$0x6970]  }
0x196: {  	v22 =	vld [tilespmem:s28+$0x69F0]  }
0x197: {  	v19 =	vadd.f32 v19, v24;
	v23 =	vld [tilespmem:s28+$0x6A70]  }
0x198: {  	v24 =	vld [tilespmem:s28+$0x6AF0]  }
0x199: {  	v9 =	vadd.f32 v19, v9;
	v19 =	vld [tilespmem:s28+$0x6B70];
	v5 =	vadd.f32 v21, v5  }
0x19a: {  	v21 =	vld [tilespmem:s28+$0x6BF0]  }
0x19b: {  	v9 =	vadd.f32 v9, v18;
	v18 =	vld [tilespmem:s28+$0x6C70];
	v20 =	vadd.f32 v22, v20  }
0x19c: {  	v22 =	vld [tilespmem:s28+$0x6CF0]  }
0x19d: {  	v25 =	vld [tilespmem:s28+$0x6D70];
	v23 =	vadd.f32 v24, v23;
	v5 =	vadd.f32 v20, v5  }
0x19e: {  	v32 =	vadd.f32 v9, v4;
	v4 =	vld [tilespmem:s28+$0x6DF0]  }
0x19f: {  	v9 =	vld [tilespmem:s28+$0x6E70];
	v19 =	vadd.f32 v21, v19  }
0x1a0: {  	v20 =	vld [tilespmem:s28+$0x6EF0];
	(xrf2) =	vadd.scan.msk.f32 $0xffff, v32  }
0x1a1: {  	v21 =	vld [tilespmem:s28+$0x6F70];
	v18 =	vadd.f32 v22, v18;
	v19 =	vadd.f32 v19, v23  }
0x1a2: {  	v22 =	vld [tilespmem:s28+$0x6FF0]  }
0x1a3: {  	v4 =	vadd.f32 v4, v25;
	v5 =	vadd.f32 v19, v5;
	v19 =	vld [tilespmem:s28+$0x7070]  }
0x1a4: {  	v23 =	vld [tilespmem:s28+$0x70F0]  }
0x1a5: {  	v9 =	vadd.f32 v20, v9;
	v4 =	vadd.f32 v4, v18;
	v18 =	vld [tilespmem:s28+$0x7170]  }
0x1a6: {  	v20 =	vld [tilespmem:s28+$0x71F0]  }
0x1a7: {  	v21 =	vadd.f32 v22, v21;
	v22 =	vld [tilespmem:s28+$0x7270]  }
0x1a8: {  	v24 =	vld [tilespmem:s28+$0x72F0]  }
0x1a9: {  	v9 =	vadd.f32 v21, v9;
	v21 =	vld [tilespmem:s28+$0x7370];
	v19 =	vadd.f32 v23, v19  }
0x1aa: {  	v23 =	vld [tilespmem:s28+$0x73F0];
	v25, _, _ =	vpop (xrf2)  }
0x1ab: {  	v43 =	vbroadcast v25, $0xF;
	v4 =	vadd.f32 v9, v4;
	v9 =	vld [tilespmem:s28+$0x7470];
	v18 =	vadd.f32 v20, v18  }
0x1ac: {  	v20 =	vld [tilespmem:s28+$0x74F0];
	(v2sf) =	vpush v25, $0xF  }
0x1ad: {  	v44 =	vld [tilespmem:s28+$0x7570];
	v22 =	vadd.f32 v24, v22;
	v18 =	vadd.f32 v18, v19  }
0x1ae: {  	v19 =	vsub.f32 v43, v25;
	v43 =	vadd.f32 v4, v5;
	v4 =	vld [tilespmem:s28+$0x75F0]  }
0x1af: {  	v5 =	vld [tilespmem:s28+$0x7670];
	v21 =	vadd.f32 v23, v21  }
0x1b0: {  	v45 =	vadd.f32 s23, v19;
	v19 =	vld [tilespmem:s28+$0x76F0];
	(xrf2) =	vadd.scan.msk.f32 $0xffff, v43  }
0x1b1: {  	v23 =	vld [tilespmem:s28+$0x7770];
	v9 =	vadd.f32 v20, v9;
	v20 =	vadd.f32 v21, v22  }
0x1b2: {  	v21 =	vld [tilespmem:s28+$0x77F0]  }
0x1b3: {  	v4 =	vadd.f32 v4, v44;
	v18 =	vadd.f32 v20, v18;
	v20 =	vld [tilespmem:s28+$0x7870]  }
0x1b4: {  	v22 =	vld [tilespmem:s28+$0x78F0]  }
0x1b5: {  	v5 =	vadd.f32 v19, v5;
	v4 =	vadd.f32 v4, v9;
	v9 =	vld [tilespmem:s28+$0x7970]  }
0x1b6: {  	v19 =	vld [tilespmem:s28+$0x79F0]  }
0x1b7: {  	v21 =	vadd.f32 v21, v23;
	v23 =	vld [tilespmem:s28+$0x7A70]  }
0x1b8: {  	v24 =	vld [tilespmem:s28+$0x7AF0]  }
0x1b9: {  	v5 =	vadd.f32 v21, v5;
	v21 =	vld [tilespmem:s28+$0x7B70];
	v20 =	vadd.f32 v22, v20  }
0x1ba: {  	v22 =	vld [tilespmem:s28+$0x7BF0];
	v25, _, _ =	vpop (xrf2)  }
0x1bb: {  	v44 =	vbroadcast v25, $0xF;
	v4 =	vadd.f32 v5, v4;
	v5 =	vld [tilespmem:s28+$0x7C70];
	v9 =	vadd.f32 v19, v9;
	s30 =	spop (v2sf)  }
0x1bc: {  	s23 =	sadd.f32 s30, s23;
	v19 =	vld [tilespmem:s28+$0x7CF0];
	(v2sf) =	vpush v25, $0xF  }
0x1bd: {  	v50 =	vld [tilespmem:s28+$0x7D70];
	v23 =	vadd.f32 v24, v23;
	v9 =	vadd.f32 v9, v20  }
0x1be: {  	v20 =	vsub.f32 v44, v25;
	v44 =	vadd.f32 v4, v18;
	v4 =	vld [tilespmem:s28+$0x7DF0]  }
0x1bf: {  	v18 =	vld [tilespmem:s28+$0x7E70];
	v21 =	vadd.f32 v22, v21  }
0x1c0: {  	v46 =	vadd.f32 s22, v20;
	v20 =	vld [tilespmem:s28+$0x7EF0];
	(xrf2) =	vadd.scan.msk.f32 $0xffff, v44  }
0x1c1: {  	v22 =	vld [tilespmem:s28+$0x7F70];
	v5 =	vadd.f32 v19, v5;
	v19 =	vadd.f32 v21, v23  }
0x1c2: {  	v21 =	vld [tilespmem:s28+$0x7FF0]  }
0x1c3: {  	v23 =	vld [tilespmem:s28+$0x42F0];
	v4 =	vadd.f32 v4, v50;
	v9 =	vadd.f32 v19, v9  }
0x1c4: {  	v19 =	vld [tilespmem:s28+$0x4AF0]  }
0x1c5: {  	v24 =	vld [tilespmem:s28+$0x52F0];
	v18 =	vadd.f32 v20, v18;
	v4 =	vadd.f32 v4, v5  }
0x1c6: {  	v5 =	vld [tilespmem:s28+$0x4370]  }
0x1c7: {  	v20 =	vld [tilespmem:s28+$0x4B70];
	v21 =	vadd.f32 v21, v22  }
0x1c8: {  	v22 =	vadd.s32 v23, v47;
	v23 =	vld [tilespmem:s28+$0x5370]  }
0x1c9: {  	v25 =	vld [tilespmem:s28+$0x43F0];
	v19 =	vadd.s32 v19, v48;
	v18 =	vadd.f32 v21, v18  }
0x1ca: {  	v21 =	vld [tilespmem:s28+$0x4BF0];
	v24 =	vadd.s32 v24, v49;
	v47, _, _ =	vpop (xrf2)  }
0x1cb: {  	v5 =	vadd.s32 v5, v22;
	v22 =	vld [tilespmem:s28+$0x53F0];
	v4 =	vadd.f32 v18, v4;
	s30 =	spop (v2sf);
	(v2sf) =	vpush v47, $0xF  }
0x1cc: {  	v18 =	vld [tilespmem:s28+$0x4470];
	v19 =	vadd.s32 v20, v19;
	s22 =	sadd.f32 s30, s22;
	v20 =	vbroadcast v47, $0xF  }
0x1cd: {  	v48 =	vld [tilespmem:s28+$0x4C70];
	v23 =	vadd.s32 v23, v24;
	v4 =	vadd.f32 v4, v9  }
0x1ce: {  	v5 =	vadd.s32 v25, v5;
	v9 =	vld [tilespmem:s28+$0x5470];
	v20 =	vsub.f32 v20, v47  }
0x1cf: {  	v24 =	vld [tilespmem:s28+$0x44F0];
	v19 =	vadd.s32 v21, v19;
	v21 =	vnsel vm15, $0x0, v4;
	(xrf2) =	vadd.scan.msk.f32 $0xffff, v4  }
0x1d0: {  	v4 =	vld [tilespmem:s28+$0x4CF0];
	v22 =	vadd.s32 v22, v23;
	v47 =	vadd.f32 s21, v20;
	v28 =	vadd.f32 v21, v28  }
0x1d1: {  	v5 =	vadd.s32 v18, v5;
	v18 =	vld [tilespmem:s28+$0x54F0]  }
0x1d2: {  	v20 =	vld [tilespmem:s28+$0x4570];
	v19 =	vadd.s32 v48, v19  }
0x1d3: {  	v21 =	vld [tilespmem:s28+$0x4D70];
	v9 =	vadd.s32 v9, v22  }
0x1d4: {  	v5 =	vadd.s32 v24, v5;
	v22 =	vld [tilespmem:s28+$0x5570]  }
0x1d5: {  	v23 =	vld [tilespmem:s28+$0x45F0];
	v4 =	vadd.s32 v4, v19  }
0x1d6: {  	v19 =	vld [tilespmem:s28+$0x4DF0];
	v9 =	vadd.s32 v18, v9  }
0x1d7: {  	v5 =	vadd.s32 v20, v5;
	v18 =	vld [tilespmem:s28+$0x55F0]  }
0x1d8: {  	v20 =	vld [tilespmem:s28+$0x4670];
	v4 =	vadd.s32 v21, v4  }
0x1d9: {  	v21 =	vld [tilespmem:s28+$0x4E70];
	v9 =	vadd.s32 v22, v9;
	v22, _, _ =	vpop (xrf2)  }
0x1da: {  	v5 =	vadd.s32 v23, v5;
	v23 =	vld [tilespmem:s28+$0x5670];
	v24 =	vbroadcast v22, $0xF;
	s30 =	spop (v2sf);
	(v2sf) =	vpush v22, $0xF  }
0x1db: {  	v25 =	vld [tilespmem:s28+$0x46F0];
	v4 =	vadd.s32 v19, v4;
	s21 =	sadd.f32 s30, s21  }
0x1dc: {  	v19 =	vld [tilespmem:s28+$0x4EF0];
	v9 =	vadd.s32 v18, v9;
	v18 =	vsub.f32 v24, v22  }
0x1dd: {  	v5 =	vadd.s32 v20, v5;
	v20 =	vld [tilespmem:s28+$0x56F0]  }
0x1de: {  	v24 =	vld [tilespmem:s28+$0x4770];
	v21 =	vadd.s32 v21, v4;
	v4 =	vadd.f32 s19, v18  }
0x1df: {  	v18 =	vld [tilespmem:s28+$0x4F70];
	v9 =	vadd.s32 v23, v9  }
.Ltmp2:
0x1e0: {  	v5 =	vadd.s32 v25, v5;
	v49 =	vld [tilespmem:s28+$0x5770];
	v22 =	vnsel vm15, $0x0, v4;
	(pc) =	sbr.rel @p0 .LBB2_6-.Ltmp2, $4  }
0x1e1: {  	v4 =	vld [tilespmem:s28+$0x47F0];
	v19 =	vadd.s32 v19, v21;
	v26 =	vadd.f32 v22, v26  }
0x1e2: {  	v22 =	vld [tilespmem:s28+$0x4FF0];
	v50 =	vadd.s32 v20, v9  }
0x1e3: {  	v51 =	vadd.s32 v24, v5;
	v52 =	vld [tilespmem:s28+$0x57F0];
	s28 =	sshra.s32 s29, $0x2  }
0x1e4: {  	s29 =	sadd.s32 $0xFFFFFFC0, s29;
	v24 =	vld [tilespmem:s28+$0x5870];
	v55 =	vadd.s32 v18, v19  }
0x1e5: {  	v6 =	vld [tilespmem:s28+$0x6970];
	_ =	sdelay $0x4  }
0x1e6: {  	[tilespmem:$0x1F920] =	vst v6;
	v6 =	vld [tilespmem:s28+$0x69F0];
	_ =	sdelay $0x4  }
0x1e7: {  	[tilespmem:$0x1F930] =	vst v6;
	v6 =	vld [tilespmem:s28+$0x6A70];
	_ =	sdelay $0x4  }
0x1e8: {  	[tilespmem:$0x1F940] =	vst v6;
	v6 =	vld [tilespmem:s28+$0x6B70];
	_ =	sdelay $0x4  }
0x1e9: {  	[tilespmem:$0x1F960] =	vst v6;
	v6 =	vld [tilespmem:s28+$0x6BF0];
	_ =	sdelay $0x4  }
0x1ea: {  	[tilespmem:$0x1F970] =	vst v6;
	v6 =	vld [tilespmem:s28+$0x6C70];
	_ =	sdelay $0x4  }
0x1eb: {  	[tilespmem:$0x1F980] =	vst v6;
	v6 =	vld [tilespmem:s28+$0x6CF0];
	_ =	sdelay $0x4  }
0x1ec: {  	[tilespmem:$0x1F990] =	vst v6;
	v6 =	vld [tilespmem:s28+$0x6D70];
	_ =	sdelay $0x4  }
0x1ed: {  	[tilespmem:$0x1F9B0] =	vst v6;
	v6 =	vld [tilespmem:s28+$0x6DF0];
	_ =	sdelay $0x4  }
0x1ee: {  	[tilespmem:$0x1F9C0] =	vst v6;
	v6 =	vld [tilespmem:s28+$0x6E70];
	_ =	sdelay $0x4  }
0x1ef: {  	[tilespmem:$0x1F9E0] =	vst v6;
	v6 =	vld [tilespmem:s28+$0x6EF0];
	_ =	sdelay $0x3  }
0x1f0: {  	v2 =	vld [tilespmem:s28+$0x58F0]  }
0x1f1: {  	[tilespmem:$0x1F9F0] =	vst v6;
	v6 =	vld [tilespmem:s28+$0x6F70];
	_ =	sdelay $0x3  }
0x1f2: {  	[tilespmem:$0x1F8B0] =	vst v2;
	v2 =	vld [tilespmem:s28+$0x5970]  }
0x1f3: {  	[tilespmem:$0x1FA00] =	vst v6;
	v6 =	vld [tilespmem:s28+$0x6FF0];
	_ =	sdelay $0x3  }
0x1f4: {  	[tilespmem:$0x1F8C0] =	vst v2;
	v2 =	vld [tilespmem:s28+$0x59F0]  }
0x1f5: {  	[tilespmem:$0x1FA10] =	vst v6;
	v6 =	vld [tilespmem:s28+$0x7070];
	_ =	sdelay $0x3  }
0x1f6: {  	[tilespmem:$0x1F8D0] =	vst v2;
	v2 =	vld [tilespmem:s28+$0x5A70]  }
0x1f7: {  	[tilespmem:$0x1FA50] =	vst v6;
	v6 =	vld [tilespmem:s28+$0x70F0];
	_ =	sdelay $0x3  }
0x1f8: {  	[tilespmem:$0x1F8E0] =	vst v2;
	v2 =	vld [tilespmem:s28+$0x5AF0]  }
0x1f9: {  	[tilespmem:$0x1FA60] =	vst v6;
	v6 =	vld [tilespmem:s28+$0x7170];
	_ =	sdelay $0x3  }
0x1fa: {  	[tilespmem:$0x1F8F0] =	vst v2;
	v2 =	vld [tilespmem:s28+$0x5B70]  }
0x1fb: {  	[tilespmem:$0x1FA70] =	vst v6;
	v6 =	vld [tilespmem:s28+$0x71F0];
	_ =	sdelay $0x3  }
0x1fc: {  	[tilespmem:$0x1F900] =	vst v2;
	v2 =	vld [tilespmem:s28+$0x5BF0]  }
0x1fd: {  	[tilespmem:$0x1FA80] =	vst v6;
	v6 =	vld [tilespmem:s28+$0x7270];
	_ =	sdelay $0x3  }
0x1fe: {  	[tilespmem:$0x1F910] =	vst v2;
	v2 =	vld [tilespmem:s28+$0x5C70]  }
0x1ff: {  	[tilespmem:$0x1FAA0] =	vst v6;
	v6 =	vld [tilespmem:s28+$0x72F0];
	_ =	sdelay $0x3  }
0x200: {  	[tilespmem:$0x1F950] =	vst v2;
	v2 =	vld [tilespmem:s28+$0x5CF0]  }
0x201: {  	[tilespmem:$0x1FAB0] =	vst v6;
	v6 =	vld [tilespmem:s28+$0x7370];
	_ =	sdelay $0x3  }
0x202: {  	[tilespmem:$0x1F9A0] =	vst v2;
	v2 =	vld [tilespmem:s28+$0x5D70]  }
0x203: {  	[tilespmem:$0x1FAD0] =	vst v6;
	v6 =	vld [tilespmem:s28+$0x73F0];
	_ =	sdelay $0x3  }
0x204: {  	[tilespmem:$0x1F9D0] =	vst v2;
	v2 =	vld [tilespmem:s28+$0x5DF0]  }
0x205: {  	[tilespmem:$0x1FAE0] =	vst v6;
	v6 =	vld [tilespmem:s28+$0x7470];
	_ =	sdelay $0x3  }
0x206: {  	[tilespmem:$0x1FA20] =	vst v2;
	v2 =	vld [tilespmem:s28+$0x5E70]  }
0x207: {  	[tilespmem:$0x1FB10] =	vst v6;
	v6 =	vld [tilespmem:s28+$0x74F0];
	_ =	sdelay $0x3  }
0x208: {  	[tilespmem:$0x1FA30] =	vst v2;
	v2 =	vld [tilespmem:s28+$0x5EF0]  }
0x209: {  	[tilespmem:$0x1FB20] =	vst v6;
	v6 =	vld [tilespmem:s28+$0x7570];
	_ =	sdelay $0x3  }
0x20a: {  	[tilespmem:$0x1FA40] =	vst v2;
	v2 =	vld [tilespmem:s28+$0x5F70]  }
0x20b: {  	[tilespmem:$0x1FB30] =	vst v6;
	v6 =	vld [tilespmem:s28+$0x75F0];
	_ =	sdelay $0x3  }
0x20c: {  	[tilespmem:$0x1FA90] =	vst v2;
	v2 =	vld [tilespmem:s28+$0x5FF0]  }
0x20d: {  	[tilespmem:$0x1FB40] =	vst v6;
	v6 =	vld [tilespmem:s28+$0x7670];
	_ =	sdelay $0x3  }
0x20e: {  	[tilespmem:$0x1FAC0] =	vst v2;
	v2 =	vld [tilespmem:s28+$0x4070]  }
0x20f: {  	[tilespmem:$0x1FB50] =	vst v6;
	v6 =	vld [tilespmem:s28+$0x76F0];
	_ =	sdelay $0x3  }
0x210: {  	[tilespmem:$0x1FAF0] =	vst v2;
	v2 =	vld [tilespmem:s28+$0x40F0]  }
0x211: {  	[tilespmem:$0x1FB60] =	vst v6;
	v6 =	vld [tilespmem:s28+$0x7770];
	_ =	sdelay $0x3  }
0x212: {  	[tilespmem:$0x1FB00] =	vst v2;
	v2 =	vld [tilespmem:s28+$0x50F0]  }
0x213: {  	[tilespmem:$0x1FB70] =	vst v6;
	v6 =	vld [tilespmem:s28+$0x77F0];
	_ =	sdelay $0x3  }
0x214: {  	[tilespmem:$0x1FB90] =	vst v2;
	v2 =	vld [tilespmem:s28+$0x4170]  }
0x215: {  	[tilespmem:$0x1FB80] =	vst v6;
	v6 =	vld [tilespmem:s28+$0x7870];
	_ =	sdelay $0x3  }
0x216: {  	[tilespmem:$0x1FBA0] =	vst v2;
	v2 =	vld [tilespmem:s28+$0x4970]  }
0x217: {  	[tilespmem:$0x1FBC0] =	vst v6;
	v6 =	vld [tilespmem:s28+$0x78F0];
	_ =	sdelay $0x3  }
0x218: {  	[tilespmem:$0x1FBB0] =	vst v2;
	v2 =	vld [tilespmem:s28+$0x5170]  }
0x219: {  	[tilespmem:$0x1FBD0] =	vst v6;
	v6 =	vld [tilespmem:s28+$0x7970];
	_ =	sdelay $0x3  }
0x21a: {  	[tilespmem:$0x1FBE0] =	vst v2;
	v2 =	vld [tilespmem:s28+$0x41F0]  }
0x21b: {  	[tilespmem:$0x1FBF0] =	vst v6;
	v6 =	vld [tilespmem:s28+$0x79F0];
	_ =	sdelay $0x3  }
0x21c: {  	[tilespmem:$0x1FC10] =	vst v2;
	v2 =	vld [tilespmem:s28+$0x49F0]  }
0x21d: {  	[tilespmem:$0x1FC00] =	vst v6;
	v6 =	vld [tilespmem:s28+$0x7A70];
	_ =	sdelay $0x3  }
0x21e: {  	[tilespmem:$0x1FC60] =	vst v2;
	v2 =	vld [tilespmem:s28+$0x51F0]  }
0x21f: {  	[tilespmem:$0x1FC20] =	vst v6;
	v6 =	vld [tilespmem:s28+$0x7AF0];
	_ =	sdelay $0x3  }
0x220: {  	[tilespmem:$0x1FCA0] =	vst v2;
	v2 =	vld [tilespmem:s28+$0x4270]  }
0x221: {  	[tilespmem:$0x1FC30] =	vst v6;
	v6 =	vld [tilespmem:s28+$0x7B70];
	_ =	sdelay $0x3  }
0x222: {  	[tilespmem:$0x1FCE0] =	vst v2;
	v2 =	vld [tilespmem:s28+$0x4A70]  }
0x223: {  	[tilespmem:$0x1FC40] =	vst v6;
	v6 =	vld [tilespmem:s28+$0x7BF0];
	_ =	sdelay $0x3  }
0x224: {  	[tilespmem:$0x1FCF0] =	vst v2;
	v2 =	vld [tilespmem:s28+$0x5270]  }
0x225: {  	[tilespmem:$0x1FC50] =	vst v6;
	v6 =	vld [tilespmem:s28+$0x7C70]  }
0x226: {  	v21 =	vld [tilespmem:s28+$0x6170]  }
0x227: {  	v5 =	vld [tilespmem:s28+$0x61F0]  }
0x228: {  	v59 =	vld [tilespmem:s28+$0x6670]  }
0x229: {  	v49 =	vadd.s32 v49, v50;
	v50 =	vld [tilespmem:$0x1F8B0];
	[tilespmem:$0x1FD00] =	vst v2  }
0x22a: {  	v2 =	vld [tilespmem:s28+$0x66F0];
	[tilespmem:$0x1FC70] =	vst v6;
	v6 =	vadd.s32 v4, v51  }
0x22b: {  	[tilespmem:$0x1FDB0] =	vst v6;
	(xrf0) =	vadd.scan.msk.s32 $0xffff, v6;
	v6 =	vld [tilespmem:$0x1F8C0]  }
0x22c: {  	v4 =	vld [tilespmem:s28+$0x7CF0];
	_ =	sdelay $0x2  }
0x22d: {  	v51 =	vadd.s32 v24, v50  }
0x22e: {  	v5 =	vadd.f32 v5, v21;
	v21 =	vadd.s32 v6, v51;
	v6 =	vld [tilespmem:s28+$0x7E70]  }
0x22f: {  	[tilespmem:$0x1FC80] =	vst v4;
	v4 =	vadd.s32 v22, v55;
	v55 =	vadd.f32 v2, v59;
	v2 =	vld [tilespmem:s28+$0x7EF0];
	_ =	sdelay $0x3  }
0x230: {  	[tilespmem:$0x1FCB0] =	vst v6;
	v6 =	vld [tilespmem:$0x1F8D0]  }
0x231: {  	[tilespmem:$0x1FCC0] =	vst v2;
	v2 =	vld [tilespmem:$0x1F8E0];
	_ =	sdelay $0x3  }
0x232: {  	v21 =	vadd.s32 v6, v21  }
0x233: {  	v21 =	vadd.s32 v2, v21;
	v2 =	vld [tilespmem:s28+$0x7F70]  }
0x234: {  	v54 =	vld [tilespmem:s28+$0x6270]  }
0x235: {  	v19 =	vld [tilespmem:s28+$0x62F0]  }
0x236: {  	v57 =	vld [tilespmem:s28+$0x6470]  }
0x237: {  	v48 =	vld [tilespmem:s28+$0x64F0]  }
0x238: {  	[tilespmem:$0x1FCD0] =	vst v2;
	v2 =	vld [tilespmem:$0x1F8F0]  }
0x239: {  	v58 =	vld [tilespmem:s28+$0x6070]  }
0x23a: {  	v18 =	vld [tilespmem:s28+$0x60F0]  }
0x23b: {  	v20 =	vld [tilespmem:s28+$0x6370]  }
0x23c: {  	v9 =	vld [tilespmem:s28+$0x63F0];
	v19 =	vadd.f32 v19, v54  }
0x23d: {  	v54 =	vadd.f32 v48, v57;
	v57 =	vadd.s32 v2, v21;
	v2 =	vadd.s32 v52, v49  }
0x23e: {  	[tilespmem:$0x1FD70] =	vst v2;
	v2 =	vld [tilespmem:$0x1F900];
	_ =	sdelay $0x2  }
0x23f: {  	v9 =	vadd.f32 v9, v20;
	[tilespmem:$0x1FD30] =	vst v4;
	v4 =	vadd.f32 v18, v58;
	_ =	sdelay $0x1  }
0x240: {  	v4 =	vadd.f32 v5, v4;
	v5 =	vadd.f32 v9, v19;
	v19 =	vadd.s32 v2, v57;
	v2 =	vld [tilespmem:s28+$0x42F0];
	_ =	sdelay $0x4  }
0x241: {  	[tilespmem:$0x1FD10] =	vst v2;
	v2 =	vld [tilespmem:$0x1F910];
	_ =	sdelay $0x4  }
0x242: {  	v5 =	vadd.f32 v5, v4;
	v4 =	vadd.s32 v2, v19;
	v2 =	vld [tilespmem:s28+$0x4AF0];
	_ =	sdelay $0x1  }
0x243: {  	v56 =	vld [tilespmem:s28+$0x6770]  }
0x244: {  	v25 =	vld [tilespmem:s28+$0x67F0]  }
0x245: {  	v6 =	vld [tilespmem:$0x1F930]  }
0x246: {  	[tilespmem:$0x1FD20] =	vst v2;
	v2 =	vld [tilespmem:$0x1F920];
	_ =	sdelay $0x1  }
0x247: {  	v62 =	vld [tilespmem:s28+$0x6870]  }
0x248: {  	v60 =	vld [tilespmem:s28+$0x68F0];
	v25 =	vadd.f32 v25, v56  }
0x249: {  	v63 =	vld [tilespmem:s28+$0x6AF0]  }
0x24a: {  	v59 =	vadd.f32 v25, v55;
	v25 =	vadd.f32 v6, v2;
	v2 =	vld [tilespmem:$0x1F940];
	_ =	sdelay $0x4  }
0x24b: {  	v19 =	vadd.f32 v60, v62;
	v60 =	vadd.f32 v63, v2;
	v2 =	vld [tilespmem:s28+$0x52F0];
	_ =	sdelay $0x4  }
0x24c: {  	[tilespmem:$0x1FD40] =	vst v2;
	v2 =	vld [tilespmem:$0x1F950];
	_ =	sdelay $0x4  }
0x24d: {  	v63 =	vadd.s32 v2, v4;
	v2 =	vld [tilespmem:$0x1F960]  }
0x24e: {  	v4 =	vld [tilespmem:$0x1F970];
	_ =	sdelay $0x4  }
0x24f: {  	v24 =	vadd.f32 v4, v2;
	v2 =	vld [tilespmem:s28+$0x4370];
	_ =	sdelay $0x1  }
0x250: {  	v18, _, _ =	vpop (xrf0)  }
0x251: {  	v53 =	vld [tilespmem:s28+$0x6570];
	v62 =	vbroadcast v18, $0xF  }
0x252: {  	v23 =	vld [tilespmem:s28+$0x65F0]  }
0x253: {  	v4 =	vld [tilespmem:$0x1F990];
	[tilespmem:$0x1FD50] =	vst v2;
	v2 =	vsub.s32 v62, v18  }
0x254: {  	[tilespmem:$0x1FDA0] =	vst v2;
	v2 =	vld [tilespmem:$0x1F980];
	_ =	sdelay $0x2  }
0x255: {  	v23 =	vadd.f32 v23, v53;
	_ =	sdelay $0x1  }
0x256: {  	v58 =	vadd.f32 v23, v54;
	v23 =	vadd.f32 v4, v2;
	v2 =	vld [tilespmem:$0x1F9A0];
	_ =	sdelay $0x3  }
0x257: {  	v4 =	vld [tilespmem:$0x1F9C0]  }
0x258: {  	v19 =	vadd.f32 v25, v19;
	v25 =	vadd.s32 v2, v63;
	v2 =	vld [tilespmem:$0x1F9B0];
	_ =	sdelay $0x4  }
0x259: {  	v54 =	vadd.f32 v4, v2;
	v2 =	vld [tilespmem:s28+$0x5370];
	_ =	sdelay $0x4  }
0x25a: {  	[tilespmem:$0x1FD60] =	vst v2;
	v2 =	vld [tilespmem:$0x1F9D0];
	_ =	sdelay $0x3  }
0x25b: {  	v4 =	vld [tilespmem:$0x1F9F0]  }
0x25c: {  	v48 =	vadd.s32 v2, v25;
	v2 =	vld [tilespmem:$0x1F9E0];
	_ =	sdelay $0x4  }
0x25d: {  	(v2sf) =	vpush v18, $0xF;
	v18 =	vadd.f32 v4, v2;
	v2 =	vld [tilespmem:$0x1FA00]  }
0x25e: {  	v4 =	vld [tilespmem:$0x1FA10];
	_ =	sdelay $0x4  }
0x25f: {  	v53 =	vadd.f32 v24, v60;
	v24 =	vadd.f32 v4, v2;
	v2 =	vld [tilespmem:$0x1FA20];
	_ =	sdelay $0x2  }
0x260: {  	v21 =	vadd.f32 v59, v58;
	_ =	sdelay $0x1  }
0x261: {  	v48 =	vadd.s32 v2, v48;
	v2 =	vadd.f32 v21, v5;
	_ =	sdelay $0x1  }
0x262: {  	[tilespmem:$0x1FD90] =	vst v2;
	v2 =	vld [tilespmem:s28+$0x4BF0];
	_ =	sdelay $0x4  }
0x263: {  	[tilespmem:$0x1FD80] =	vst v2;
	v2 =	vld [tilespmem:$0x1FA30];
	_ =	sdelay $0x4  }
0x264: {  	v48 =	vadd.s32 v2, v48;
	v2 =	vld [tilespmem:$0x1FA40];
	_ =	sdelay $0x3  }
0x265: {  	v4 =	vld [tilespmem:$0x1FA60]  }
0x266: {  	v48 =	vadd.s32 v2, v48;
	v2 =	vld [tilespmem:$0x1FA50];
	_ =	sdelay $0x4  }
0x267: {  	v25 =	vadd.f32 v24, v18;
	v18 =	vadd.f32 v4, v2;
	v2 =	vld [tilespmem:$0x1FA70]  }
0x268: {  	v4 =	vld [tilespmem:$0x1FA80];
	_ =	sdelay $0x4  }
0x269: {  	v5 =	vadd.f32 v53, v19;
	v19 =	vadd.f32 v4, v2;
	v2 =	vld [tilespmem:$0x1FA90];
	_ =	sdelay $0x3  }
0x26a: {  	v4 =	vld [tilespmem:$0x1FAB0]  }
0x26b: {  	v48 =	vadd.s32 v2, v48;
	v2 =	vld [tilespmem:$0x1FAA0];
	_ =	sdelay $0x4  }
0x26c: {  	v2 =	vadd.f32 v4, v2;
	v4 =	vld [tilespmem:$0x1FAC0];
	_ =	sdelay $0x2  }
0x26d: {  	v22 =	vld [tilespmem:s28+$0x7D70]  }
0x26e: {  	v6 =	vld [tilespmem:$0x1FAE0]  }
0x26f: {  	v48 =	vadd.s32 v4, v48;
	v4 =	vld [tilespmem:$0x1FAD0];
	_ =	sdelay $0x4  }
0x270: {  	[tilespmem:$0x1FC90] =	vst v22;
	v22 =	vadd.f32 v6, v4;
	v4 =	vld [tilespmem:$0x1FAF0]  }
0x271: {  	v6 =	vld [tilespmem:$0x1FB00];
	_ =	sdelay $0x4  }
0x272: {  	v56 =	vadd.s32 v4, v6;
	v4 =	vld [tilespmem:$0x1FB10]  }
0x273: {  	v6 =	vld [tilespmem:$0x1FB20];
	_ =	sdelay $0x4  }
0x274: {  	v62 =	vadd.f32 v19, v18;
	v18 =	vadd.f32 v6, v4;
	v4 =	vld [tilespmem:$0x1FB30]  }
0x275: {  	v6 =	vld [tilespmem:$0x1FB40];
	_ =	sdelay $0x2  }
0x276: {  	v7 =	vld [tilespmem:s28+$0x4870]  }
0x277: {  	v61 =	vld [tilespmem:s28+$0x48F0]  }
0x278: {  	v19 =	vadd.f32 v6, v4;
	v4 =	vld [tilespmem:$0x1FB50]  }
0x279: {  	v6 =	vld [tilespmem:$0x1FB60];
	_ =	sdelay $0x3  }
0x27a: {  	v61 =	vadd.s32 v7, v61;
	v7 =	vld [tilespmem:$0x1FB80]  }
0x27b: {  	v6 =	vadd.f32 v6, v4;
	v4 =	vld [tilespmem:$0x1FB70];
	_ =	sdelay $0x3  }
0x27c: {  	v8 =	vld [tilespmem:s28+$0x5070]  }
0x27d: {  	v7 =	vadd.f32 v7, v4;
	v4 =	vld [tilespmem:$0x1FB90];
	_ =	sdelay $0x4  }
0x27e: {  	v8 =	vadd.s32 v8, v4;
	v4 =	vld [tilespmem:$0x1FBA0];
	_ =	sdelay $0x4  }
0x27f: {  	v56 =	vadd.s32 v4, v56;
	v4 =	vld [tilespmem:$0x1FBB0];
	_ =	sdelay $0x1  }
0x280: {  	v2 =	vadd.f32 v22, v2;
	_ =	sdelay $0x1  }
0x281: {  	v57 =	vadd.f32 v19, v18;
	v18 =	vadd.f32 v2, v62;
	v2 =	vld [tilespmem:$0x1FBC0]  }
0x282: {  	v53 =	vadd.s32 v4, v61;
	v4 =	vld [tilespmem:$0x1FBD0];
	_ =	sdelay $0x4  }
0x283: {  	v61 =	vadd.f32 v4, v2;
	v2 =	vld [tilespmem:$0x1FBE0];
	_ =	sdelay $0x3  }
0x284: {  	v4 =	vld [tilespmem:$0x1FC00]  }
0x285: {  	v8 =	vadd.s32 v2, v8;
	v2 =	vld [tilespmem:$0x1FBF0];
	_ =	sdelay $0x2  }
0x286: {  	v6 =	vadd.f32 v7, v6;
	_ =	sdelay $0x1  }
0x287: {  	v9 =	vadd.f32 v6, v57;
	v57 =	vadd.f32 v4, v2;
	v2 =	vld [tilespmem:$0x1FC10];
	_ =	sdelay $0x3  }
0x288: {  	v4 =	vld [tilespmem:$0x1FC30]  }
0x289: {  	v56 =	vadd.s32 v2, v56;
	v2 =	vld [tilespmem:$0x1FC20];
	_ =	sdelay $0x4  }
0x28a: {  	v7 =	vadd.f32 v4, v2;
	v2 =	vld [tilespmem:$0x1FC40]  }
0x28b: {  	v4 =	vld [tilespmem:$0x1FC50]  }
0x28c: {  	v23 =	vadd.f32 v54, v23;
	_ =	sdelay $0x1  }
0x28d: {  	v23 =	vadd.f32 v25, v23;
	_ =	sdelay $0x1  }
0x28e: {  	v51 =	vadd.f32 v23, v5;
	v5 =	vadd.f32 v4, v2;
	v2 =	vld [tilespmem:$0x1FC60];
	_ =	sdelay $0x3  }
0x28f: {  	v4 =	vld [tilespmem:$0x1FC80]  }
0x290: {  	v60 =	vadd.s32 v2, v53;
	v2 =	vld [tilespmem:$0x1FC70];
	_ =	sdelay $0x3  }
0x291: {  	v20 =	vld [tilespmem:s28+$0x7DF0]  }
0x292: {  	v6 =	vadd.f32 v4, v2;
	v2 =	vld [tilespmem:$0x1FC90];
	_ =	sdelay $0x4  }
0x293: {  	v4 =	vadd.f32 v20, v2;
	v2 =	vld [tilespmem:$0x1FCA0];
	_ =	sdelay $0x3  }
0x294: {  	v53 =	vld [tilespmem:$0x1FCC0]  }
0x295: {  	v8 =	vadd.s32 v2, v8;
	v2 =	vld [tilespmem:$0x1FCB0];
	_ =	sdelay $0x2  }
0x296: {  	v50 =	vld [tilespmem:s28+$0x4470]  }
0x297: {  	v55 =	vld [tilespmem:s28+$0x7FF0]  }
0x298: {  	v2 =	vadd.f32 v53, v2;
	v53 =	vld [tilespmem:$0x1FCD0]  }
0x299: {  	v52 =	vld [tilespmem:s28+$0x4B70]  }
0x29a: {  	v59 =	vld [tilespmem:s28+$0x43F0]  }
0x29b: {  	v58 =	vld [tilespmem:s28+$0x53F0]  }
0x29c: {  	v49 =	vld [tilespmem:s28+$0x5470]  }
0x29d: {  	v55 =	vadd.f32 v55, v53;
	v53 =	vld [tilespmem:$0x1FCE0]  }
0x29e: {  	v63 =	vld [tilespmem:s28+$0x5570];
	v57 =	vadd.f32 v57, v61;
	v5 =	vadd.f32 v5, v7  }
0x29f: {  	v54 =	vld [tilespmem:s28+$0x4C70]  }
0x2a0: {  	v5 =	vadd.f32 v5, v57;
	v57 =	vld [tilespmem:$0x1FD20]  }
0x2a1: {  	v4 =	vadd.f32 v4, v6;
	v6 =	vadd.f32 v55, v2;
	v2 =	vld [tilespmem:$0x1FD00]  }
0x2a2: {  	v56 =	vadd.s32 v53, v56;
	v53 =	vld [tilespmem:$0x1FCF0]  }
0x2a3: {  	v55 =	vld [tilespmem:$0x1FD10]  }
0x2a4: {  	v24 =	vld [tilespmem:s28+$0x4CF0]  }
0x2a5: {  	v25 =	vld [tilespmem:s28+$0x44F0]  }
0x2a6: {  	v21 =	vld [tilespmem:s28+$0x45F0]  }
0x2a7: {  	v23 =	vld [tilespmem:s28+$0x54F0];
	v8 =	vadd.s32 v2, v8;
	v60 =	vadd.s32 v53, v60  }
0x2a8: {  	v2 =	vadd.f32 v9, v18;
	v18 =	vadd.s32 v55, v56;
	v55 =	vadd.s32 v57, v60;
	v60 =	vld [tilespmem:$0x1FD40]  }
0x2a9: {  	v22 =	vld [tilespmem:s28+$0x4570]  }
0x2aa: {  	v62 =	vld [tilespmem:s28+$0x4D70]  }
0x2ab: {  	v19 =	vld [tilespmem:s28+$0x55F0]  }
0x2ac: {  	v61 =	vld [tilespmem:s28+$0x4E70]  }
0x2ad: {  	v8 =	vadd.s32 v60, v8;
	v60 =	vld [tilespmem:$0x1FD60]  }
0x2ae: {  	v7 =	vld [tilespmem:s28+$0x4670]  }
0x2af: {  	v20 =	vld [tilespmem:s28+$0x4DF0]  }
0x2b0: {  	v56 =	vld [tilespmem:$0x1FD50]  }
0x2b1: {  	v4 =	vadd.f32 v6, v4;
	v6 =	vld [tilespmem:s28+$0x46F0]  }
0x2b2: {  	v8 =	vadd.s32 v60, v8;
	v60 =	vld [tilespmem:$0x1FD80]  }
0x2b3: {  	v9 =	vld [tilespmem:s28+$0x5670]  }
0x2b4: {  	v57 =	vld [tilespmem:$0x1FD30]  }
0x2b5: {  	v18 =	vadd.s32 v56, v18;
	v56 =	vld [tilespmem:s28+$0x4EF0]  }
0x2b6: {  	v52 =	vadd.s32 v52, v55;
	v55 =	vadd.f32 v4, v5;
	v4 =	vadd.s32 v59, v18;
	v59 =	vld [tilespmem:$0x1FD70]  }
0x2b7: {  	v5 =	vld [tilespmem:s28+$0x56F0];
	v18 =	vadd.s32 v60, v52  }
0x2b8: {  	v18 =	vadd.s32 v54, v18;
	v54 =	vld [tilespmem:$0x1FD90]  }
0x2b9: {  	v4 =	vadd.s32 v50, v4;
	v50 =	vld [tilespmem:s28+$0x4770];
	(xrf0) =	vadd.scan.msk.s32 $0xffff, v57  }
0x2ba: {  	v4 =	vadd.s32 v25, v4;
	v25 =	vld [tilespmem:s28+$0x4F70];
	v8 =	vadd.s32 v58, v8  }
0x2bb: {  	(xrf0) =	vadd.scan.msk.s32 $0xffff, v59;
	v8 =	vadd.s32 v49, v8;
	v49 =	vld [tilespmem:s28+$0x5770];
	v18 =	vadd.s32 v24, v18  }
0x2bc: {  	v4 =	vadd.s32 v22, v4;
	(xrf0) =	vadd.scan.msk.s32 $0xffff, v48;
	v8 =	vadd.s32 v23, v8;
	v18 =	vadd.s32 v62, v18;
	v62 =	vld [tilespmem:s28+$0x4FF0]  }
0x2bd: {  	v4 =	vadd.s32 v21, v4;
	v58 =	vld [tilespmem:s28+$0x47F0];
	v8 =	vadd.s32 v63, v8;
	v18 =	vadd.s32 v20, v18;
	(xrf2) =	vadd.scan.msk.f32 $0xffff, v54  }
0x2be: {  	v4 =	vadd.s32 v7, v4;
	v8 =	vadd.s32 v19, v8;
	v18 =	vadd.s32 v61, v18;
	(xrf2) =	vadd.scan.msk.f32 $0xffff, v51  }
0x2bf: {  	v4 =	vadd.s32 v6, v4;
	v52, _, _ =	vpop (xrf0);
	v8 =	vadd.s32 v9, v8;
	v9 =	vadd.s32 v56, v18;
	(xrf2) =	vadd.scan.msk.f32 $0xffff, v2  }
0x2c0: {  	v63 =	vld [tilespmem:s28+$0x57F0];
	v60 =	vbroadcast v52, $0xF;
	v5 =	vadd.s32 v5, v8;
	v8 =	vadd.s32 v25, v9;
	(xrf2) =	vadd.scan.msk.f32 $0xffff, v55  }
0x2c1: {  	v4 =	vadd.s32 v50, v4;
	v9 =	vadd.s32 v49, v5;
	v5 =	vadd.s32 v62, v8;
	v8 =	vld [tilespmem:$0x1FDA0]  }
0x2c2: {  	(v2sf) =	vpush v52, $0xF;
	v18 =	vadd.s32 v58, v4;
	v4 =	vsub.s32 v60, v52;
	v52 =	vld [tilespmem:$0x1FDB0]  }
0x2c3: {  	v7, _, _ =	vpop (xrf0)  }
0x2c4: {  	v6 =	vbroadcast v7, $0xF  }
0x2c5: {  	(v2sf) =	vpush v7, $0xF;
	(xrf0) =	vadd.scan.msk.s32 $0xffff, v18  }
0x2c6: {  	v6 =	vsub.s32 v6, v7;
	v7, _, _ =	vpop (xrf0);
	v9 =	vadd.s32 v63, v9;
	(xrf0) =	vadd.scan.msk.s32 $0xffff, v5;
	v8 =	vadd.s32 s20, v8  }
0x2c7: {  	(v2sf) =	vpush v7, $0xF;
	v19 =	vadd.s32 s25, v4;
	(xrf0) =	vadd.scan.msk.s32 $0xffff, v9;
	v4 =	vadd.s32 v52, v8;
	v20, _, _ =	vpop (xrf2)  }
0x2c8: {  	(v2sf) =	vpush v20, $0xF;
	v22, _, _ =	vpop (xrf2)  }
0x2c9: {  	(v2sf) =	vpush v22, $0xF;
	v24, _, _ =	vpop (xrf2)  }
0x2ca: {  	vm0 =	vgt.s32 v4, $0x198;
	(v2sf) =	vpush v24, $0xF;
	v4, _, _ =	vpop (xrf2)  }
0x2cb: {  	v58, _, _ =	vpop (xrf0);
	(v2sf) =	vpush v4, $0xF  }
0x2cc: {  	v61, _, _ =	vpop (xrf0);
	(v2sf) =	vpush v58, $0xF  }
0x2cd: {  	v63, _, _ =	vpop (xrf0);
	(v2sf) =	vpush v61, $0xF  }
0x2ce: {  	(v2sf) =	vpush v63, $0xF  }
0x2cf: {  	v50 =	vbroadcast v7, $0xF;
	_ =	sdelay $0x1  }
0x2d0: {  	v7 =	vsub.s32 v50, v7  }
0x2d1: {  	v6 =	vadd.s32 s24, v6;
	v7 =	vadd.s32 s26, v7;
	s26 =	spop (v2sf)  }
0x2d2: {  	v53 =	vmovc v48;
	v49 =	vadd.s32 v57, v19;
	vm3 =	vlt.s32 v19, $0x199;
	v48 =	vadd.s32 v48, v7;
	s31 =	spop (v2sf)  }
0x2d3: {  	vm11 =	vgt.s32 v49, $0x198;
	vm10 =	vgt.s32 v48, $0x198;
	v48 =	vbroadcast v61, $0xF;
	s29 =	spop (v2sf)  }
0x2d4: {  	v56 =	vadd.s32 v59, v6;
	vm3 =	vmand vm3, vm11;
	s20 =	sadd.s32 s20, s31;
	s30 =	spop (v2sf)  }
0x2d5: {  	vm14 =	vgt.s32 v56, $0x198;
	v19 =	vnsel vm3, $0x0, v19;
	s31 =	sadd.s32 s25, s29;
	v23 =	vsub.s32 v48, v61;
	s29 =	sadd.s32 s24, s30;
	s30 =	spop (v2sf)  }
0x2d6: {  	v46 =	vnsel vm3, $0x0, v46;
	v62 =	vbroadcast v58, $0xF;
	v23 =	vadd.s32 s31, v23;
	s31 =	spop (v2sf)  }
0x2d7: {  	v43 =	vnsel vm3, $0x0, v43;
	vm15 =	vlt.s32 v8, $0x199;
	v49 =	vbroadcast v63, $0xF;
	s24 =	spop (v2sf)  }
0x2d8: {  	v19 =	vadd.s32 v38, v19;
	v21 =	vsub.s32 v62, v58;
	vm0 =	vmand vm15, vm0;
	s25 =	spop (v2sf)  }
0x2d9: {  	vm15 =	vlt.s32 v6, $0x199;
	v62 =	vnsel vm3, $0x0, v57;
	v25 =	vsub.s32 v49, v63;
	s28 =	spop (v2sf)  }
0x2da: {  	vm3 =	vlt.s32 v7, $0x199;
	v60 =	vbroadcast v20, $0xF;
	v25 =	vadd.s32 s29, v25;
	s29 =	spop (v2sf)  }
0x2db: {  	v8 =	vnsel vm0, $0x0, v8;
	vm11 =	vmand vm15, vm14;
	v21 =	vadd.s32 s20, v21;
	s30 =	spop (v2sf)  }
0x2dc: {  	v45 =	vnsel vm0, $0x0, v45;
	v32 =	vnsel vm0, $0x0, v32;
	vm14 =	vmand vm3, vm10;
	s31 =	spop (v2sf)  }
0x2dd: {  	v56 =	vadd.s32 v18, v21;
	v6 =	vnsel vm11, $0x0, v6;
	v47 =	vnsel vm11, $0x0, v47;
	_ =	swait.ge [sflag:s14], $0x80  }
0x2de: {  	v44 =	vnsel vm11, $0x0, v44;
	vm3 =	vlt.s32 v21, $0x199;
	v8 =	vadd.s32 v30, v8;
	v49 =	vld [tilespmem:$0x1FDD0]  }
0x2df: {  	v31 =	vadd.f32 v45, v31;
	vm15 =	vgt.s32 v56, $0x198;
	v61 =	vnsel vm0, $0x0, v52;
	v52 =	vld [tilespmem:$0x1FDC0]  }
0x2e0: {  	v32 =	vadd.f32 v32, v37;
	v20 =	vsub.f32 v60, v20;
	vm3 =	vmand vm3, vm15  }
0x2e1: {  	vm10 =	vlt.s32 v23, $0x199;
	v58 =	vadd.s32 v5, v23;
	v21 =	vnsel vm3, $0x0, v21  }
0x2e2: {  	v60 =	vadd.s32 v9, v25;
	vm4 =	vgt.s32 v58, $0x198;
	v8 =	vadd.s32 v8, v21  }
0x2e3: {  	v18 =	vnsel vm3, $0x0, v18;
	vm0 =	vgt.s32 v60, $0x198;
	vm10 =	vmand vm10, vm4;
	(xrf0) =	vadd.scan.msk.s32 $0xffff, v8  }
0x2e4: {  	v45 =	vadd.s32 v33, v61;
	v8 =	vadd.f32 v46, v34;
	v34 =	vsub.f32 v49, v52  }
0x2e5: {  	v18 =	vadd.s32 v45, v18;
	v23 =	vnsel vm10, $0x0, v23;
	v60 =	vld [tilespmem:$0x1FDF0];
	v16 =	vadd.f32 v49, v16  }
0x2e6: {  	v20 =	vadd.f32 s23, v20;
	v19 =	vadd.s32 v19, v23;
	(xrf0) =	vadd.scan.msk.s32 $0xffff, v18;
	v34 =	vmul.f32 v34, v34  }
0x2e7: {  	v56 =	vbroadcast v22, $0xF;
	v5 =	vnsel vm10, $0x0, v5;
	v46 =	vadd.s32 v42, v62;
	(xrf0) =	vadd.scan.msk.s32 $0xffff, v19  }
0x2e8: {  	v20 =	vnsel vm3, $0x0, v20;
	v5 =	vadd.s32 v46, v5;
	(xrf2) =	vadd.scan.msk.f32 $0xffff, v16;
	v17 =	vadd.f32 v34, v17  }
0x2e9: {  	v30 =	vnsel vm3, $0x0, v54;
	v22 =	vsub.f32 v56, v22;
	v20 =	vadd.f32 v20, v31;
	v61 =	vld [tilespmem:$0x1FDE0];
	v16, _, _ =	vpop (xrf0);
	(xrf0) =	vadd.scan.msk.s32 $0xffff, v5  }
0x2ea: {  	v63 =	vnsel vm11, $0x0, v59;
	v59 =	vadd.f32 v30, v32;
	v14 =	vadd.f32 v60, v14;
	(xrf2) =	vadd.scan.msk.f32 $0xffff, v17  }
0x2eb: {  	vm11 =	vlt.s32 v25, $0x199;
	(v2sf) =	vpush v16, $0xF;
	v16 =	vadd.f32 s22, v22;
	(xrf2) =	vadd.scan.msk.f32 $0xffff, v20  }
0x2ec: {  	v6 =	vadd.s32 v40, v6;
	v57 =	vbroadcast v24, $0xF;
	vm15 =	vmand vm11, vm0;
	(xrf2) =	vadd.scan.msk.f32 $0xffff, v59  }
0x2ed: {  	v35 =	vadd.s32 v35, v63;
	v63 =	vld [tilespmem:$0x1FE10];
	v5 =	vbroadcast v4, $0xF;
	(xrf2) =	vadd.scan.msk.f32 $0xffff, v14;
	v14 =	vnsel vm10, $0x0, v16  }
0x2ee: {  	v58 =	vnsel vm15, $0x0, v25;
	v20 =	vsub.f32 v60, v61;
	v8 =	vadd.f32 v14, v8;
	v14 =	vld [tilespmem:$0x1FE00]  }
0x2ef: {  	v9 =	vnsel vm15, $0x0, v9;
	v6 =	vadd.s32 v6, v58;
	v4 =	vsub.f32 v5, v4;
	v17, _, _ =	vpop (xrf0)  }
0x2f0: {  	(v2sf) =	vpush v17, $0xF;
	v17 =	vsub.f32 v57, v24;
	v5 =	vmul.f32 v20, v20  }
0x2f1: {  	v7 =	vnsel vm14, $0x0, v7;
	v9 =	vadd.s32 v35, v9;
	(xrf0) =	vadd.scan.msk.s32 $0xffff, v6  }
0x2f2: {  	v7 =	vadd.s32 v29, v7;
	(xrf0) =	vadd.scan.msk.s32 $0xffff, v9;
	v17 =	vadd.f32 s21, v17;
	v5 =	vadd.f32 v5, v15  }
0x2f3: {  	v62, _, _ =	vpop (xrf0);
	(xrf0) =	vadd.scan.msk.s32 $0xffff, v7;
	v14 =	vsub.f32 v63, v14  }
0x2f4: {  	v48 =	vadd.f32 v43, v39;
	v53 =	vnsel vm14, $0x0, v53;
	(xrf2) =	vadd.scan.msk.f32 $0xffff, v5;
	v5 =	vnsel vm15, $0x0, v17;
	v17 =	vld [tilespmem:$0x1FE30]  }
0x2f5: {  	[sflag:s14] =	ssyncset.done $0x0;
	v9 =	vadd.s32 v27, v53;
	v7 =	vnsel vm10, $0x0, v51;
	(xrf2) =	vadd.scan.msk.f32 $0xffff, v8;
	v8 =	vld [tilespmem:$0x1FE20];
	v14 =	vmul.f32 v14, v14  }
0x2f6: {  	s20 =	sshrl.u32 s4, $0x2;
	[sflag:s14] =	ssyncadd.s32 $0xFFFFFF80;
	(v2sf) =	vpush v62, $0xF;
	v16, _, _ =	vpop (xrf0);
	v7 =	vadd.f32 v7, v48  }
0x2f7: {  	v12 =	vadd.f32 v63, v12;
	v15 =	vld [tilespmem:s20+$0x8000];
	(xrf0) =	vadd.scan.msk.s32 $0xffff, v9;
	(v2sf) =	vpush v16, $0xF;
	v16, _, _ =	vpop (xrf2)  }
0x2f8: {  	v9, _, _ =	vpop (xrf0);
	(xrf2) =	vadd.scan.msk.f32 $0xffff, v7  }
0x2f9: {  	(v2sf) =	vpush v9, $0xF;
	v9 =	vadd.f32 v14, v13;
	v14, _, _ =	vpop (xrf2);
	(xrf2) =	vadd.scan.msk.f32 $0xffff, v12;
	v12 =	vld [tilespmem:$0x1FFB0]  }
0x2fa: {  	v54 =	vadd.f32 v47, v41;
	v8 =	vsub.f32 v17, v8  }
0x2fb: {  	v36 =	vadd.f32 v44, v36;
	vm3 =	vmor vm7, vm8;
	vm0 =	vmmov $0x1  }
0x2fc: {  	s19 =	sadd.f32 s26, s19;
	v2 =	vnsel vm15, $0x0, v2;
	v5 =	vadd.f32 v5, v54;
	v7, _, _ =	vpop (xrf0);
	v13 =	vcvt.s32.f32 v15  }
0x2fd: {  	v2 =	vadd.f32 v2, v36;
	(v2sf) =	vpush v7, $0xF;
	v7 =	vmul.f32 v8, v8  }
0x2fe: {  	v4 =	vadd.f32 s19, v4;
	s21 =	spop (v2sf);
	v8, _, _ =	vpop (xrf0);
	v12 =	vperm.xlane v13, v12;
	v13 =	vbroadcast v16, $0xF  }
0x2ff: {  	s19 =	scvt.s32.f32 s21;
	(xrf2) =	vadd.scan.msk.f32 $0xffff, v9;
	v9 =	vbroadcast v14, $0xF;
	v7 =	vadd.f32 v7, v11;
	(v2sf) =	vpush v8, $0xF;
	v8, _, _ =	vpop (xrf0)  }
0x300: {  	(xrf2) =	vadd.scan.msk.f32 $0xffff, v5;
	v5, _, _ =	vpop (xrf2);
	(v2sf) =	vpush v8, $0xF;
	v8 =	vadd.f32 v17, v10;
	v10 =	vsel vm0, v13, v12  }
0x301: {  	v11, _, _ =	vpop (xrf2);
	vm0 =	vcmask $0x300;
	v9 =	vsel vm6, v10, v9;
	v10 =	vmov s19  }
0x302: {  	s22 =	spop (v2sf);
	(xrf2) =	vadd.scan.msk.f32 $0xffff, v2;
	v2 =	vbroadcast v5, $0xF;
	v5 =	vnsel vm0, $0x0, v10;
	v10 =	vbroadcast v11, $0xF;
	v11, _, _ =	vpop (xrf2)  }
0x303: {  	v6 =	vnsel vm14, $0x0, v55;
	v4 =	vnsel vm14, $0x0, v4;
	s20 =	scvt.s32.f32 s22;
	(xrf2) =	vadd.scan.msk.f32 $0xffff, v8;
	v8 =	vbroadcast v11, $0xF  }
0x304: {  	v6 =	vadd.f32 v6, v28;
	v4 =	vadd.f32 v4, v26;
	v15 =	vlaneseq.u32  }
0x305: {  	vm4 =	veq.s32 v15, $0x1;
	s23 =	spop (v2sf);
	vm0 =	vmor vm6, vm1;
	v5 =	vsel vm1, s20, v5;
	v11, _, _ =	vpop (xrf2)  }
0x306: {  	s19 =	scvt.s32.f32 s23;
	(xrf2) =	vadd.scan.msk.f32 $0xffff, v7;
	v2 =	vsel vm0, v9, v2;
	vm0 =	vmor vm0, vm2;
	v5 =	vsel vm2, v10, v5;
	v7, _, _ =	vpop (xrf2)  }
0x307: {  	(xrf2) =	vadd.scan.msk.f32 $0xffff, v4;
	v4 =	vbroadcast v11, $0xF;
	v2 =	vsel vm0, v2, v8;
	vm0 =	vmor vm7, vm1;
	v8, _, _ =	vpop (xrf2)  }
0x308: {  	s24 =	spop (v2sf);
	(xrf2) =	vadd.scan.msk.f32 $0xffff, v6;
	v7 =	vbroadcast v7, $0xF;
	v5 =	vsel vm4, s19, v5;
	vm0 =	vmor vm0, vm2;
	v6, _, _ =	vpop (xrf2)  }
0x309: {  	s25 =	scvt.s32.f32 s24;
	v2 =	vsel vm0, v2, v4;
	vm0 =	vmor vm3, vm2;
	v4 =	vbroadcast v6, $0xF  }
0x30a: {  	v2 =	vsel vm0, v2, v7;
	vm0 =	vmor vm3, vm9;
	vm3 =	veq.s32 v15, $0x5  }
0x30b: {  	v6, _, _ =	vpop (xrf2);
	v5 =	vsel vm3, s25, v5;
	v2 =	vsel vm0, v2, v4;
	vm0 =	vcmask $0xB30  }
0x30c: {  	v7, _, _ =	vpop (xrf2);
	v4 =	vbroadcast v6, $0xF;
	v6 =	vbroadcast v8, $0xF;
	vm0 =	vmor vm0, vm8  }
0x30d: {  	s26 =	spop (v2sf);
	vm3 =	vcmask $0x2724;
	v7 =	vbroadcast v7, $0xF;
	vm0 =	vmor vm0, vm9  }
0x30e: {  	s28 =	scvt.s32.f32 s26;
	s29 =	spop (v2sf);
	v5 =	vsel vm3, v6, v5;
	v2 =	vsel vm0, v2, v4;
	vm0 =	vmor vm12, vm9  }
0x30f: {  	s20 =	scvt.s32.f32 s29;
	v8, _, _ =	vpop (xrf2);
	vm3 =	vcmask $0x2B28;
	v2 =	vsel vm0, v2, v7;
	vm0 =	veq.s32 v15, $0x2  }
0x310: {  	v4, _, _ =	vpop (xrf2);
	v7 =	vbroadcast v8, $0xF;
	v5 =	vsel vm0, s28, v5;
	vm0 =	veq.s32 v15, $0x6  }
0x311: {  	s30 =	spop (v2sf);
	v6, _, _ =	vpop (xrf2);
	v4 =	vbroadcast v4, $0xF;
	v5 =	vsel vm0, s20, v5;
	vm0 =	vcmask $0x2B20  }
0x312: {  	s19 =	scvt.s32.f32 s30;
	s31 =	spop (v2sf);
	v8, _, _ =	vpop (xrf2);
	v6 =	vbroadcast v6, $0xF;
	vm0 =	vmor vm12, vm0;
	v5 =	vsel vm3, v7, v5  }
0x313: {  	s20 =	scvt.s32.f32 s31;
	v2 =	vsel vm0, v2, v4;
	v4 =	vbroadcast v8, $0xF;
	vm0 =	veq.s32 v15, $0x3  }
0x314: {  	v7, _, _ =	vpop (xrf2);
	v2 =	vsel vm13, v2, v6;
	v5 =	vsel vm0, s19, v5;
	vm0 =	veq.s32 v15, $0x7  }
0x315: {  	v6 =	vbroadcast v7, $0xF;
	v5 =	vsel vm0, s20, v5;
	vm0 =	vcmask $0x2B30  }
0x316: {  	v2 =	vsel vm0, v2, v4  }
0x317: {  	v4 =	vsel vm5, v6, v5;
	[tilespmem:$0x8100] =	vst v2  }
0x318: {  	[tilespmem:$0x8180] =	vst v4  }
0x319: {  	[hbm4b:s6+s3] =	stream.linear.scatter [tilespmem:s15], [sflag:$0x3], $0x80, $0x38;
	[tilespmem:$0x8200] =	vst v63  }
0x31a: {  	_ =	swait.ge [sflag:s16], $0x80  }
0x31b: {  	s18 =	sadd.s32 $0x1, s18;
	[sflag:s16] =	ssyncset.done $0x0  }
0x31c: {  	p0 =	sne.s32 s18, s8;
	[sflag:s16] =	ssyncadd.s32 $0xFFFFFF80  }
0x31d: {  	[hbm4b:s7+s3] =	stream.linear.scatter [tilespmem:s17], [sflag:$0x3], $0x80, $0x38;
	[tilespmem:$0x8200] =	vst v63  }
.Ltmp3:
0x31e: {  	_ =	swait.ge [sflag:s16], $0x80;
	(pc) =	sbr.rel @p0 .LBB2_1-.Ltmp3, $4  }
0x31f: {  	v2 =	vld [tilespmem:$0x1FFC0]  }
0x320: {  	v7 =	vld [tilespmem:$0x1FFD0]  }
0x321: {  	[sflag:s16] =	ssyncset.done $0x0;
	v31 =	vld [tilespmem:$0x1FFE0]  }
0x322: {  	v8 =	vld [tilespmem:$0x1FFF0];
	[sflag:s16] =	ssyncadd.s32 $0xFFFFFF80  }
0x323: {  	_ =	sfence.sel $0x180000  }
0x324: {  	[bflag:$0x0] =	sbarrier.arrive $0xFFFF  }
0x325: {  	p0 =	sne.s32 s2, $0x0;
	_ =	strace $0x90000047  }
0x326: {  	s0 =	sadd.s32 @!p0 $0x100000, s1;
	[bflag:$0x2] =	sbarrier.arrive $0xFFFF  }
0x327: {  	[sflag:s0] =	ssyncadd.tile.s32 @!p0 $0x1;
	_ =	shalt  }
.Lfunc_end2:
_tile_overlayer_lowered:
.L_overlay_start_2:
0x328: {  	(tag) =	ssettag $0x2  }
0x329: {  	s0 =	rddreg [dreg:$0x0];
	s2 =	stileid.u32  }
0x32a: {  	s1 =	rddreg [dreg:$0x1];
	p0 =	sne.s32 s2, $0x0  }
0x32b: {  	s3 =	rddreg [dreg:$0x2];
	[bflag:$0x3] =	sbarrier.arrive $0xFFFF;
	s2 =	simm.s32 @!p0 $0x1C03  }
0x32c: {  	[timem:s3], [sflag:s2] =	dma.local @!p0 [hbm:s0], s1  }
0x32d: {  	s0 =	simm.s32 @!p0 $0x3  }
0x32e: {  	_ =	swait.ge @!p0 [sflag:s0], s1  }
0x32f: {  	s1 =	ssub.s32 @!p0 $0x0, s1;
	[sflag:s0] =	ssyncset.done @!p0 $0x0  }
0x330: {  	[sflag:s0] =	ssyncadd.s32 @!p0 s1  }
0x331: {  	[bflag:$0x3] =	sbarrier.arrive $0xFFFF  }
0x332: {  	_ =	shalt  }

</sc_bundles>
